<compile_context>
chip_gen: v7x
topology: tpu7x:2x2x1
jax: 0.10.2.dev20260603
libtpu: 0.0.44.dev20260713+nightly
codegen_flags: <defaults>
</compile_context>

<pallas_src>
import functools

import jax
import jax.numpy as jnp
from jax import lax
from jax.experimental import pallas as pl
from jax.experimental.pallas import tpu as pltpu
from jax.experimental.pallas import tpu_sc as plsc

BN = 2048
CHUNK = 1024
IDXW = 128
NSUB = 32


def _node_body(nf_ref, pos_ref, ids_ref, w1_ref, wp_ref, w2_ref, b1_ref, b2_ref,
               eacc_ref, f_ref):
    i = pl.program_id(0)
    nf = nf_ref[...]
    p = pos_ref[...]
    ids = ids_ref[0]
    w1 = w1_ref[...]
    wp = wp_ref[...]
    w2 = w2_ref[...]
    b1 = b1_ref[...]
    b2 = b2_ref[0, 0]

    wpw1 = jax.lax.dot_general(wp, w1, (((1,), (0,)), ((), ())),
                               preferred_element_type=jnp.float32)
    z = (jax.lax.dot_general(nf, w1, (((1,), (0,)), ((), ())),
                             preferred_element_type=jnp.float32)
         + jax.lax.dot_general(p, wpw1, (((1,), (0,)), ((), ())),
                               preferred_element_type=jnp.float32)
         + b1)
    sg = 1.0 / (1.0 + jnp.exp(-z))
    h = z * sg
    node_e = jnp.sum(h * w2, axis=1, keepdims=True) + b2

    valid = ids >= 0
    node_e = jnp.where(valid, node_e, 0.0)
    vals = jnp.concatenate([node_e, valid.astype(jnp.float32)], axis=1)

    g = eacc_ref.shape[0]
    onehot = (ids == jax.lax.broadcasted_iota(jnp.int32, (nf.shape[0], g), 1)
              ).astype(jnp.float32)
    contrib = jax.lax.dot_general(onehot, vals, (((0,), (0,)), ((), ())),
                                  preferred_element_type=jnp.float32)

    @pl.when(i == 0)
    def _():
        eacc_ref[...] = jnp.zeros_like(eacc_ref)

    eacc_ref[...] += contrib

    dsilu = sg * (1.0 + z * (1.0 - sg))
    g2 = dsilu * w2
    f_ref[...] = jax.lax.dot_general(wpw1, g2, (((1,), (1,)), ((), ())),
                                     preferred_element_type=jnp.float32)


def _node_call(nf, pos, ids3, w1, wp, w2r, b1r, b2r, g):
    n, d = nf.shape
    nb = ids3.shape[0]
    npad = nb * BN
    h = w1.shape[1]
    return pl.pallas_call(
        _node_body,
        grid=(nb,),
        in_specs=[
            pl.BlockSpec((BN, d), lambda i: (i, 0)),
            pl.BlockSpec((BN, 3), lambda i: (i, 0)),
            pl.BlockSpec((1, BN, 1), lambda i: (i, 0, 0)),
            pl.BlockSpec((d, h), lambda i: (0, 0)),
            pl.BlockSpec((3, d), lambda i: (0, 0)),
            pl.BlockSpec((1, h), lambda i: (0, 0)),
            pl.BlockSpec((1, h), lambda i: (0, 0)),
            pl.BlockSpec((1, 1), lambda i: (0, 0)),
        ],
        out_specs=[
            pl.BlockSpec((g, 2), lambda i: (0, 0)),
            pl.BlockSpec((3, BN), lambda i: (0, i)),
        ],
        out_shape=[
            jax.ShapeDtypeStruct((g, 2), jnp.float32),
            jax.ShapeDtypeStruct((3, npad), jnp.float32),
        ],
    )(nf, pos, ids3, w1, wp, w2r, b1r, b2r)


def _make_edge_kernel(e, n, npad, g):
    nchunks = e // CHUNK
    chunks_per = -(-nchunks // NSUB)
    ndma = CHUNK // IDXW
    nvec = CHUNK // 16
    mesh = plsc.VectorSubcoreMesh(core_axis_name="c", subcore_axis_name="s")

    @functools.partial(
        pl.kernel,
        mesh=mesh,
        compiler_params=pltpu.CompilerParams(needs_layout_passes=False,
                                             use_tc_tiling_on_sc=False),
        out_type=jax.ShapeDtypeStruct((NSUB * 9 * g,), jnp.float32),
        scratch_types=[
            pltpu.VMEM((n,), jnp.int32),
            pltpu.VMEM((1, CHUNK), jnp.int32),
            pltpu.VMEM((ndma, IDXW), jnp.int32),
            pltpu.VMEM((2 * ndma, IDXW), jnp.int32),
            pltpu.VMEM((CHUNK, 3), jnp.float32),
            pltpu.VMEM((CHUNK,), jnp.float32),
            pltpu.VMEM((CHUNK,), jnp.float32),
            pltpu.VMEM((CHUNK,), jnp.float32),
            pltpu.VMEM((9 * g,), jnp.float32),
            pltpu.SemaphoreType.DMA,
        ],
    )
    def edge_kernel(ei_hbm, ea_hbm, f_hbm, batch_hbm, zero_hbm, out_hbm,
                    batch_v, row_v, col_v, idx2_v, a_v, f0_v, f1_v, f2_v,
                    acc_v, sem):
        cid0 = lax.axis_index("s") * 2 + lax.axis_index("c")
        pltpu.sync_copy(batch_hbm, batch_v)
        pltpu.sync_copy(zero_hbm, acc_v)
        iota = lax.iota(jnp.int32, 16)

        def chunk_body(ci, carry):
            cid = ci * NSUB + cid0

            @pl.when(cid < nchunks)
            def _():
                start = cid * CHUNK
                pltpu.sync_copy(ei_hbm.at[pl.ds(0, 1), pl.ds(start, CHUNK)],
                                row_v)
                for j in range(ndma):
                    pltpu.sync_copy(
                        ei_hbm.at[pl.ds(1, 1), pl.ds(start + j * IDXW, IDXW)],
                        col_v.at[pl.ds(j, 1)])
                pltpu.sync_copy(ea_hbm.at[pl.ds(start, CHUNK)], a_v)
                for j in range(ndma):
                    for l in range(IDXW // 16):
                        c16 = col_v[j, pl.ds(l * 16, 16)]
                        idx2_v[j, pl.ds(l * 16, 16)] = c16 + npad
                        idx2_v[ndma + j, pl.ds(l * 16, 16)] = c16 + 2 * npad
                copies = []
                for j in range(ndma):
                    copies.append(pltpu.async_copy(
                        f_hbm.at[col_v.at[j]],
                        f0_v.at[pl.ds(j * IDXW, IDXW)], sem))
                    copies.append(pltpu.async_copy(
                        f_hbm.at[idx2_v.at[j]],
                        f1_v.at[pl.ds(j * IDXW, IDXW)], sem))
                    copies.append(pltpu.async_copy(
                        f_hbm.at[idx2_v.at[ndma + j]],
                        f2_v.at[pl.ds(j * IDXW, IDXW)], sem))
                for c in copies:
                    c.wait()

                def vec_body(v, carry2):
                    base = v * 16
                    lane = iota + base
                    r16 = row_v[0, pl.ds(base, 16)]
                    gid = plsc.load_gather(batch_v, [r16])
                    a = [plsc.load_gather(a_v, [lane, jnp.full((16,), k, jnp.int32)])
                         for k in range(3)]
                    f = [f0_v[pl.ds(base, 16)], f1_v[pl.ds(base, 16)],
                         f2_v[pl.ds(base, 16)]]
                    for ii in range(3):
                        for jj in range(3):
                            plsc.addupdate_scatter(
                                acc_v, [gid + (3 * ii + jj) * g], a[ii] * f[jj])
                    return carry2

                lax.fori_loop(0, nvec, vec_body, 0)
            return carry

        lax.fori_loop(0, chunks_per, chunk_body, 0)
        pltpu.sync_copy(acc_v, out_hbm.at[pl.ds(cid0 * 9 * g, 9 * g)])

    return edge_kernel


def _combine_body(p_ref, c_ref, out_ref):
    s = jnp.sum(p_ref[...], axis=0)
    c = c_ref[...]
    det = (c[:, 0] * (c[:, 4] * c[:, 8] - c[:, 5] * c[:, 7])
           - c[:, 1] * (c[:, 3] * c[:, 8] - c[:, 5] * c[:, 6])
           + c[:, 2] * (c[:, 3] * c[:, 7] - c[:, 4] * c[:, 6]))
    vol = jnp.maximum(jnp.abs(det), 1e-10)
    out_ref[...] = s / vol[None, :]


def _combine_call(partials, cell9, g):
    return pl.pallas_call(
        _combine_body,
        grid=(1,),
        in_specs=[
            pl.BlockSpec((NSUB, 9, g), lambda i: (0, 0, 0)),
            pl.BlockSpec((g, 9), lambda i: (0, 0)),
        ],
        out_specs=pl.BlockSpec((9, g), lambda i: (0, 0)),
        out_shape=jax.ShapeDtypeStruct((9, g), jnp.float32),
    )(partials, cell9)


def kernel(node_feats, pos, edge_index, edge_attr, batch, cell, W1, b1, W2, b2, Wp):
    n, d = node_feats.shape
    e = edge_index.shape[1]
    g = cell.shape[0]
    h = W1.shape[1]

    nb = -(-n // BN)
    npad = nb * BN
    ids3 = jnp.pad(batch, (0, npad - n), constant_values=-1).reshape(nb, BN, 1)
    w2r = W2.reshape(1, h)
    b1r = b1.reshape(1, h)
    b2r = b2.reshape(1, 1)

    eacc, fpad = _node_call(node_feats, pos, ids3, W1, Wp, w2r, b1r, b2r, g)

    zero = jnp.zeros((9 * g,), jnp.float32)
    edge_kernel = _make_edge_kernel(e, n, npad, g)
    partials = edge_kernel(edge_index, edge_attr, fpad.reshape(-1), batch, zero)

    stress9 = _combine_call(partials.reshape(NSUB, 9, g), cell.reshape(g, 9), g)
    return eacc[:, 0], eacc[:, 1], stress9.T.reshape(g, 3, 3)

# --- scband reference (transcript-rebuilt; emitter-appended) ---
"""Pipeline reference for scband-stress-head-15848429322594 (READ-ONLY COPY).

The authoritative reference and input builder live on the scoring server;
editing this copy changes nothing except your own understanding.
"""

import jax, jax.numpy as jnp
import numpy as np

N = 100000
E = 3200000
D = 128
H = 64
G = 512


def setup_inputs(seed: int = 0) -> dict:
    key = jax.random.key(seed)
    ks = jax.random.split(key, 12)
    node_feats = jax.random.normal(ks[0], (N, D), dtype=jnp.float32)
    pos = jax.random.normal(ks[1], (N, 3), dtype=jnp.float32)
    edge_index = jax.random.randint(ks[2], (2, E), 0, N, dtype=jnp.int32)
    batch = jnp.sort(jax.random.randint(ks[3], (N,), 0, G, dtype=jnp.int32))
    edge_attr = jax.random.normal(ks[4], (E, 3), dtype=jnp.float32)
    cell = jax.random.normal(ks[5], (G, 3, 3), dtype=jnp.float32)
    W1 = jax.random.normal(ks[6], (D, H), dtype=jnp.float32) / np.sqrt(D)
    b1 = jnp.zeros((H,), dtype=jnp.float32)
    W2 = jax.random.normal(ks[7], (H, 1), dtype=jnp.float32) / np.sqrt(H)
    b2 = jnp.zeros((1,), dtype=jnp.float32)
    Wp = jax.random.normal(ks[8], (3, D), dtype=jnp.float32) / np.sqrt(3.0)
    return {"node_feats": node_feats, "pos": pos, "edge_index": edge_index,
            "edge_attr": edge_attr, "batch": batch, "cell": cell,
            "W1": W1, "b1": b1, "W2": W2, "b2": b2, "Wp": Wp}


def reference(node_feats, pos, edge_index, edge_attr, batch, cell, W1, b1, W2, b2, Wp):
    num_graphs = cell.shape[0]

    def energy_fn(p):
        # ScalarReadout MLP; pos coupling stands in for the pos-dependent backbone
        h = node_feats + p @ Wp
        h = jax.nn.silu(h @ W1 + b1)
        node_e = (h @ W2 + b2)[:, 0]
        return jax.ops.segment_sum(node_e, batch, num_segments=num_graphs)

    energy = energy_fn(pos)
    num_atoms = jax.ops.segment_sum(jnp.ones((node_feats.shape[0],), dtype=jnp.float32), batch, num_segments=num_graphs)
    # forces_neg = d(energy.sum())/d(pos)
    forces_neg = jax.grad(lambda p: energy_fn(p).sum())(pos)
    row = edge_index[0]
    col = edge_index[1]
    virial = jnp.einsum('ei,ej->eij', edge_attr, forces_neg[col])
    stress = jax.ops.segment_sum(virial.reshape(-1, 9), batch[row], num_segments=num_graphs).reshape(-1, 3, 3)
    cell_m = cell.reshape(-1, 3, 3)
    volumes = jnp.clip(jnp.abs(jnp.linalg.det(cell_m)), 1e-10, None)
    stress = stress / volumes[:, None, None]
    return (energy, num_atoms, stress)

if __name__ == "__main__":
    import jax
    _d = setup_inputs()
    print(jax.jit(kernel)(*tuple(_d.values())))

</pallas_src>

<mosaic_0001>
#map = affine_map<(d0, d1) -> (0, 0)>
#map1 = affine_map<(d0, d1) -> (0)>
module attributes {stable_mosaic.version = 14 : i64} {
  func.func @edge_kernel(%arg0: i32, %arg1: i32, %arg2: memref<2x3200000xi32, #tpu.memory_space<hbm>>, %arg3: memref<3200000x3xf32, #tpu.memory_space<hbm>>, %arg4: memref<301056xf32, #tpu.memory_space<hbm>>, %arg5: memref<100000xi32, #tpu.memory_space<hbm>>, %arg6: memref<4608xf32, #tpu.memory_space<hbm>>, %arg7: memref<147456xf32, #tpu.memory_space<hbm>>, %arg8: memref<100000xi32, #tpu.memory_space<vmem>>, %arg9: memref<1x1024xi32, #tpu.memory_space<vmem>>, %arg10: memref<8x128xi32, #tpu.memory_space<vmem>>, %arg11: memref<16x128xi32, #tpu.memory_space<vmem>>, %arg12: memref<1024x3xf32, #tpu.memory_space<vmem>>, %arg13: memref<1024xf32, #tpu.memory_space<vmem>>, %arg14: memref<1024xf32, #tpu.memory_space<vmem>>, %arg15: memref<1024xf32, #tpu.memory_space<vmem>>, %arg16: memref<4608xf32, #tpu.memory_space<vmem>>, %arg17: memref<!tpu.dma_semaphore, #tpu.memory_space<semaphore_mem>>) attributes {dimension_semantics = [#tpu.dimension_semantics<core_parallel>, #tpu.dimension_semantics<subcore_parallel>], iteration_bounds = array<i64: 2, 16>, scalar_prefetch = 0 : i64, scratch_operands = 10 : i64, tpu.core_type = #tpu.core_type<sc_vector_subcore>, window_params = [{transform_indices = #map}, {transform_indices = #map}, {transform_indices = #map1}, {transform_indices = #map1}, {transform_indices = #map1}, {transform_indices = #map1}]} {
    %mul3A = arith.constant 2 : i32
    %mul3A_0 = arith.muli %arg1, %mul3A : i32
    %add3A = arith.addi %mul3A_0, %arg0 : i32
    "tpu.region"() ({
      %run_scoped3A = tpu.sem_alloc : memref<!tpu.dma_semaphore, #tpu.memory_space<semaphore_mem>>
      tpu.enqueue_dma source(%arg5 : memref<100000xi32, #tpu.memory_space<hbm>>) target(%arg8 : memref<100000xi32, #tpu.memory_space<vmem>>) target_semaphore(%run_scoped3A : memref<!tpu.dma_semaphore, #tpu.memory_space<semaphore_mem>>)
      tpu.wait_dma2 semaphore(%run_scoped3A : memref<!tpu.dma_semaphore, #tpu.memory_space<semaphore_mem>>) src(%arg5 : memref<100000xi32, #tpu.memory_space<hbm>>) dst(%arg8 : memref<100000xi32, #tpu.memory_space<vmem>>)
      tpu.yield
    }) : () -> ()
    "tpu.region"() ({
      %run_scoped3A = tpu.sem_alloc : memref<!tpu.dma_semaphore, #tpu.memory_space<semaphore_mem>>
      tpu.enqueue_dma source(%arg6 : memref<4608xf32, #tpu.memory_space<hbm>>) target(%arg16 : memref<4608xf32, #tpu.memory_space<vmem>>) target_semaphore(%run_scoped3A : memref<!tpu.dma_semaphore, #tpu.memory_space<semaphore_mem>>)
      tpu.wait_dma2 semaphore(%run_scoped3A : memref<!tpu.dma_semaphore, #tpu.memory_space<semaphore_mem>>) src(%arg6 : memref<4608xf32, #tpu.memory_space<hbm>>) dst(%arg16 : memref<4608xf32, #tpu.memory_space<vmem>>)
      tpu.yield
    }) : () -> ()
    %iota3A = tpu.iota {dimensions = array<i32: 0>} : vector<16xi32>
    %scan3A = arith.constant 0 : i32
    %scan3A_1 = arith.constant 0 : i32
    %scan3A_2 = arith.constant 98 : i32
    %scan3A_3 = arith.addi %scan3A_1, %scan3A_2 : i32
    %scan3A_4 = arith.constant 1 : i32
    scf.for %scan3A_10 = %scan3A_1 to %scan3A_3 step %scan3A_4  : i32 {
      %mul3A_11 = arith.constant 32 : i32
      %mul3A_12 = arith.muli %scan3A_10, %mul3A_11 : i32
      %add3A_13 = arith.addi %mul3A_12, %add3A : i32
      %lt3A = arith.constant 3125 : i32
      %lt3A_14 = arith.cmpi slt, %add3A_13, %lt3A : i32
      %convert_element_type3A = arith.extui %lt3A_14 : i1 to i32
      %cond3A = arith.constant 0 : i32
      %cond3A_15 = arith.cmpi ne, %convert_element_type3A, %cond3A : i32
      scf.if %cond3A_15 {
        %mul3A_16 = arith.constant 1024 : i32
        %mul3A_17 = arith.muli %add3A_13, %mul3A_16 : i32
        "tpu.region"() ({
          %run_scoped3A = tpu.sem_alloc : memref<!tpu.dma_semaphore, #tpu.memory_space<semaphore_mem>>
          %dma_start3A_1572 = arith.constant 0 : i32
          %dma_start3A_1573 = tpu.memref_slice %arg2[%dma_start3A_1572, %mul3A_17] : memref<2x3200000xi32, #tpu.memory_space<hbm>> -> memref<1x1024xi32, #tpu.memory_space<hbm>>
          %dma_start3A_1574 = arith.constant 0 : i32
          %dma_start3A_1575 = tpu.memref_slice %arg2[%dma_start3A_1574, %mul3A_17] : memref<2x3200000xi32, #tpu.memory_space<hbm>> -> memref<1x1024xi32, #tpu.memory_space<hbm>>
          tpu.enqueue_dma source(%dma_start3A_1575 : memref<1x1024xi32, #tpu.memory_space<hbm>>) target(%arg9 : memref<1x1024xi32, #tpu.memory_space<vmem>>) target_semaphore(%run_scoped3A : memref<!tpu.dma_semaphore, #tpu.memory_space<semaphore_mem>>)
          %dma_wait3A_1576 = arith.constant 0 : i32
          %dma_wait3A_1577 = tpu.memref_slice %arg2[%dma_wait3A_1576, %mul3A_17] : memref<2x3200000xi32, #tpu.memory_space<hbm>> -> memref<1x1024xi32, #tpu.memory_space<hbm>>
          %dma_wait3A_1578 = arith.constant 0 : i32
          %dma_wait3A_1579 = tpu.memref_slice %arg2[%dma_wait3A_1578, %mul3A_17] : memref<2x3200000xi32, #tpu.memory_space<hbm>> -> memref<1x1024xi32, #tpu.memory_space<hbm>>
          tpu.wait_dma2 semaphore(%run_scoped3A : memref<!tpu.dma_semaphore, #tpu.memory_space<semaphore_mem>>) src(%dma_wait3A_1579 : memref<1x1024xi32, #tpu.memory_space<hbm>>) dst(%arg9 : memref<1x1024xi32, #tpu.memory_space<vmem>>)
          tpu.yield
        }) : () -> ()
        %add3A_18 = arith.constant 0 : i32
        %add3A_19 = arith.addi %mul3A_17, %add3A_18 : i32
        "tpu.region"() ({
          %run_scoped3A = tpu.sem_alloc : memref<!tpu.dma_semaphore, #tpu.memory_space<semaphore_mem>>
          %dma_start3A_1572 = arith.constant 0 : i32
          %dma_start3A_1573 = arith.constant 0 : i32
          %dma_start3A_1574 = tpu.memref_slice %arg10[%dma_start3A_1572, %dma_start3A_1573] : memref<8x128xi32, #tpu.memory_space<vmem>> -> memref<1x128xi32, #tpu.memory_space<vmem>>
          %dma_start3A_1575 = arith.constant 1 : i32
          %dma_start3A_1576 = tpu.memref_slice %arg2[%dma_start3A_1575, %add3A_19] : memref<2x3200000xi32, #tpu.memory_space<hbm>> -> memref<1x128xi32, #tpu.memory_space<hbm>>
          %dma_start3A_1577 = arith.constant 0 : i32
          %dma_start3A_1578 = arith.constant 0 : i32
          %dma_start3A_1579 = tpu.memref_slice %arg10[%dma_start3A_1577, %dma_start3A_1578] : memref<8x128xi32, #tpu.memory_space<vmem>> -> memref<1x128xi32, #tpu.memory_space<vmem>>
          %dma_start3A_1580 = arith.constant 1 : i32
          %dma_start3A_1581 = tpu.memref_slice %arg2[%dma_start3A_1580, %add3A_19] : memref<2x3200000xi32, #tpu.memory_space<hbm>> -> memref<1x128xi32, #tpu.memory_space<hbm>>
          tpu.enqueue_dma source(%dma_start3A_1581 : memref<1x128xi32, #tpu.memory_space<hbm>>) target(%dma_start3A_1579 : memref<1x128xi32, #tpu.memory_space<vmem>>) target_semaphore(%run_scoped3A : memref<!tpu.dma_semaphore, #tpu.memory_space<semaphore_mem>>)
          %dma_wait3A_1582 = arith.constant 0 : i32
          %dma_wait3A_1583 = arith.constant 0 : i32
          %dma_wait3A_1584 = tpu.memref_slice %arg10[%dma_wait3A_1582, %dma_wait3A_1583] : memref<8x128xi32, #tpu.memory_space<vmem>> -> memref<1x128xi32, #tpu.memory_space<vmem>>
          %dma_wait3A_1585 = arith.constant 1 : i32
          %dma_wait3A_1586 = tpu.memref_slice %arg2[%dma_wait3A_1585, %add3A_19] : memref<2x3200000xi32, #tpu.memory_space<hbm>> -> memref<1x128xi32, #tpu.memory_space<hbm>>
          %dma_wait3A_1587 = arith.constant 0 : i32
          %dma_wait3A_1588 = arith.constant 0 : i32
          %dma_wait3A_1589 = tpu.memref_slice %arg10[%dma_wait3A_1587, %dma_wait3A_1588] : memref<8x128xi32, #tpu.memory_space<vmem>> -> memref<1x128xi32, #tpu.memory_space<vmem>>
          %dma_wait3A_1590 = arith.constant 1 : i32
          %dma_wait3A_1591 = tpu.memref_slice %arg2[%dma_wait3A_1590, %add3A_19] : memref<2x3200000xi32, #tpu.memory_space<hbm>> -> memref<1x128xi32, #tpu.memory_space<hbm>>
          tpu.wait_dma2 semaphore(%run_scoped3A : memref<!tpu.dma_semaphore, #tpu.memory_space<semaphore_mem>>) src(%dma_wait3A_1591 : memref<1x128xi32, #tpu.memory_space<hbm>>) dst(%dma_wait3A_1589 : memref<1x128xi32, #tpu.memory_space<vmem>>)
          tpu.yield
        }) : () -> ()
        %add3A_20 = arith.constant 128 : i32
        %add3A_21 = arith.addi %mul3A_17, %add3A_20 : i32
        "tpu.region"() ({
          %run_scoped3A = tpu.sem_alloc : memref<!tpu.dma_semaphore, #tpu.memory_space<semaphore_mem>>
          %dma_start3A_1572 = arith.constant 1 : i32
          %dma_start3A_1573 = arith.constant 0 : i32
          %dma_start3A_1574 = tpu.memref_slice %arg10[%dma_start3A_1572, %dma_start3A_1573] : memref<8x128xi32, #tpu.memory_space<vmem>> -> memref<1x128xi32, #tpu.memory_space<vmem>>
          %dma_start3A_1575 = arith.constant 1 : i32
          %dma_start3A_1576 = tpu.memref_slice %arg2[%dma_start3A_1575, %add3A_21] : memref<2x3200000xi32, #tpu.memory_space<hbm>> -> memref<1x128xi32, #tpu.memory_space<hbm>>
          %dma_start3A_1577 = arith.constant 1 : i32
          %dma_start3A_1578 = arith.constant 0 : i32
          %dma_start3A_1579 = tpu.memref_slice %arg10[%dma_start3A_1577, %dma_start3A_1578] : memref<8x128xi32, #tpu.memory_space<vmem>> -> memref<1x128xi32, #tpu.memory_space<vmem>>
          %dma_start3A_1580 = arith.constant 1 : i32
          %dma_start3A_1581 = tpu.memref_slice %arg2[%dma_start3A_1580, %add3A_21] : memref<2x3200000xi32, #tpu.memory_space<hbm>> -> memref<1x128xi32, #tpu.memory_space<hbm>>
          tpu.enqueue_dma source(%dma_start3A_1581 : memref<1x128xi32, #tpu.memory_space<hbm>>) target(%dma_start3A_1579 : memref<1x128xi32, #tpu.memory_space<vmem>>) target_semaphore(%run_scoped3A : memref<!tpu.dma_semaphore, #tpu.memory_space<semaphore_mem>>)
          %dma_wait3A_1582 = arith.constant 1 : i32
          %dma_wait3A_1583 = arith.constant 0 : i32
          %dma_wait3A_1584 = tpu.memref_slice %arg10[%dma_wait3A_1582, %dma_wait3A_1583] : memref<8x128xi32, #tpu.memory_space<vmem>> -> memref<1x128xi32, #tpu.memory_space<vmem>>
          %dma_wait3A_1585 = arith.constant 1 : i32
          %dma_wait3A_1586 = tpu.memref_slice %arg2[%dma_wait3A_1585, %add3A_21] : memref<2x3200000xi32, #tpu.memory_space<hbm>> -> memref<1x128xi32, #tpu.memory_space<hbm>>
          %dma_wait3A_1587 = arith.constant 1 : i32
          %dma_wait3A_1588 = arith.constant 0 : i32
          %dma_wait3A_1589 = tpu.memref_slice %arg10[%dma_wait3A_1587, %dma_wait3A_1588] : memref<8x128xi32, #tpu.memory_space<vmem>> -> memref<1x128xi32, #tpu.memory_space<vmem>>
          %dma_wait3A_1590 = arith.constant 1 : i32
          %dma_wait3A_1591 = tpu.memref_slice %arg2[%dma_wait3A_1590, %add3A_21] : memref<2x3200000xi32, #tpu.memory_space<hbm>> -> memref<1x128xi32, #tpu.memory_space<hbm>>
          tpu.wait_dma2 semaphore(%run_scoped3A : memref<!tpu.dma_semaphore, #tpu.memory_space<semaphore_mem>>) src(%dma_wait3A_1591 : memref<1x128xi32, #tpu.memory_space<hbm>>) dst(%dma_wait3A_1589 : memref<1x128xi32, #tpu.memory_space<vmem>>)
          tpu.yield
        }) : () -> ()
        %add3A_22 = arith.constant 256 : i32
        %add3A_23 = arith.addi %mul3A_17, %add3A_22 : i32
        "tpu.region"() ({
          %run_scoped3A = tpu.sem_alloc : memref<!tpu.dma_semaphore, #tpu.memory_space<semaphore_mem>>
          %dma_start3A_1572 = arith.constant 2 : i32
          %dma_start3A_1573 = arith.constant 0 : i32
          %dma_start3A_1574 = tpu.memref_slice %arg10[%dma_start3A_1572, %dma_start3A_1573] : memref<8x128xi32, #tpu.memory_space<vmem>> -> memref<1x128xi32, #tpu.memory_space<vmem>>
          %dma_start3A_1575 = arith.constant 1 : i32
          %dma_start3A_1576 = tpu.memref_slice %arg2[%dma_start3A_1575, %add3A_23] : memref<2x3200000xi32, #tpu.memory_space<hbm>> -> memref<1x128xi32, #tpu.memory_space<hbm>>
          %dma_start3A_1577 = arith.constant 2 : i32
          %dma_start3A_1578 = arith.constant 0 : i32
          %dma_start3A_1579 = tpu.memref_slice %arg10[%dma_start3A_1577, %dma_start3A_1578] : memref<8x128xi32, #tpu.memory_space<vmem>> -> memref<1x128xi32, #tpu.memory_space<vmem>>
          %dma_start3A_1580 = arith.constant 1 : i32
          %dma_start3A_1581 = tpu.memref_slice %arg2[%dma_start3A_1580, %add3A_23] : memref<2x3200000xi32, #tpu.memory_space<hbm>> -> memref<1x128xi32, #tpu.memory_space<hbm>>
          tpu.enqueue_dma source(%dma_start3A_1581 : memref<1x128xi32, #tpu.memory_space<hbm>>) target(%dma_start3A_1579 : memref<1x128xi32, #tpu.memory_space<vmem>>) target_semaphore(%run_scoped3A : memref<!tpu.dma_semaphore, #tpu.memory_space<semaphore_mem>>)
          %dma_wait3A_1582 = arith.constant 2 : i32
          %dma_wait3A_1583 = arith.constant 0 : i32
          %dma_wait3A_1584 = tpu.memref_slice %arg10[%dma_wait3A_1582, %dma_wait3A_1583] : memref<8x128xi32, #tpu.memory_space<vmem>> -> memref<1x128xi32, #tpu.memory_space<vmem>>
          %dma_wait3A_1585 = arith.constant 1 : i32
          %dma_wait3A_1586 = tpu.memref_slice %arg2[%dma_wait3A_1585, %add3A_23] : memref<2x3200000xi32, #tpu.memory_space<hbm>> -> memref<1x128xi32, #tpu.memory_space<hbm>>
          %dma_wait3A_1587 = arith.constant 2 : i32
          %dma_wait3A_1588 = arith.constant 0 : i32
          %dma_wait3A_1589 = tpu.memref_slice %arg10[%dma_wait3A_1587, %dma_wait3A_1588] : memref<8x128xi32, #tpu.memory_space<vmem>> -> memref<1x128xi32, #tpu.memory_space<vmem>>
          %dma_wait3A_1590 = arith.constant 1 : i32
          %dma_wait3A_1591 = tpu.memref_slice %arg2[%dma_wait3A_1590, %add3A_23] : memref<2x3200000xi32, #tpu.memory_space<hbm>> -> memref<1x128xi32, #tpu.memory_space<hbm>>
          tpu.wait_dma2 semaphore(%run_scoped3A : memref<!tpu.dma_semaphore, #tpu.memory_space<semaphore_mem>>) src(%dma_wait3A_1591 : memref<1x128xi32, #tpu.memory_space<hbm>>) dst(%dma_wait3A_1589 : memref<1x128xi32, #tpu.memory_space<vmem>>)
          tpu.yield
        }) : () -> ()
        %add3A_24 = arith.constant 384 : i32
        %add3A_25 = arith.addi %mul3A_17, %add3A_24 : i32
        "tpu.region"() ({
          %run_scoped3A = tpu.sem_alloc : memref<!tpu.dma_semaphore, #tpu.memory_space<semaphore_mem>>
          %dma_start3A_1572 = arith.constant 3 : i32
          %dma_start3A_1573 = arith.constant 0 : i32
          %dma_start3A_1574 = tpu.memref_slice %arg10[%dma_start3A_1572, %dma_start3A_1573] : memref<8x128xi32, #tpu.memory_space<vmem>> -> memref<1x128xi32, #tpu.memory_space<vmem>>
          %dma_start3A_1575 = arith.constant 1 : i32
          %dma_start3A_1576 = tpu.memref_slice %arg2[%dma_start3A_1575, %add3A_25] : memref<2x3200000xi32, #tpu.memory_space<hbm>> -> memref<1x128xi32, #tpu.memory_space<hbm>>
          %dma_start3A_1577 = arith.constant 3 : i32
          %dma_start3A_1578 = arith.constant 0 : i32
          %dma_start3A_1579 = tpu.memref_slice %arg10[%dma_start3A_1577, %dma_start3A_1578] : memref<8x128xi32, #tpu.memory_space<vmem>> -> memref<1x128xi32, #tpu.memory_space<vmem>>
          %dma_start3A_1580 = arith.constant 1 : i32
          %dma_start3A_1581 = tpu.memref_slice %arg2[%dma_start3A_1580, %add3A_25] : memref<2x3200000xi32, #tpu.memory_space<hbm>> -> memref<1x128xi32, #tpu.memory_space<hbm>>
          tpu.enqueue_dma source(%dma_start3A_1581 : memref<1x128xi32, #tpu.memory_space<hbm>>) target(%dma_start3A_1579 : memref<1x128xi32, #tpu.memory_space<vmem>>) target_semaphore(%run_scoped3A : memref<!tpu.dma_semaphore, #tpu.memory_space<semaphore_mem>>)
          %dma_wait3A_1582 = arith.constant 3 : i32
          %dma_wait3A_1583 = arith.constant 0 : i32
          %dma_wait3A_1584 = tpu.memref_slice %arg10[%dma_wait3A_1582, %dma_wait3A_1583] : memref<8x128xi32, #tpu.memory_space<vmem>> -> memref<1x128xi32, #tpu.memory_space<vmem>>
          %dma_wait3A_1585 = arith.constant 1 : i32
          %dma_wait3A_1586 = tpu.memref_slice %arg2[%dma_wait3A_1585, %add3A_25] : memref<2x3200000xi32, #tpu.memory_space<hbm>> -> memref<1x128xi32, #tpu.memory_space<hbm>>
          %dma_wait3A_1587 = arith.constant 3 : i32
          %dma_wait3A_1588 = arith.constant 0 : i32
          %dma_wait3A_1589 = tpu.memref_slice %arg10[%dma_wait3A_1587, %dma_wait3A_1588] : memref<8x128xi32, #tpu.memory_space<vmem>> -> memref<1x128xi32, #tpu.memory_space<vmem>>
          %dma_wait3A_1590 = arith.constant 1 : i32
          %dma_wait3A_1591 = tpu.memref_slice %arg2[%dma_wait3A_1590, %add3A_25] : memref<2x3200000xi32, #tpu.memory_space<hbm>> -> memref<1x128xi32, #tpu.memory_space<hbm>>
          tpu.wait_dma2 semaphore(%run_scoped3A : memref<!tpu.dma_semaphore, #tpu.memory_space<semaphore_mem>>) src(%dma_wait3A_1591 : memref<1x128xi32, #tpu.memory_space<hbm>>) dst(%dma_wait3A_1589 : memref<1x128xi32, #tpu.memory_space<vmem>>)
          tpu.yield
        }) : () -> ()
        %add3A_26 = arith.constant 512 : i32
        %add3A_27 = arith.addi %mul3A_17, %add3A_26 : i32
        "tpu.region"() ({
          %run_scoped3A = tpu.sem_alloc : memref<!tpu.dma_semaphore, #tpu.memory_space<semaphore_mem>>
          %dma_start3A_1572 = arith.constant 4 : i32
          %dma_start3A_1573 = arith.constant 0 : i32
          %dma_start3A_1574 = tpu.memref_slice %arg10[%dma_start3A_1572, %dma_start3A_1573] : memref<8x128xi32, #tpu.memory_space<vmem>> -> memref<1x128xi32, #tpu.memory_space<vmem>>
          %dma_start3A_1575 = arith.constant 1 : i32
          %dma_start3A_1576 = tpu.memref_slice %arg2[%dma_start3A_1575, %add3A_27] : memref<2x3200000xi32, #tpu.memory_space<hbm>> -> memref<1x128xi32, #tpu.memory_space<hbm>>
          %dma_start3A_1577 = arith.constant 4 : i32
          %dma_start3A_1578 = arith.constant 0 : i32
          %dma_start3A_1579 = tpu.memref_slice %arg10[%dma_start3A_1577, %dma_start3A_1578] : memref<8x128xi32, #tpu.memory_space<vmem>> -> memref<1x128xi32, #tpu.memory_space<vmem>>
          %dma_start3A_1580 = arith.constant 1 : i32
          %dma_start3A_1581 = tpu.memref_slice %arg2[%dma_start3A_1580, %add3A_27] : memref<2x3200000xi32, #tpu.memory_space<hbm>> -> memref<1x128xi32, #tpu.memory_space<hbm>>
          tpu.enqueue_dma source(%dma_start3A_1581 : memref<1x128xi32, #tpu.memory_space<hbm>>) target(%dma_start3A_1579 : memref<1x128xi32, #tpu.memory_space<vmem>>) target_semaphore(%run_scoped3A : memref<!tpu.dma_semaphore, #tpu.memory_space<semaphore_mem>>)
          %dma_wait3A_1582 = arith.constant 4 : i32
          %dma_wait3A_1583 = arith.constant 0 : i32
          %dma_wait3A_1584 = tpu.memref_slice %arg10[%dma_wait3A_1582, %dma_wait3A_1583] : memref<8x128xi32, #tpu.memory_space<vmem>> -> memref<1x128xi32, #tpu.memory_space<vmem>>
          %dma_wait3A_1585 = arith.constant 1 : i32
          %dma_wait3A_1586 = tpu.memref_slice %arg2[%dma_wait3A_1585, %add3A_27] : memref<2x3200000xi32, #tpu.memory_space<hbm>> -> memref<1x128xi32, #tpu.memory_space<hbm>>
          %dma_wait3A_1587 = arith.constant 4 : i32
          %dma_wait3A_1588 = arith.constant 0 : i32
          %dma_wait3A_1589 = tpu.memref_slice %arg10[%dma_wait3A_1587, %dma_wait3A_1588] : memref<8x128xi32, #tpu.memory_space<vmem>> -> memref<1x128xi32, #tpu.memory_space<vmem>>
          %dma_wait3A_1590 = arith.constant 1 : i32
          %dma_wait3A_1591 = tpu.memref_slice %arg2[%dma_wait3A_1590, %add3A_27] : memref<2x3200000xi32, #tpu.memory_space<hbm>> -> memref<1x128xi32, #tpu.memory_space<hbm>>
          tpu.wait_dma2 semaphore(%run_scoped3A : memref<!tpu.dma_semaphore, #tpu.memory_space<semaphore_mem>>) src(%dma_wait3A_1591 : memref<1x128xi32, #tpu.memory_space<hbm>>) dst(%dma_wait3A_1589 : memref<1x128xi32, #tpu.memory_space<vmem>>)
          tpu.yield
        }) : () -> ()
        %add3A_28 = arith.constant 640 : i32
        %add3A_29 = arith.addi %mul3A_17, %add3A_28 : i32
        "tpu.region"() ({
          %run_scoped3A = tpu.sem_alloc : memref<!tpu.dma_semaphore, #tpu.memory_space<semaphore_mem>>
          %dma_start3A_1572 = arith.constant 5 : i32
          %dma_start3A_1573 = arith.constant 0 : i32
          %dma_start3A_1574 = tpu.memref_slice %arg10[%dma_start3A_1572, %dma_start3A_1573] : memref<8x128xi32, #tpu.memory_space<vmem>> -> memref<1x128xi32, #tpu.memory_space<vmem>>
          %dma_start3A_1575 = arith.constant 1 : i32
          %dma_start3A_1576 = tpu.memref_slice %arg2[%dma_start3A_1575, %add3A_29] : memref<2x3200000xi32, #tpu.memory_space<hbm>> -> memref<1x128xi32, #tpu.memory_space<hbm>>
          %dma_start3A_1577 = arith.constant 5 : i32
          %dma_start3A_1578 = arith.constant 0 : i32
          %dma_start3A_1579 = tpu.memref_slice %arg10[%dma_start3A_1577, %dma_start3A_1578] : memref<8x128xi32, #tpu.memory_space<vmem>> -> memref<1x128xi32, #tpu.memory_space<vmem>>
          %dma_start3A_1580 = arith.constant 1 : i32
          %dma_start3A_1581 = tpu.memref_slice %arg2[%dma_start3A_1580, %add3A_29] : memref<2x3200000xi32, #tpu.memory_space<hbm>> -> memref<1x128xi32, #tpu.memory_space<hbm>>
          tpu.enqueue_dma source(%dma_start3A_1581 : memref<1x128xi32, #tpu.memory_space<hbm>>) target(%dma_start3A_1579 : memref<1x128xi32, #tpu.memory_space<vmem>>) target_semaphore(%run_scoped3A : memref<!tpu.dma_semaphore, #tpu.memory_space<semaphore_mem>>)
          %dma_wait3A_1582 = arith.constant 5 : i32
          %dma_wait3A_1583 = arith.constant 0 : i32
          %dma_wait3A_1584 = tpu.memref_slice %arg10[%dma_wait3A_1582, %dma_wait3A_1583] : memref<8x128xi32, #tpu.memory_space<vmem>> -> memref<1x128xi32, #tpu.memory_space<vmem>>
          %dma_wait3A_1585 = arith.constant 1 : i32
          %dma_wait3A_1586 = tpu.memref_slice %arg2[%dma_wait3A_1585, %add3A_29] : memref<2x3200000xi32, #tpu.memory_space<hbm>> -> memref<1x128xi32, #tpu.memory_space<hbm>>
          %dma_wait3A_1587 = arith.constant 5 : i32
          %dma_wait3A_1588 = arith.constant 0 : i32
          %dma_wait3A_1589 = tpu.memref_slice %arg10[%dma_wait3A_1587, %dma_wait3A_1588] : memref<8x128xi32, #tpu.memory_space<vmem>> -> memref<1x128xi32, #tpu.memory_space<vmem>>
          %dma_wait3A_1590 = arith.constant 1 : i32
          %dma_wait3A_1591 = tpu.memref_slice %arg2[%dma_wait3A_1590, %add3A_29] : memref<2x3200000xi32, #tpu.memory_space<hbm>> -> memref<1x128xi32, #tpu.memory_space<hbm>>
          tpu.wait_dma2 semaphore(%run_scoped3A : memref<!tpu.dma_semaphore, #tpu.memory_space<semaphore_mem>>) src(%dma_wait3A_1591 : memref<1x128xi32, #tpu.memory_space<hbm>>) dst(%dma_wait3A_1589 : memref<1x128xi32, #tpu.memory_space<vmem>>)
          tpu.yield
        }) : () -> ()
        %add3A_30 = arith.constant 768 : i32
        %add3A_31 = arith.addi %mul3A_17, %add3A_30 : i32
        "tpu.region"() ({
          %run_scoped3A = tpu.sem_alloc : memref<!tpu.dma_semaphore, #tpu.memory_space<semaphore_mem>>
          %dma_start3A_1572 = arith.constant 6 : i32
          %dma_start3A_1573 = arith.constant 0 : i32
          %dma_start3A_1574 = tpu.memref_slice %arg10[%dma_start3A_1572, %dma_start3A_1573] : memref<8x128xi32, #tpu.memory_space<vmem>> -> memref<1x128xi32, #tpu.memory_space<vmem>>
          %dma_start3A_1575 = arith.constant 1 : i32
          %dma_start3A_1576 = tpu.memref_slice %arg2[%dma_start3A_1575, %add3A_31] : memref<2x3200000xi32, #tpu.memory_space<hbm>> -> memref<1x128xi32, #tpu.memory_space<hbm>>
          %dma_start3A_1577 = arith.constant 6 : i32
          %dma_start3A_1578 = arith.constant 0 : i32
          %dma_start3A_1579 = tpu.memref_slice %arg10[%dma_start3A_1577, %dma_start3A_1578] : memref<8x128xi32, #tpu.memory_space<vmem>> -> memref<1x128xi32, #tpu.memory_space<vmem>>
          %dma_start3A_1580 = arith.constant 1 : i32
          %dma_start3A_1581 = tpu.memref_slice %arg2[%dma_start3A_1580, %add3A_31] : memref<2x3200000xi32, #tpu.memory_space<hbm>> -> memref<1x128xi32, #tpu.memory_space<hbm>>
          tpu.enqueue_dma source(%dma_start3A_1581 : memref<1x128xi32, #tpu.memory_space<hbm>>) target(%dma_start3A_1579 : memref<1x128xi32, #tpu.memory_space<vmem>>) target_semaphore(%run_scoped3A : memref<!tpu.dma_semaphore, #tpu.memory_space<semaphore_mem>>)
          %dma_wait3A_1582 = arith.constant 6 : i32
          %dma_wait3A_1583 = arith.constant 0 : i32
          %dma_wait3A_1584 = tpu.memref_slice %arg10[%dma_wait3A_1582, %dma_wait3A_1583] : memref<8x128xi32, #tpu.memory_space<vmem>> -> memref<1x128xi32, #tpu.memory_space<vmem>>
          %dma_wait3A_1585 = arith.constant 1 : i32
          %dma_wait3A_1586 = tpu.memref_slice %arg2[%dma_wait3A_1585, %add3A_31] : memref<2x3200000xi32, #tpu.memory_space<hbm>> -> memref<1x128xi32, #tpu.memory_space<hbm>>
          %dma_wait3A_1587 = arith.constant 6 : i32
          %dma_wait3A_1588 = arith.constant 0 : i32
          %dma_wait3A_1589 = tpu.memref_slice %arg10[%dma_wait3A_1587, %dma_wait3A_1588] : memref<8x128xi32, #tpu.memory_space<vmem>> -> memref<1x128xi32, #tpu.memory_space<vmem>>
          %dma_wait3A_1590 = arith.constant 1 : i32
          %dma_wait3A_1591 = tpu.memref_slice %arg2[%dma_wait3A_1590, %add3A_31] : memref<2x3200000xi32, #tpu.memory_space<hbm>> -> memref<1x128xi32, #tpu.memory_space<hbm>>
          tpu.wait_dma2 semaphore(%run_scoped3A : memref<!tpu.dma_semaphore, #tpu.memory_space<semaphore_mem>>) src(%dma_wait3A_1591 : memref<1x128xi32, #tpu.memory_space<hbm>>) dst(%dma_wait3A_1589 : memref<1x128xi32, #tpu.memory_space<vmem>>)
          tpu.yield
        }) : () -> ()
        %add3A_32 = arith.constant 896 : i32
        %add3A_33 = arith.addi %mul3A_17, %add3A_32 : i32
        "tpu.region"() ({
          %run_scoped3A = tpu.sem_alloc : memref<!tpu.dma_semaphore, #tpu.memory_space<semaphore_mem>>
          %dma_start3A_1572 = arith.constant 7 : i32
          %dma_start3A_1573 = arith.constant 0 : i32
          %dma_start3A_1574 = tpu.memref_slice %arg10[%dma_start3A_1572, %dma_start3A_1573] : memref<8x128xi32, #tpu.memory_space<vmem>> -> memref<1x128xi32, #tpu.memory_space<vmem>>
          %dma_start3A_1575 = arith.constant 1 : i32
          %dma_start3A_1576 = tpu.memref_slice %arg2[%dma_start3A_1575, %add3A_33] : memref<2x3200000xi32, #tpu.memory_space<hbm>> -> memref<1x128xi32, #tpu.memory_space<hbm>>
          %dma_start3A_1577 = arith.constant 7 : i32
          %dma_start3A_1578 = arith.constant 0 : i32
          %dma_start3A_1579 = tpu.memref_slice %arg10[%dma_start3A_1577, %dma_start3A_1578] : memref<8x128xi32, #tpu.memory_space<vmem>> -> memref<1x128xi32, #tpu.memory_space<vmem>>
          %dma_start3A_1580 = arith.constant 1 : i32
          %dma_start3A_1581 = tpu.memref_slice %arg2[%dma_start3A_1580, %add3A_33] : memref<2x3200000xi32, #tpu.memory_space<hbm>> -> memref<1x128xi32, #tpu.memory_space<hbm>>
          tpu.enqueue_dma source(%dma_start3A_1581 : memref<1x128xi32, #tpu.memory_space<hbm>>) target(%dma_start3A_1579 : memref<1x128xi32, #tpu.memory_space<vmem>>) target_semaphore(%run_scoped3A : memref<!tpu.dma_semaphore, #tpu.memory_space<semaphore_mem>>)
          %dma_wait3A_1582 = arith.constant 7 : i32
          %dma_wait3A_1583 = arith.constant 0 : i32
          %dma_wait3A_1584 = tpu.memref_slice %arg10[%dma_wait3A_1582, %dma_wait3A_1583] : memref<8x128xi32, #tpu.memory_space<vmem>> -> memref<1x128xi32, #tpu.memory_space<vmem>>
          %dma_wait3A_1585 = arith.constant 1 : i32
          %dma_wait3A_1586 = tpu.memref_slice %arg2[%dma_wait3A_1585, %add3A_33] : memref<2x3200000xi32, #tpu.memory_space<hbm>> -> memref<1x128xi32, #tpu.memory_space<hbm>>
          %dma_wait3A_1587 = arith.constant 7 : i32
          %dma_wait3A_1588 = arith.constant 0 : i32
          %dma_wait3A_1589 = tpu.memref_slice %arg10[%dma_wait3A_1587, %dma_wait3A_1588] : memref<8x128xi32, #tpu.memory_space<vmem>> -> memref<1x128xi32, #tpu.memory_space<vmem>>
          %dma_wait3A_1590 = arith.constant 1 : i32
          %dma_wait3A_1591 = tpu.memref_slice %arg2[%dma_wait3A_1590, %add3A_33] : memref<2x3200000xi32, #tpu.memory_space<hbm>> -> memref<1x128xi32, #tpu.memory_space<hbm>>
          tpu.wait_dma2 semaphore(%run_scoped3A : memref<!tpu.dma_semaphore, #tpu.memory_space<semaphore_mem>>) src(%dma_wait3A_1591 : memref<1x128xi32, #tpu.memory_space<hbm>>) dst(%dma_wait3A_1589 : memref<1x128xi32, #tpu.memory_space<vmem>>)
          tpu.yield
        }) : () -> ()
        "tpu.region"() ({
          %run_scoped3A = tpu.sem_alloc : memref<!tpu.dma_semaphore, #tpu.memory_space<semaphore_mem>>
          %dma_start3A_1572 = arith.constant 0 : i32
          %dma_start3A_1573 = tpu.memref_slice %arg3[%mul3A_17, %dma_start3A_1572] : memref<3200000x3xf32, #tpu.memory_space<hbm>> -> memref<1024x3xf32, #tpu.memory_space<hbm>>
          %dma_start3A_1574 = arith.constant 0 : i32
          %dma_start3A_1575 = tpu.memref_slice %arg3[%mul3A_17, %dma_start3A_1574] : memref<3200000x3xf32, #tpu.memory_space<hbm>> -> memref<1024x3xf32, #tpu.memory_space<hbm>>
          tpu.enqueue_dma source(%dma_start3A_1575 : memref<1024x3xf32, #tpu.memory_space<hbm>>) target(%arg12 : memref<1024x3xf32, #tpu.memory_space<vmem>>) target_semaphore(%run_scoped3A : memref<!tpu.dma_semaphore, #tpu.memory_space<semaphore_mem>>)
          %dma_wait3A_1576 = arith.constant 0 : i32
          %dma_wait3A_1577 = tpu.memref_slice %arg3[%mul3A_17, %dma_wait3A_1576] : memref<3200000x3xf32, #tpu.memory_space<hbm>> -> memref<1024x3xf32, #tpu.memory_space<hbm>>
          %dma_wait3A_1578 = arith.constant 0 : i32
          %dma_wait3A_1579 = tpu.memref_slice %arg3[%mul3A_17, %dma_wait3A_1578] : memref<3200000x3xf32, #tpu.memory_space<hbm>> -> memref<1024x3xf32, #tpu.memory_space<hbm>>
          tpu.wait_dma2 semaphore(%run_scoped3A : memref<!tpu.dma_semaphore, #tpu.memory_space<semaphore_mem>>) src(%dma_wait3A_1579 : memref<1024x3xf32, #tpu.memory_space<hbm>>) dst(%arg12 : memref<1024x3xf32, #tpu.memory_space<vmem>>)
          tpu.yield
        }) : () -> ()
        %get3A = arith.constant 0 : i32
        %get3A_34 = arith.index_cast %get3A : i32 to index
        %get3A_35 = arith.constant 0 : index
        %get3A_36 = tpu.vector_load %arg10[%get3A_34, %get3A_35] {strides = array<i32>} : memref<8x128xi32, #tpu.memory_space<vmem>>, vector<16xi32>,
        %add3A_37 = arith.constant 100352 : i32
        %add3A_38 = vector.broadcast %add3A_37 : i32 to vector<16xi32>
        %add3A_39 = arith.addi %get3A_36, %add3A_38 : vector<16xi32>
        %swap3A = arith.constant 0 : i32
        %swap3A_40 = arith.index_cast %swap3A : i32 to index
        %swap3A_41 = arith.constant 0 : index
        %swap3A_42 = tpu.vector_load %arg11[%swap3A_40, %swap3A_41] {strides = array<i32>} : memref<16x128xi32, #tpu.memory_space<vmem>>, vector<16xi32>,
        tpu.vector_store %arg11[%swap3A_40, %swap3A_41], %add3A_39 {strides = array<i32>} : memref<16x128xi32, #tpu.memory_space<vmem>>, vector<16xi32>,
        %add3A_43 = arith.constant 200704 : i32
        %add3A_44 = vector.broadcast %add3A_43 : i32 to vector<16xi32>
        %add3A_45 = arith.addi %get3A_36, %add3A_44 : vector<16xi32>
        %swap3A_46 = arith.constant 8 : i32
        %swap3A_47 = arith.index_cast %swap3A_46 : i32 to index
        %swap3A_48 = arith.constant 0 : index
        %swap3A_49 = tpu.vector_load %arg11[%swap3A_47, %swap3A_48] {strides = array<i32>} : memref<16x128xi32, #tpu.memory_space<vmem>>, vector<16xi32>,
        tpu.vector_store %arg11[%swap3A_47, %swap3A_48], %add3A_45 {strides = array<i32>} : memref<16x128xi32, #tpu.memory_space<vmem>>, vector<16xi32>,
        %get3A_50 = arith.constant 0 : i32
        %get3A_51 = arith.index_cast %get3A_50 : i32 to index
        %get3A_52 = arith.constant 16 : index
        %get3A_53 = tpu.vector_load %arg10[%get3A_51, %get3A_52] {strides = array<i32>} : memref<8x128xi32, #tpu.memory_space<vmem>>, vector<16xi32>,
        %add3A_54 = arith.constant 100352 : i32
        %add3A_55 = vector.broadcast %add3A_54 : i32 to vector<16xi32>
        %add3A_56 = arith.addi %get3A_53, %add3A_55 : vector<16xi32>
        %swap3A_57 = arith.constant 0 : i32
        %swap3A_58 = arith.index_cast %swap3A_57 : i32 to index
        %swap3A_59 = arith.constant 16 : index
        %swap3A_60 = tpu.vector_load %arg11[%swap3A_58, %swap3A_59] {strides = array<i32>} : memref<16x128xi32, #tpu.memory_space<vmem>>, vector<16xi32>,
        tpu.vector_store %arg11[%swap3A_58, %swap3A_59], %add3A_56 {strides = array<i32>} : memref<16x128xi32, #tpu.memory_space<vmem>>, vector<16xi32>,
        %add3A_61 = arith.constant 200704 : i32
        %add3A_62 = vector.broadcast %add3A_61 : i32 to vector<16xi32>
        %add3A_63 = arith.addi %get3A_53, %add3A_62 : vector<16xi32>
        %swap3A_64 = arith.constant 8 : i32
        %swap3A_65 = arith.index_cast %swap3A_64 : i32 to index
        %swap3A_66 = arith.constant 16 : index
        %swap3A_67 = tpu.vector_load %arg11[%swap3A_65, %swap3A_66] {strides = array<i32>} : memref<16x128xi32, #tpu.memory_space<vmem>>, vector<16xi32>,
        tpu.vector_store %arg11[%swap3A_65, %swap3A_66], %add3A_63 {strides = array<i32>} : memref<16x128xi32, #tpu.memory_space<vmem>>, vector<16xi32>,
        %get3A_68 = arith.constant 0 : i32
        %get3A_69 = arith.index_cast %get3A_68 : i32 to index
        %get3A_70 = arith.constant 32 : index
        %get3A_71 = tpu.vector_load %arg10[%get3A_69, %get3A_70] {strides = array<i32>} : memref<8x128xi32, #tpu.memory_space<vmem>>, vector<16xi32>,
        %add3A_72 = arith.constant 100352 : i32
        %add3A_73 = vector.broadcast %add3A_72 : i32 to vector<16xi32>
        %add3A_74 = arith.addi %get3A_71, %add3A_73 : vector<16xi32>
        %swap3A_75 = arith.constant 0 : i32
        %swap3A_76 = arith.index_cast %swap3A_75 : i32 to index
        %swap3A_77 = arith.constant 32 : index
        %swap3A_78 = tpu.vector_load %arg11[%swap3A_76, %swap3A_77] {strides = array<i32>} : memref<16x128xi32, #tpu.memory_space<vmem>>, vector<16xi32>,
        tpu.vector_store %arg11[%swap3A_76, %swap3A_77], %add3A_74 {strides = array<i32>} : memref<16x128xi32, #tpu.memory_space<vmem>>, vector<16xi32>,
        %add3A_79 = arith.constant 200704 : i32
        %add3A_80 = vector.broadcast %add3A_79 : i32 to vector<16xi32>
        %add3A_81 = arith.addi %get3A_71, %add3A_80 : vector<16xi32>
        %swap3A_82 = arith.constant 8 : i32
        %swap3A_83 = arith.index_cast %swap3A_82 : i32 to index
        %swap3A_84 = arith.constant 32 : index
        %swap3A_85 = tpu.vector_load %arg11[%swap3A_83, %swap3A_84] {strides = array<i32>} : memref<16x128xi32, #tpu.memory_space<vmem>>, vector<16xi32>,
        tpu.vector_store %arg11[%swap3A_83, %swap3A_84], %add3A_81 {strides = array<i32>} : memref<16x128xi32, #tpu.memory_space<vmem>>, vector<16xi32>,
        %get3A_86 = arith.constant 0 : i32
        %get3A_87 = arith.index_cast %get3A_86 : i32 to index
        %get3A_88 = arith.constant 48 : index
        %get3A_89 = tpu.vector_load %arg10[%get3A_87, %get3A_88] {strides = array<i32>} : memref<8x128xi32, #tpu.memory_space<vmem>>, vector<16xi32>,
        %add3A_90 = arith.constant 100352 : i32
        %add3A_91 = vector.broadcast %add3A_90 : i32 to vector<16xi32>
        %add3A_92 = arith.addi %get3A_89, %add3A_91 : vector<16xi32>
        %swap3A_93 = arith.constant 0 : i32
        %swap3A_94 = arith.index_cast %swap3A_93 : i32 to index
        %swap3A_95 = arith.constant 48 : index
        %swap3A_96 = tpu.vector_load %arg11[%swap3A_94, %swap3A_95] {strides = array<i32>} : memref<16x128xi32, #tpu.memory_space<vmem>>, vector<16xi32>,
        tpu.vector_store %arg11[%swap3A_94, %swap3A_95], %add3A_92 {strides = array<i32>} : memref<16x128xi32, #tpu.memory_space<vmem>>, vector<16xi32>,
        %add3A_97 = arith.constant 200704 : i32
        %add3A_98 = vector.broadcast %add3A_97 : i32 to vector<16xi32>
        %add3A_99 = arith.addi %get3A_89, %add3A_98 : vector<16xi32>
        %swap3A_100 = arith.constant 8 : i32
        %swap3A_101 = arith.index_cast %swap3A_100 : i32 to index
        %swap3A_102 = arith.constant 48 : index
        %swap3A_103 = tpu.vector_load %arg11[%swap3A_101, %swap3A_102] {strides = array<i32>} : memref<16x128xi32, #tpu.memory_space<vmem>>, vector<16xi32>,
        tpu.vector_store %arg11[%swap3A_101, %swap3A_102], %add3A_99 {strides = array<i32>} : memref<16x128xi32, #tpu.memory_space<vmem>>, vector<16xi32>,
        %get3A_104 = arith.constant 0 : i32
        %get3A_105 = arith.index_cast %get3A_104 : i32 to index
        %get3A_106 = arith.constant 64 : index
        %get3A_107 = tpu.vector_load %arg10[%get3A_105, %get3A_106] {strides = array<i32>} : memref<8x128xi32, #tpu.memory_space<vmem>>, vector<16xi32>,
        %add3A_108 = arith.constant 100352 : i32
        %add3A_109 = vector.broadcast %add3A_108 : i32 to vector<16xi32>
        %add3A_110 = arith.addi %get3A_107, %add3A_109 : vector<16xi32>
        %swap3A_111 = arith.constant 0 : i32
        %swap3A_112 = arith.index_cast %swap3A_111 : i32 to index
        %swap3A_113 = arith.constant 64 : index
        %swap3A_114 = tpu.vector_load %arg11[%swap3A_112, %swap3A_113] {strides = array<i32>} : memref<16x128xi32, #tpu.memory_space<vmem>>, vector<16xi32>,
        tpu.vector_store %arg11[%swap3A_112, %swap3A_113], %add3A_110 {strides = array<i32>} : memref<16x128xi32, #tpu.memory_space<vmem>>, vector<16xi32>,
        %add3A_115 = arith.constant 200704 : i32
        %add3A_116 = vector.broadcast %add3A_115 : i32 to vector<16xi32>
        %add3A_117 = arith.addi %get3A_107, %add3A_116 : vector<16xi32>
        %swap3A_118 = arith.constant 8 : i32
        %swap3A_119 = arith.index_cast %swap3A_118 : i32 to index
        %swap3A_120 = arith.constant 64 : index
        %swap3A_121 = tpu.vector_load %arg11[%swap3A_119, %swap3A_120] {strides = array<i32>} : memref<16x128xi32, #tpu.memory_space<vmem>>, vector<16xi32>,
        tpu.vector_store %arg11[%swap3A_119, %swap3A_120], %add3A_117 {strides = array<i32>} : memref<16x128xi32, #tpu.memory_space<vmem>>, vector<16xi32>,
        %get3A_122 = arith.constant 0 : i32
        %get3A_123 = arith.index_cast %get3A_122 : i32 to index
        %get3A_124 = arith.constant 80 : index
        %get3A_125 = tpu.vector_load %arg10[%get3A_123, %get3A_124] {strides = array<i32>} : memref<8x128xi32, #tpu.memory_space<vmem>>, vector<16xi32>,
        %add3A_126 = arith.constant 100352 : i32
        %add3A_127 = vector.broadcast %add3A_126 : i32 to vector<16xi32>
        %add3A_128 = arith.addi %get3A_125, %add3A_127 : vector<16xi32>
        %swap3A_129 = arith.constant 0 : i32
        %swap3A_130 = arith.index_cast %swap3A_129 : i32 to index
        %swap3A_131 = arith.constant 80 : index
        %swap3A_132 = tpu.vector_load %arg11[%swap3A_130, %swap3A_131] {strides = array<i32>} : memref<16x128xi32, #tpu.memory_space<vmem>>, vector<16xi32>,
        tpu.vector_store %arg11[%swap3A_130, %swap3A_131], %add3A_128 {strides = array<i32>} : memref<16x128xi32, #tpu.memory_space<vmem>>, vector<16xi32>,
        %add3A_133 = arith.constant 200704 : i32
        %add3A_134 = vector.broadcast %add3A_133 : i32 to vector<16xi32>
        %add3A_135 = arith.addi %get3A_125, %add3A_134 : vector<16xi32>
        %swap3A_136 = arith.constant 8 : i32
        %swap3A_137 = arith.index_cast %swap3A_136 : i32 to index
        %swap3A_138 = arith.constant 80 : index
        %swap3A_139 = tpu.vector_load %arg11[%swap3A_137, %swap3A_138] {strides = array<i32>} : memref<16x128xi32, #tpu.memory_space<vmem>>, vector<16xi32>,
        tpu.vector_store %arg11[%swap3A_137, %swap3A_138], %add3A_135 {strides = array<i32>} : memref<16x128xi32, #tpu.memory_space<vmem>>, vector<16xi32>,
        %get3A_140 = arith.constant 0 : i32
        %get3A_141 = arith.index_cast %get3A_140 : i32 to index
        %get3A_142 = arith.constant 96 : index
        %get3A_143 = tpu.vector_load %arg10[%get3A_141, %get3A_142] {strides = array<i32>} : memref<8x128xi32, #tpu.memory_space<vmem>>, vector<16xi32>,
        %add3A_144 = arith.constant 100352 : i32
        %add3A_145 = vector.broadcast %add3A_144 : i32 to vector<16xi32>
        %add3A_146 = arith.addi %get3A_143, %add3A_145 : vector<16xi32>
        %swap3A_147 = arith.constant 0 : i32
        %swap3A_148 = arith.index_cast %swap3A_147 : i32 to index
        %swap3A_149 = arith.constant 96 : index
        %swap3A_150 = tpu.vector_load %arg11[%swap3A_148, %swap3A_149] {strides = array<i32>} : memref<16x128xi32, #tpu.memory_space<vmem>>, vector<16xi32>,
        tpu.vector_store %arg11[%swap3A_148, %swap3A_149], %add3A_146 {strides = array<i32>} : memref<16x128xi32, #tpu.memory_space<vmem>>, vector<16xi32>,
        %add3A_151 = arith.constant 200704 : i32
        %add3A_152 = vector.broadcast %add3A_151 : i32 to vector<16xi32>
        %add3A_153 = arith.addi %get3A_143, %add3A_152 : vector<16xi32>
        %swap3A_154 = arith.constant 8 : i32
        %swap3A_155 = arith.index_cast %swap3A_154 : i32 to index
        %swap3A_156 = arith.constant 96 : index
        %swap3A_157 = tpu.vector_load %arg11[%swap3A_155, %swap3A_156] {strides = array<i32>} : memref<16x128xi32, #tpu.memory_space<vmem>>, vector<16xi32>,
        tpu.vector_store %arg11[%swap3A_155, %swap3A_156], %add3A_153 {strides = array<i32>} : memref<16x128xi32, #tpu.memory_space<vmem>>, vector<16xi32>,
        %get3A_158 = arith.constant 0 : i32
        %get3A_159 = arith.index_cast %get3A_158 : i32 to index
        %get3A_160 = arith.constant 112 : index
        %get3A_161 = tpu.vector_load %arg10[%get3A_159, %get3A_160] {strides = array<i32>} : memref<8x128xi32, #tpu.memory_space<vmem>>, vector<16xi32>,
        %add3A_162 = arith.constant 100352 : i32
        %add3A_163 = vector.broadcast %add3A_162 : i32 to vector<16xi32>
        %add3A_164 = arith.addi %get3A_161, %add3A_163 : vector<16xi32>
        %swap3A_165 = arith.constant 0 : i32
        %swap3A_166 = arith.index_cast %swap3A_165 : i32 to index
        %swap3A_167 = arith.constant 112 : index
        %swap3A_168 = tpu.vector_load %arg11[%swap3A_166, %swap3A_167] {strides = array<i32>} : memref<16x128xi32, #tpu.memory_space<vmem>>, vector<16xi32>,
        tpu.vector_store %arg11[%swap3A_166, %swap3A_167], %add3A_164 {strides = array<i32>} : memref<16x128xi32, #tpu.memory_space<vmem>>, vector<16xi32>,
        %add3A_169 = arith.constant 200704 : i32
        %add3A_170 = vector.broadcast %add3A_169 : i32 to vector<16xi32>
        %add3A_171 = arith.addi %get3A_161, %add3A_170 : vector<16xi32>
        %swap3A_172 = arith.constant 8 : i32
        %swap3A_173 = arith.index_cast %swap3A_172 : i32 to index
        %swap3A_174 = arith.constant 112 : index
        %swap3A_175 = tpu.vector_load %arg11[%swap3A_173, %swap3A_174] {strides = array<i32>} : memref<16x128xi32, #tpu.memory_space<vmem>>, vector<16xi32>,
        tpu.vector_store %arg11[%swap3A_173, %swap3A_174], %add3A_171 {strides = array<i32>} : memref<16x128xi32, #tpu.memory_space<vmem>>, vector<16xi32>,
        %get3A_176 = arith.constant 1 : i32
        %get3A_177 = arith.index_cast %get3A_176 : i32 to index
        %get3A_178 = arith.constant 0 : index
        %get3A_179 = tpu.vector_load %arg10[%get3A_177, %get3A_178] {strides = array<i32>} : memref<8x128xi32, #tpu.memory_space<vmem>>, vector<16xi32>,
        %add3A_180 = arith.constant 100352 : i32
        %add3A_181 = vector.broadcast %add3A_180 : i32 to vector<16xi32>
        %add3A_182 = arith.addi %get3A_179, %add3A_181 : vector<16xi32>
        %swap3A_183 = arith.constant 1 : i32
        %swap3A_184 = arith.index_cast %swap3A_183 : i32 to index
        %swap3A_185 = arith.constant 0 : index
        %swap3A_186 = tpu.vector_load %arg11[%swap3A_184, %swap3A_185] {strides = array<i32>} : memref<16x128xi32, #tpu.memory_space<vmem>>, vector<16xi32>,
        tpu.vector_store %arg11[%swap3A_184, %swap3A_185], %add3A_182 {strides = array<i32>} : memref<16x128xi32, #tpu.memory_space<vmem>>, vector<16xi32>,
        %add3A_187 = arith.constant 200704 : i32
        %add3A_188 = vector.broadcast %add3A_187 : i32 to vector<16xi32>
        %add3A_189 = arith.addi %get3A_179, %add3A_188 : vector<16xi32>
        %swap3A_190 = arith.constant 9 : i32
        %swap3A_191 = arith.index_cast %swap3A_190 : i32 to index
        %swap3A_192 = arith.constant 0 : index
        %swap3A_193 = tpu.vector_load %arg11[%swap3A_191, %swap3A_192] {strides = array<i32>} : memref<16x128xi32, #tpu.memory_space<vmem>>, vector<16xi32>,
        tpu.vector_store %arg11[%swap3A_191, %swap3A_192], %add3A_189 {strides = array<i32>} : memref<16x128xi32, #tpu.memory_space<vmem>>, vector<16xi32>,
        %get3A_194 = arith.constant 1 : i32
        %get3A_195 = arith.index_cast %get3A_194 : i32 to index
        %get3A_196 = arith.constant 16 : index
        %get3A_197 = tpu.vector_load %arg10[%get3A_195, %get3A_196] {strides = array<i32>} : memref<8x128xi32, #tpu.memory_space<vmem>>, vector<16xi32>,
        %add3A_198 = arith.constant 100352 : i32
        %add3A_199 = vector.broadcast %add3A_198 : i32 to vector<16xi32>
        %add3A_200 = arith.addi %get3A_197, %add3A_199 : vector<16xi32>
        %swap3A_201 = arith.constant 1 : i32
        %swap3A_202 = arith.index_cast %swap3A_201 : i32 to index
        %swap3A_203 = arith.constant 16 : index
        %swap3A_204 = tpu.vector_load %arg11[%swap3A_202, %swap3A_203] {strides = array<i32>} : memref<16x128xi32, #tpu.memory_space<vmem>>, vector<16xi32>,
        tpu.vector_store %arg11[%swap3A_202, %swap3A_203], %add3A_200 {strides = array<i32>} : memref<16x128xi32, #tpu.memory_space<vmem>>, vector<16xi32>,
        %add3A_205 = arith.constant 200704 : i32
        %add3A_206 = vector.broadcast %add3A_205 : i32 to vector<16xi32>
        %add3A_207 = arith.addi %get3A_197, %add3A_206 : vector<16xi32>
        %swap3A_208 = arith.constant 9 : i32
        %swap3A_209 = arith.index_cast %swap3A_208 : i32 to index
        %swap3A_210 = arith.constant 16 : index
        %swap3A_211 = tpu.vector_load %arg11[%swap3A_209, %swap3A_210] {strides = array<i32>} : memref<16x128xi32, #tpu.memory_space<vmem>>, vector<16xi32>,
        tpu.vector_store %arg11[%swap3A_209, %swap3A_210], %add3A_207 {strides = array<i32>} : memref<16x128xi32, #tpu.memory_space<vmem>>, vector<16xi32>,
        %get3A_212 = arith.constant 1 : i32
        %get3A_213 = arith.index_cast %get3A_212 : i32 to index
        %get3A_214 = arith.constant 32 : index
        %get3A_215 = tpu.vector_load %arg10[%get3A_213, %get3A_214] {strides = array<i32>} : memref<8x128xi32, #tpu.memory_space<vmem>>, vector<16xi32>,
        %add3A_216 = arith.constant 100352 : i32
        %add3A_217 = vector.broadcast %add3A_216 : i32 to vector<16xi32>
        %add3A_218 = arith.addi %get3A_215, %add3A_217 : vector<16xi32>
        %swap3A_219 = arith.constant 1 : i32
        %swap3A_220 = arith.index_cast %swap3A_219 : i32 to index
        %swap3A_221 = arith.constant 32 : index
        %swap3A_222 = tpu.vector_load %arg11[%swap3A_220, %swap3A_221] {strides = array<i32>} : memref<16x128xi32, #tpu.memory_space<vmem>>, vector<16xi32>,
        tpu.vector_store %arg11[%swap3A_220, %swap3A_221], %add3A_218 {strides = array<i32>} : memref<16x128xi32, #tpu.memory_space<vmem>>, vector<16xi32>,
        %add3A_223 = arith.constant 200704 : i32
        %add3A_224 = vector.broadcast %add3A_223 : i32 to vector<16xi32>
        %add3A_225 = arith.addi %get3A_215, %add3A_224 : vector<16xi32>
        %swap3A_226 = arith.constant 9 : i32
        %swap3A_227 = arith.index_cast %swap3A_226 : i32 to index
        %swap3A_228 = arith.constant 32 : index
        %swap3A_229 = tpu.vector_load %arg11[%swap3A_227, %swap3A_228] {strides = array<i32>} : memref<16x128xi32, #tpu.memory_space<vmem>>, vector<16xi32>,
        tpu.vector_store %arg11[%swap3A_227, %swap3A_228], %add3A_225 {strides = array<i32>} : memref<16x128xi32, #tpu.memory_space<vmem>>, vector<16xi32>,
        %get3A_230 = arith.constant 1 : i32
        %get3A_231 = arith.index_cast %get3A_230 : i32 to index
        %get3A_232 = arith.constant 48 : index
        %get3A_233 = tpu.vector_load %arg10[%get3A_231, %get3A_232] {strides = array<i32>} : memref<8x128xi32, #tpu.memory_space<vmem>>, vector<16xi32>,
        %add3A_234 = arith.constant 100352 : i32
        %add3A_235 = vector.broadcast %add3A_234 : i32 to vector<16xi32>
        %add3A_236 = arith.addi %get3A_233, %add3A_235 : vector<16xi32>
        %swap3A_237 = arith.constant 1 : i32
        %swap3A_238 = arith.index_cast %swap3A_237 : i32 to index
        %swap3A_239 = arith.constant 48 : index
        %swap3A_240 = tpu.vector_load %arg11[%swap3A_238, %swap3A_239] {strides = array<i32>} : memref<16x128xi32, #tpu.memory_space<vmem>>, vector<16xi32>,
        tpu.vector_store %arg11[%swap3A_238, %swap3A_239], %add3A_236 {strides = array<i32>} : memref<16x128xi32, #tpu.memory_space<vmem>>, vector<16xi32>,
        %add3A_241 = arith.constant 200704 : i32
        %add3A_242 = vector.broadcast %add3A_241 : i32 to vector<16xi32>
        %add3A_243 = arith.addi %get3A_233, %add3A_242 : vector<16xi32>
        %swap3A_244 = arith.constant 9 : i32
        %swap3A_245 = arith.index_cast %swap3A_244 : i32 to index
        %swap3A_246 = arith.constant 48 : index
        %swap3A_247 = tpu.vector_load %arg11[%swap3A_245, %swap3A_246] {strides = array<i32>} : memref<16x128xi32, #tpu.memory_space<vmem>>, vector<16xi32>,
        tpu.vector_store %arg11[%swap3A_245, %swap3A_246], %add3A_243 {strides = array<i32>} : memref<16x128xi32, #tpu.memory_space<vmem>>, vector<16xi32>,
        %get3A_248 = arith.constant 1 : i32
        %get3A_249 = arith.index_cast %get3A_248 : i32 to index
        %get3A_250 = arith.constant 64 : index
        %get3A_251 = tpu.vector_load %arg10[%get3A_249, %get3A_250] {strides = array<i32>} : memref<8x128xi32, #tpu.memory_space<vmem>>, vector<16xi32>,
        %add3A_252 = arith.constant 100352 : i32
        %add3A_253 = vector.broadcast %add3A_252 : i32 to vector<16xi32>
        %add3A_254 = arith.addi %get3A_251, %add3A_253 : vector<16xi32>
        %swap3A_255 = arith.constant 1 : i32
        %swap3A_256 = arith.index_cast %swap3A_255 : i32 to index
        %swap3A_257 = arith.constant 64 : index
        %swap3A_258 = tpu.vector_load %arg11[%swap3A_256, %swap3A_257] {strides = array<i32>} : memref<16x128xi32, #tpu.memory_space<vmem>>, vector<16xi32>,
        tpu.vector_store %arg11[%swap3A_256, %swap3A_257], %add3A_254 {strides = array<i32>} : memref<16x128xi32, #tpu.memory_space<vmem>>, vector<16xi32>,
        %add3A_259 = arith.constant 200704 : i32
        %add3A_260 = vector.broadcast %add3A_259 : i32 to vector<16xi32>
        %add3A_261 = arith.addi %get3A_251, %add3A_260 : vector<16xi32>
        %swap3A_262 = arith.constant 9 : i32
        %swap3A_263 = arith.index_cast %swap3A_262 : i32 to index
        %swap3A_264 = arith.constant 64 : index
        %swap3A_265 = tpu.vector_load %arg11[%swap3A_263, %swap3A_264] {strides = array<i32>} : memref<16x128xi32, #tpu.memory_space<vmem>>, vector<16xi32>,
        tpu.vector_store %arg11[%swap3A_263, %swap3A_264], %add3A_261 {strides = array<i32>} : memref<16x128xi32, #tpu.memory_space<vmem>>, vector<16xi32>,
        %get3A_266 = arith.constant 1 : i32
        %get3A_267 = arith.index_cast %get3A_266 : i32 to index
        %get3A_268 = arith.constant 80 : index
        %get3A_269 = tpu.vector_load %arg10[%get3A_267, %get3A_268] {strides = array<i32>} : memref<8x128xi32, #tpu.memory_space<vmem>>, vector<16xi32>,
        %add3A_270 = arith.constant 100352 : i32
        %add3A_271 = vector.broadcast %add3A_270 : i32 to vector<16xi32>
        %add3A_272 = arith.addi %get3A_269, %add3A_271 : vector<16xi32>
        %swap3A_273 = arith.constant 1 : i32
        %swap3A_274 = arith.index_cast %swap3A_273 : i32 to index
        %swap3A_275 = arith.constant 80 : index
        %swap3A_276 = tpu.vector_load %arg11[%swap3A_274, %swap3A_275] {strides = array<i32>} : memref<16x128xi32, #tpu.memory_space<vmem>>, vector<16xi32>,
        tpu.vector_store %arg11[%swap3A_274, %swap3A_275], %add3A_272 {strides = array<i32>} : memref<16x128xi32, #tpu.memory_space<vmem>>, vector<16xi32>,
        %add3A_277 = arith.constant 200704 : i32
        %add3A_278 = vector.broadcast %add3A_277 : i32 to vector<16xi32>
        %add3A_279 = arith.addi %get3A_269, %add3A_278 : vector<16xi32>
        %swap3A_280 = arith.constant 9 : i32
        %swap3A_281 = arith.index_cast %swap3A_280 : i32 to index
        %swap3A_282 = arith.constant 80 : index
        %swap3A_283 = tpu.vector_load %arg11[%swap3A_281, %swap3A_282] {strides = array<i32>} : memref<16x128xi32, #tpu.memory_space<vmem>>, vector<16xi32>,
        tpu.vector_store %arg11[%swap3A_281, %swap3A_282], %add3A_279 {strides = array<i32>} : memref<16x128xi32, #tpu.memory_space<vmem>>, vector<16xi32>,
        %get3A_284 = arith.constant 1 : i32
        %get3A_285 = arith.index_cast %get3A_284 : i32 to index
        %get3A_286 = arith.constant 96 : index
        %get3A_287 = tpu.vector_load %arg10[%get3A_285, %get3A_286] {strides = array<i32>} : memref<8x128xi32, #tpu.memory_space<vmem>>, vector<16xi32>,
        %add3A_288 = arith.constant 100352 : i32
        %add3A_289 = vector.broadcast %add3A_288 : i32 to vector<16xi32>
        %add3A_290 = arith.addi %get3A_287, %add3A_289 : vector<16xi32>
        %swap3A_291 = arith.constant 1 : i32
        %swap3A_292 = arith.index_cast %swap3A_291 : i32 to index
        %swap3A_293 = arith.constant 96 : index
        %swap3A_294 = tpu.vector_load %arg11[%swap3A_292, %swap3A_293] {strides = array<i32>} : memref<16x128xi32, #tpu.memory_space<vmem>>, vector<16xi32>,
        tpu.vector_store %arg11[%swap3A_292, %swap3A_293], %add3A_290 {strides = array<i32>} : memref<16x128xi32, #tpu.memory_space<vmem>>, vector<16xi32>,
        %add3A_295 = arith.constant 200704 : i32
        %add3A_296 = vector.broadcast %add3A_295 : i32 to vector<16xi32>
        %add3A_297 = arith.addi %get3A_287, %add3A_296 : vector<16xi32>
        %swap3A_298 = arith.constant 9 : i32
        %swap3A_299 = arith.index_cast %swap3A_298 : i32 to index
        %swap3A_300 = arith.constant 96 : index
        %swap3A_301 = tpu.vector_load %arg11[%swap3A_299, %swap3A_300] {strides = array<i32>} : memref<16x128xi32, #tpu.memory_space<vmem>>, vector<16xi32>,
        tpu.vector_store %arg11[%swap3A_299, %swap3A_300], %add3A_297 {strides = array<i32>} : memref<16x128xi32, #tpu.memory_space<vmem>>, vector<16xi32>,
        %get3A_302 = arith.constant 1 : i32
        %get3A_303 = arith.index_cast %get3A_302 : i32 to index
        %get3A_304 = arith.constant 112 : index
        %get3A_305 = tpu.vector_load %arg10[%get3A_303, %get3A_304] {strides = array<i32>} : memref<8x128xi32, #tpu.memory_space<vmem>>, vector<16xi32>,
        %add3A_306 = arith.constant 100352 : i32
        %add3A_307 = vector.broadcast %add3A_306 : i32 to vector<16xi32>
        %add3A_308 = arith.addi %get3A_305, %add3A_307 : vector<16xi32>
        %swap3A_309 = arith.constant 1 : i32
        %swap3A_310 = arith.index_cast %swap3A_309 : i32 to index
        %swap3A_311 = arith.constant 112 : index
        %swap3A_312 = tpu.vector_load %arg11[%swap3A_310, %swap3A_311] {strides = array<i32>} : memref<16x128xi32, #tpu.memory_space<vmem>>, vector<16xi32>,
        tpu.vector_store %arg11[%swap3A_310, %swap3A_311], %add3A_308 {strides = array<i32>} : memref<16x128xi32, #tpu.memory_space<vmem>>, vector<16xi32>,
        %add3A_313 = arith.constant 200704 : i32
        %add3A_314 = vector.broadcast %add3A_313 : i32 to vector<16xi32>
        %add3A_315 = arith.addi %get3A_305, %add3A_314 : vector<16xi32>
        %swap3A_316 = arith.constant 9 : i32
        %swap3A_317 = arith.index_cast %swap3A_316 : i32 to index
        %swap3A_318 = arith.constant 112 : index
        %swap3A_319 = tpu.vector_load %arg11[%swap3A_317, %swap3A_318] {strides = array<i32>} : memref<16x128xi32, #tpu.memory_space<vmem>>, vector<16xi32>,
        tpu.vector_store %arg11[%swap3A_317, %swap3A_318], %add3A_315 {strides = array<i32>} : memref<16x128xi32, #tpu.memory_space<vmem>>, vector<16xi32>,
        %get3A_320 = arith.constant 2 : i32
        %get3A_321 = arith.index_cast %get3A_320 : i32 to index
        %get3A_322 = arith.constant 0 : index
        %get3A_323 = tpu.vector_load %arg10[%get3A_321, %get3A_322] {strides = array<i32>} : memref<8x128xi32, #tpu.memory_space<vmem>>, vector<16xi32>,
        %add3A_324 = arith.constant 100352 : i32
        %add3A_325 = vector.broadcast %add3A_324 : i32 to vector<16xi32>
        %add3A_326 = arith.addi %get3A_323, %add3A_325 : vector<16xi32>
        %swap3A_327 = arith.constant 2 : i32
        %swap3A_328 = arith.index_cast %swap3A_327 : i32 to index
        %swap3A_329 = arith.constant 0 : index
        %swap3A_330 = tpu.vector_load %arg11[%swap3A_328, %swap3A_329] {strides = array<i32>} : memref<16x128xi32, #tpu.memory_space<vmem>>, vector<16xi32>,
        tpu.vector_store %arg11[%swap3A_328, %swap3A_329], %add3A_326 {strides = array<i32>} : memref<16x128xi32, #tpu.memory_space<vmem>>, vector<16xi32>,
        %add3A_331 = arith.constant 200704 : i32
        %add3A_332 = vector.broadcast %add3A_331 : i32 to vector<16xi32>
        %add3A_333 = arith.addi %get3A_323, %add3A_332 : vector<16xi32>
        %swap3A_334 = arith.constant 10 : i32
        %swap3A_335 = arith.index_cast %swap3A_334 : i32 to index
        %swap3A_336 = arith.constant 0 : index
        %swap3A_337 = tpu.vector_load %arg11[%swap3A_335, %swap3A_336] {strides = array<i32>} : memref<16x128xi32, #tpu.memory_space<vmem>>, vector<16xi32>,
        tpu.vector_store %arg11[%swap3A_335, %swap3A_336], %add3A_333 {strides = array<i32>} : memref<16x128xi32, #tpu.memory_space<vmem>>, vector<16xi32>,
        %get3A_338 = arith.constant 2 : i32
        %get3A_339 = arith.index_cast %get3A_338 : i32 to index
        %get3A_340 = arith.constant 16 : index
        %get3A_341 = tpu.vector_load %arg10[%get3A_339, %get3A_340] {strides = array<i32>} : memref<8x128xi32, #tpu.memory_space<vmem>>, vector<16xi32>,
        %add3A_342 = arith.constant 100352 : i32
        %add3A_343 = vector.broadcast %add3A_342 : i32 to vector<16xi32>
        %add3A_344 = arith.addi %get3A_341, %add3A_343 : vector<16xi32>
        %swap3A_345 = arith.constant 2 : i32
        %swap3A_346 = arith.index_cast %swap3A_345 : i32 to index
        %swap3A_347 = arith.constant 16 : index
        %swap3A_348 = tpu.vector_load %arg11[%swap3A_346, %swap3A_347] {strides = array<i32>} : memref<16x128xi32, #tpu.memory_space<vmem>>, vector<16xi32>,
        tpu.vector_store %arg11[%swap3A_346, %swap3A_347], %add3A_344 {strides = array<i32>} : memref<16x128xi32, #tpu.memory_space<vmem>>, vector<16xi32>,
        %add3A_349 = arith.constant 200704 : i32
        %add3A_350 = vector.broadcast %add3A_349 : i32 to vector<16xi32>
        %add3A_351 = arith.addi %get3A_341, %add3A_350 : vector<16xi32>
        %swap3A_352 = arith.constant 10 : i32
        %swap3A_353 = arith.index_cast %swap3A_352 : i32 to index
        %swap3A_354 = arith.constant 16 : index
        %swap3A_355 = tpu.vector_load %arg11[%swap3A_353, %swap3A_354] {strides = array<i32>} : memref<16x128xi32, #tpu.memory_space<vmem>>, vector<16xi32>,
        tpu.vector_store %arg11[%swap3A_353, %swap3A_354], %add3A_351 {strides = array<i32>} : memref<16x128xi32, #tpu.memory_space<vmem>>, vector<16xi32>,
        %get3A_356 = arith.constant 2 : i32
        %get3A_357 = arith.index_cast %get3A_356 : i32 to index
        %get3A_358 = arith.constant 32 : index
        %get3A_359 = tpu.vector_load %arg10[%get3A_357, %get3A_358] {strides = array<i32>} : memref<8x128xi32, #tpu.memory_space<vmem>>, vector<16xi32>,
        %add3A_360 = arith.constant 100352 : i32
        %add3A_361 = vector.broadcast %add3A_360 : i32 to vector<16xi32>
        %add3A_362 = arith.addi %get3A_359, %add3A_361 : vector<16xi32>
        %swap3A_363 = arith.constant 2 : i32
        %swap3A_364 = arith.index_cast %swap3A_363 : i32 to index
        %swap3A_365 = arith.constant 32 : index
        %swap3A_366 = tpu.vector_load %arg11[%swap3A_364, %swap3A_365] {strides = array<i32>} : memref<16x128xi32, #tpu.memory_space<vmem>>, vector<16xi32>,
        tpu.vector_store %arg11[%swap3A_364, %swap3A_365], %add3A_362 {strides = array<i32>} : memref<16x128xi32, #tpu.memory_space<vmem>>, vector<16xi32>,
        %add3A_367 = arith.constant 200704 : i32
        %add3A_368 = vector.broadcast %add3A_367 : i32 to vector<16xi32>
        %add3A_369 = arith.addi %get3A_359, %add3A_368 : vector<16xi32>
        %swap3A_370 = arith.constant 10 : i32
        %swap3A_371 = arith.index_cast %swap3A_370 : i32 to index
        %swap3A_372 = arith.constant 32 : index
        %swap3A_373 = tpu.vector_load %arg11[%swap3A_371, %swap3A_372] {strides = array<i32>} : memref<16x128xi32, #tpu.memory_space<vmem>>, vector<16xi32>,
        tpu.vector_store %arg11[%swap3A_371, %swap3A_372], %add3A_369 {strides = array<i32>} : memref<16x128xi32, #tpu.memory_space<vmem>>, vector<16xi32>,
        %get3A_374 = arith.constant 2 : i32
        %get3A_375 = arith.index_cast %get3A_374 : i32 to index
        %get3A_376 = arith.constant 48 : index
        %get3A_377 = tpu.vector_load %arg10[%get3A_375, %get3A_376] {strides = array<i32>} : memref<8x128xi32, #tpu.memory_space<vmem>>, vector<16xi32>,
        %add3A_378 = arith.constant 100352 : i32
        %add3A_379 = vector.broadcast %add3A_378 : i32 to vector<16xi32>
        %add3A_380 = arith.addi %get3A_377, %add3A_379 : vector<16xi32>
        %swap3A_381 = arith.constant 2 : i32
        %swap3A_382 = arith.index_cast %swap3A_381 : i32 to index
        %swap3A_383 = arith.constant 48 : index
        %swap3A_384 = tpu.vector_load %arg11[%swap3A_382, %swap3A_383] {strides = array<i32>} : memref<16x128xi32, #tpu.memory_space<vmem>>, vector<16xi32>,
        tpu.vector_store %arg11[%swap3A_382, %swap3A_383], %add3A_380 {strides = array<i32>} : memref<16x128xi32, #tpu.memory_space<vmem>>, vector<16xi32>,
        %add3A_385 = arith.constant 200704 : i32
        %add3A_386 = vector.broadcast %add3A_385 : i32 to vector<16xi32>
        %add3A_387 = arith.addi %get3A_377, %add3A_386 : vector<16xi32>
        %swap3A_388 = arith.constant 10 : i32
        %swap3A_389 = arith.index_cast %swap3A_388 : i32 to index
        %swap3A_390 = arith.constant 48 : index
        %swap3A_391 = tpu.vector_load %arg11[%swap3A_389, %swap3A_390] {strides = array<i32>} : memref<16x128xi32, #tpu.memory_space<vmem>>, vector<16xi32>,
        tpu.vector_store %arg11[%swap3A_389, %swap3A_390], %add3A_387 {strides = array<i32>} : memref<16x128xi32, #tpu.memory_space<vmem>>, vector<16xi32>,
        %get3A_392 = arith.constant 2 : i32
        %get3A_393 = arith.index_cast %get3A_392 : i32 to index
        %get3A_394 = arith.constant 64 : index
        %get3A_395 = tpu.vector_load %arg10[%get3A_393, %get3A_394] {strides = array<i32>} : memref<8x128xi32, #tpu.memory_space<vmem>>, vector<16xi32>,
        %add3A_396 = arith.constant 100352 : i32
        %add3A_397 = vector.broadcast %add3A_396 : i32 to vector<16xi32>
        %add3A_398 = arith.addi %get3A_395, %add3A_397 : vector<16xi32>
        %swap3A_399 = arith.constant 2 : i32
        %swap3A_400 = arith.index_cast %swap3A_399 : i32 to index
        %swap3A_401 = arith.constant 64 : index
        %swap3A_402 = tpu.vector_load %arg11[%swap3A_400, %swap3A_401] {strides = array<i32>} : memref<16x128xi32, #tpu.memory_space<vmem>>, vector<16xi32>,
        tpu.vector_store %arg11[%swap3A_400, %swap3A_401], %add3A_398 {strides = array<i32>} : memref<16x128xi32, #tpu.memory_space<vmem>>, vector<16xi32>,
        %add3A_403 = arith.constant 200704 : i32
        %add3A_404 = vector.broadcast %add3A_403 : i32 to vector<16xi32>
        %add3A_405 = arith.addi %get3A_395, %add3A_404 : vector<16xi32>
        %swap3A_406 = arith.constant 10 : i32
        %swap3A_407 = arith.index_cast %swap3A_406 : i32 to index
        %swap3A_408 = arith.constant 64 : index
        %swap3A_409 = tpu.vector_load %arg11[%swap3A_407, %swap3A_408] {strides = array<i32>} : memref<16x128xi32, #tpu.memory_space<vmem>>, vector<16xi32>,
        tpu.vector_store %arg11[%swap3A_407, %swap3A_408], %add3A_405 {strides = array<i32>} : memref<16x128xi32, #tpu.memory_space<vmem>>, vector<16xi32>,
        %get3A_410 = arith.constant 2 : i32
        %get3A_411 = arith.index_cast %get3A_410 : i32 to index
        %get3A_412 = arith.constant 80 : index
        %get3A_413 = tpu.vector_load %arg10[%get3A_411, %get3A_412] {strides = array<i32>} : memref<8x128xi32, #tpu.memory_space<vmem>>, vector<16xi32>,
        %add3A_414 = arith.constant 100352 : i32
        %add3A_415 = vector.broadcast %add3A_414 : i32 to vector<16xi32>
        %add3A_416 = arith.addi %get3A_413, %add3A_415 : vector<16xi32>
        %swap3A_417 = arith.constant 2 : i32
        %swap3A_418 = arith.index_cast %swap3A_417 : i32 to index
        %swap3A_419 = arith.constant 80 : index
        %swap3A_420 = tpu.vector_load %arg11[%swap3A_418, %swap3A_419] {strides = array<i32>} : memref<16x128xi32, #tpu.memory_space<vmem>>, vector<16xi32>,
        tpu.vector_store %arg11[%swap3A_418, %swap3A_419], %add3A_416 {strides = array<i32>} : memref<16x128xi32, #tpu.memory_space<vmem>>, vector<16xi32>,
        %add3A_421 = arith.constant 200704 : i32
        %add3A_422 = vector.broadcast %add3A_421 : i32 to vector<16xi32>
        %add3A_423 = arith.addi %get3A_413, %add3A_422 : vector<16xi32>
        %swap3A_424 = arith.constant 10 : i32
        %swap3A_425 = arith.index_cast %swap3A_424 : i32 to index
        %swap3A_426 = arith.constant 80 : index
        %swap3A_427 = tpu.vector_load %arg11[%swap3A_425, %swap3A_426] {strides = array<i32>} : memref<16x128xi32, #tpu.memory_space<vmem>>, vector<16xi32>,
        tpu.vector_store %arg11[%swap3A_425, %swap3A_426], %add3A_423 {strides = array<i32>} : memref<16x128xi32, #tpu.memory_space<vmem>>, vector<16xi32>,
        %get3A_428 = arith.constant 2 : i32
        %get3A_429 = arith.index_cast %get3A_428 : i32 to index
        %get3A_430 = arith.constant 96 : index
        %get3A_431 = tpu.vector_load %arg10[%get3A_429, %get3A_430] {strides = array<i32>} : memref<8x128xi32, #tpu.memory_space<vmem>>, vector<16xi32>,
        %add3A_432 = arith.constant 100352 : i32
        %add3A_433 = vector.broadcast %add3A_432 : i32 to vector<16xi32>
        %add3A_434 = arith.addi %get3A_431, %add3A_433 : vector<16xi32>
        %swap3A_435 = arith.constant 2 : i32
        %swap3A_436 = arith.index_cast %swap3A_435 : i32 to index
        %swap3A_437 = arith.constant 96 : index
        %swap3A_438 = tpu.vector_load %arg11[%swap3A_436, %swap3A_437] {strides = array<i32>} : memref<16x128xi32, #tpu.memory_space<vmem>>, vector<16xi32>,
        tpu.vector_store %arg11[%swap3A_436, %swap3A_437], %add3A_434 {strides = array<i32>} : memref<16x128xi32, #tpu.memory_space<vmem>>, vector<16xi32>,
        %add3A_439 = arith.constant 200704 : i32
        %add3A_440 = vector.broadcast %add3A_439 : i32 to vector<16xi32>
        %add3A_441 = arith.addi %get3A_431, %add3A_440 : vector<16xi32>
        %swap3A_442 = arith.constant 10 : i32
        %swap3A_443 = arith.index_cast %swap3A_442 : i32 to index
        %swap3A_444 = arith.constant 96 : index
        %swap3A_445 = tpu.vector_load %arg11[%swap3A_443, %swap3A_444] {strides = array<i32>} : memref<16x128xi32, #tpu.memory_space<vmem>>, vector<16xi32>,
        tpu.vector_store %arg11[%swap3A_443, %swap3A_444], %add3A_441 {strides = array<i32>} : memref<16x128xi32, #tpu.memory_space<vmem>>, vector<16xi32>,
        %get3A_446 = arith.constant 2 : i32
        %get3A_447 = arith.index_cast %get3A_446 : i32 to index
        %get3A_448 = arith.constant 112 : index
        %get3A_449 = tpu.vector_load %arg10[%get3A_447, %get3A_448] {strides = array<i32>} : memref<8x128xi32, #tpu.memory_space<vmem>>, vector<16xi32>,
        %add3A_450 = arith.constant 100352 : i32
        %add3A_451 = vector.broadcast %add3A_450 : i32 to vector<16xi32>
        %add3A_452 = arith.addi %get3A_449, %add3A_451 : vector<16xi32>
        %swap3A_453 = arith.constant 2 : i32
        %swap3A_454 = arith.index_cast %swap3A_453 : i32 to index
        %swap3A_455 = arith.constant 112 : index
        %swap3A_456 = tpu.vector_load %arg11[%swap3A_454, %swap3A_455] {strides = array<i32>} : memref<16x128xi32, #tpu.memory_space<vmem>>, vector<16xi32>,
        tpu.vector_store %arg11[%swap3A_454, %swap3A_455], %add3A_452 {strides = array<i32>} : memref<16x128xi32, #tpu.memory_space<vmem>>, vector<16xi32>,
        %add3A_457 = arith.constant 200704 : i32
        %add3A_458 = vector.broadcast %add3A_457 : i32 to vector<16xi32>
        %add3A_459 = arith.addi %get3A_449, %add3A_458 : vector<16xi32>
        %swap3A_460 = arith.constant 10 : i32
        %swap3A_461 = arith.index_cast %swap3A_460 : i32 to index
        %swap3A_462 = arith.constant 112 : index
        %swap3A_463 = tpu.vector_load %arg11[%swap3A_461, %swap3A_462] {strides = array<i32>} : memref<16x128xi32, #tpu.memory_space<vmem>>, vector<16xi32>,
        tpu.vector_store %arg11[%swap3A_461, %swap3A_462], %add3A_459 {strides = array<i32>} : memref<16x128xi32, #tpu.memory_space<vmem>>, vector<16xi32>,
        %get3A_464 = arith.constant 3 : i32
        %get3A_465 = arith.index_cast %get3A_464 : i32 to index
        %get3A_466 = arith.constant 0 : index
        %get3A_467 = tpu.vector_load %arg10[%get3A_465, %get3A_466] {strides = array<i32>} : memref<8x128xi32, #tpu.memory_space<vmem>>, vector<16xi32>,
        %add3A_468 = arith.constant 100352 : i32
        %add3A_469 = vector.broadcast %add3A_468 : i32 to vector<16xi32>
        %add3A_470 = arith.addi %get3A_467, %add3A_469 : vector<16xi32>
        %swap3A_471 = arith.constant 3 : i32
        %swap3A_472 = arith.index_cast %swap3A_471 : i32 to index
        %swap3A_473 = arith.constant 0 : index
        %swap3A_474 = tpu.vector_load %arg11[%swap3A_472, %swap3A_473] {strides = array<i32>} : memref<16x128xi32, #tpu.memory_space<vmem>>, vector<16xi32>,
        tpu.vector_store %arg11[%swap3A_472, %swap3A_473], %add3A_470 {strides = array<i32>} : memref<16x128xi32, #tpu.memory_space<vmem>>, vector<16xi32>,
        %add3A_475 = arith.constant 200704 : i32
        %add3A_476 = vector.broadcast %add3A_475 : i32 to vector<16xi32>
        %add3A_477 = arith.addi %get3A_467, %add3A_476 : vector<16xi32>
        %swap3A_478 = arith.constant 11 : i32
        %swap3A_479 = arith.index_cast %swap3A_478 : i32 to index
        %swap3A_480 = arith.constant 0 : index
        %swap3A_481 = tpu.vector_load %arg11[%swap3A_479, %swap3A_480] {strides = array<i32>} : memref<16x128xi32, #tpu.memory_space<vmem>>, vector<16xi32>,
        tpu.vector_store %arg11[%swap3A_479, %swap3A_480], %add3A_477 {strides = array<i32>} : memref<16x128xi32, #tpu.memory_space<vmem>>, vector<16xi32>,
        %get3A_482 = arith.constant 3 : i32
        %get3A_483 = arith.index_cast %get3A_482 : i32 to index
        %get3A_484 = arith.constant 16 : index
        %get3A_485 = tpu.vector_load %arg10[%get3A_483, %get3A_484] {strides = array<i32>} : memref<8x128xi32, #tpu.memory_space<vmem>>, vector<16xi32>,
        %add3A_486 = arith.constant 100352 : i32
        %add3A_487 = vector.broadcast %add3A_486 : i32 to vector<16xi32>
        %add3A_488 = arith.addi %get3A_485, %add3A_487 : vector<16xi32>
        %swap3A_489 = arith.constant 3 : i32
        %swap3A_490 = arith.index_cast %swap3A_489 : i32 to index
        %swap3A_491 = arith.constant 16 : index
        %swap3A_492 = tpu.vector_load %arg11[%swap3A_490, %swap3A_491] {strides = array<i32>} : memref<16x128xi32, #tpu.memory_space<vmem>>, vector<16xi32>,
        tpu.vector_store %arg11[%swap3A_490, %swap3A_491], %add3A_488 {strides = array<i32>} : memref<16x128xi32, #tpu.memory_space<vmem>>, vector<16xi32>,
        %add3A_493 = arith.constant 200704 : i32
        %add3A_494 = vector.broadcast %add3A_493 : i32 to vector<16xi32>
        %add3A_495 = arith.addi %get3A_485, %add3A_494 : vector<16xi32>
        %swap3A_496 = arith.constant 11 : i32
        %swap3A_497 = arith.index_cast %swap3A_496 : i32 to index
        %swap3A_498 = arith.constant 16 : index
        %swap3A_499 = tpu.vector_load %arg11[%swap3A_497, %swap3A_498] {strides = array<i32>} : memref<16x128xi32, #tpu.memory_space<vmem>>, vector<16xi32>,
        tpu.vector_store %arg11[%swap3A_497, %swap3A_498], %add3A_495 {strides = array<i32>} : memref<16x128xi32, #tpu.memory_space<vmem>>, vector<16xi32>,
        %get3A_500 = arith.constant 3 : i32
        %get3A_501 = arith.index_cast %get3A_500 : i32 to index
        %get3A_502 = arith.constant 32 : index
        %get3A_503 = tpu.vector_load %arg10[%get3A_501, %get3A_502] {strides = array<i32>} : memref<8x128xi32, #tpu.memory_space<vmem>>, vector<16xi32>,
        %add3A_504 = arith.constant 100352 : i32
        %add3A_505 = vector.broadcast %add3A_504 : i32 to vector<16xi32>
        %add3A_506 = arith.addi %get3A_503, %add3A_505 : vector<16xi32>
        %swap3A_507 = arith.constant 3 : i32
        %swap3A_508 = arith.index_cast %swap3A_507 : i32 to index
        %swap3A_509 = arith.constant 32 : index
        %swap3A_510 = tpu.vector_load %arg11[%swap3A_508, %swap3A_509] {strides = array<i32>} : memref<16x128xi32, #tpu.memory_space<vmem>>, vector<16xi32>,
        tpu.vector_store %arg11[%swap3A_508, %swap3A_509], %add3A_506 {strides = array<i32>} : memref<16x128xi32, #tpu.memory_space<vmem>>, vector<16xi32>,
        %add3A_511 = arith.constant 200704 : i32
        %add3A_512 = vector.broadcast %add3A_511 : i32 to vector<16xi32>
        %add3A_513 = arith.addi %get3A_503, %add3A_512 : vector<16xi32>
        %swap3A_514 = arith.constant 11 : i32
        %swap3A_515 = arith.index_cast %swap3A_514 : i32 to index
        %swap3A_516 = arith.constant 32 : index
        %swap3A_517 = tpu.vector_load %arg11[%swap3A_515, %swap3A_516] {strides = array<i32>} : memref<16x128xi32, #tpu.memory_space<vmem>>, vector<16xi32>,
        tpu.vector_store %arg11[%swap3A_515, %swap3A_516], %add3A_513 {strides = array<i32>} : memref<16x128xi32, #tpu.memory_space<vmem>>, vector<16xi32>,
        %get3A_518 = arith.constant 3 : i32
        %get3A_519 = arith.index_cast %get3A_518 : i32 to index
        %get3A_520 = arith.constant 48 : index
        %get3A_521 = tpu.vector_load %arg10[%get3A_519, %get3A_520] {strides = array<i32>} : memref<8x128xi32, #tpu.memory_space<vmem>>, vector<16xi32>,
        %add3A_522 = arith.constant 100352 : i32
        %add3A_523 = vector.broadcast %add3A_522 : i32 to vector<16xi32>
        %add3A_524 = arith.addi %get3A_521, %add3A_523 : vector<16xi32>
        %swap3A_525 = arith.constant 3 : i32
        %swap3A_526 = arith.index_cast %swap3A_525 : i32 to index
        %swap3A_527 = arith.constant 48 : index
        %swap3A_528 = tpu.vector_load %arg11[%swap3A_526, %swap3A_527] {strides = array<i32>} : memref<16x128xi32, #tpu.memory_space<vmem>>, vector<16xi32>,
        tpu.vector_store %arg11[%swap3A_526, %swap3A_527], %add3A_524 {strides = array<i32>} : memref<16x128xi32, #tpu.memory_space<vmem>>, vector<16xi32>,
        %add3A_529 = arith.constant 200704 : i32
        %add3A_530 = vector.broadcast %add3A_529 : i32 to vector<16xi32>
        %add3A_531 = arith.addi %get3A_521, %add3A_530 : vector<16xi32>
        %swap3A_532 = arith.constant 11 : i32
        %swap3A_533 = arith.index_cast %swap3A_532 : i32 to index
        %swap3A_534 = arith.constant 48 : index
        %swap3A_535 = tpu.vector_load %arg11[%swap3A_533, %swap3A_534] {strides = array<i32>} : memref<16x128xi32, #tpu.memory_space<vmem>>, vector<16xi32>,
        tpu.vector_store %arg11[%swap3A_533, %swap3A_534], %add3A_531 {strides = array<i32>} : memref<16x128xi32, #tpu.memory_space<vmem>>, vector<16xi32>,
        %get3A_536 = arith.constant 3 : i32
        %get3A_537 = arith.index_cast %get3A_536 : i32 to index
        %get3A_538 = arith.constant 64 : index
        %get3A_539 = tpu.vector_load %arg10[%get3A_537, %get3A_538] {strides = array<i32>} : memref<8x128xi32, #tpu.memory_space<vmem>>, vector<16xi32>,
        %add3A_540 = arith.constant 100352 : i32
        %add3A_541 = vector.broadcast %add3A_540 : i32 to vector<16xi32>
        %add3A_542 = arith.addi %get3A_539, %add3A_541 : vector<16xi32>
        %swap3A_543 = arith.constant 3 : i32
        %swap3A_544 = arith.index_cast %swap3A_543 : i32 to index
        %swap3A_545 = arith.constant 64 : index
        %swap3A_546 = tpu.vector_load %arg11[%swap3A_544, %swap3A_545] {strides = array<i32>} : memref<16x128xi32, #tpu.memory_space<vmem>>, vector<16xi32>,
        tpu.vector_store %arg11[%swap3A_544, %swap3A_545], %add3A_542 {strides = array<i32>} : memref<16x128xi32, #tpu.memory_space<vmem>>, vector<16xi32>,
        %add3A_547 = arith.constant 200704 : i32
        %add3A_548 = vector.broadcast %add3A_547 : i32 to vector<16xi32>
        %add3A_549 = arith.addi %get3A_539, %add3A_548 : vector<16xi32>
        %swap3A_550 = arith.constant 11 : i32
        %swap3A_551 = arith.index_cast %swap3A_550 : i32 to index
        %swap3A_552 = arith.constant 64 : index
        %swap3A_553 = tpu.vector_load %arg11[%swap3A_551, %swap3A_552] {strides = array<i32>} : memref<16x128xi32, #tpu.memory_space<vmem>>, vector<16xi32>,
        tpu.vector_store %arg11[%swap3A_551, %swap3A_552], %add3A_549 {strides = array<i32>} : memref<16x128xi32, #tpu.memory_space<vmem>>, vector<16xi32>,
        %get3A_554 = arith.constant 3 : i32
        %get3A_555 = arith.index_cast %get3A_554 : i32 to index
        %get3A_556 = arith.constant 80 : index
        %get3A_557 = tpu.vector_load %arg10[%get3A_555, %get3A_556] {strides = array<i32>} : memref<8x128xi32, #tpu.memory_space<vmem>>, vector<16xi32>,
        %add3A_558 = arith.constant 100352 : i32
        %add3A_559 = vector.broadcast %add3A_558 : i32 to vector<16xi32>
        %add3A_560 = arith.addi %get3A_557, %add3A_559 : vector<16xi32>
        %swap3A_561 = arith.constant 3 : i32
        %swap3A_562 = arith.index_cast %swap3A_561 : i32 to index
        %swap3A_563 = arith.constant 80 : index
        %swap3A_564 = tpu.vector_load %arg11[%swap3A_562, %swap3A_563] {strides = array<i32>} : memref<16x128xi32, #tpu.memory_space<vmem>>, vector<16xi32>,
        tpu.vector_store %arg11[%swap3A_562, %swap3A_563], %add3A_560 {strides = array<i32>} : memref<16x128xi32, #tpu.memory_space<vmem>>, vector<16xi32>,
        %add3A_565 = arith.constant 200704 : i32
        %add3A_566 = vector.broadcast %add3A_565 : i32 to vector<16xi32>
        %add3A_567 = arith.addi %get3A_557, %add3A_566 : vector<16xi32>
        %swap3A_568 = arith.constant 11 : i32
        %swap3A_569 = arith.index_cast %swap3A_568 : i32 to index
        %swap3A_570 = arith.constant 80 : index
        %swap3A_571 = tpu.vector_load %arg11[%swap3A_569, %swap3A_570] {strides = array<i32>} : memref<16x128xi32, #tpu.memory_space<vmem>>, vector<16xi32>,
        tpu.vector_store %arg11[%swap3A_569, %swap3A_570], %add3A_567 {strides = array<i32>} : memref<16x128xi32, #tpu.memory_space<vmem>>, vector<16xi32>,
        %get3A_572 = arith.constant 3 : i32
        %get3A_573 = arith.index_cast %get3A_572 : i32 to index
        %get3A_574 = arith.constant 96 : index
        %get3A_575 = tpu.vector_load %arg10[%get3A_573, %get3A_574] {strides = array<i32>} : memref<8x128xi32, #tpu.memory_space<vmem>>, vector<16xi32>,
        %add3A_576 = arith.constant 100352 : i32
        %add3A_577 = vector.broadcast %add3A_576 : i32 to vector<16xi32>
        %add3A_578 = arith.addi %get3A_575, %add3A_577 : vector<16xi32>
        %swap3A_579 = arith.constant 3 : i32
        %swap3A_580 = arith.index_cast %swap3A_579 : i32 to index
        %swap3A_581 = arith.constant 96 : index
        %swap3A_582 = tpu.vector_load %arg11[%swap3A_580, %swap3A_581] {strides = array<i32>} : memref<16x128xi32, #tpu.memory_space<vmem>>, vector<16xi32>,
        tpu.vector_store %arg11[%swap3A_580, %swap3A_581], %add3A_578 {strides = array<i32>} : memref<16x128xi32, #tpu.memory_space<vmem>>, vector<16xi32>,
        %add3A_583 = arith.constant 200704 : i32
        %add3A_584 = vector.broadcast %add3A_583 : i32 to vector<16xi32>
        %add3A_585 = arith.addi %get3A_575, %add3A_584 : vector<16xi32>
        %swap3A_586 = arith.constant 11 : i32
        %swap3A_587 = arith.index_cast %swap3A_586 : i32 to index
        %swap3A_588 = arith.constant 96 : index
        %swap3A_589 = tpu.vector_load %arg11[%swap3A_587, %swap3A_588] {strides = array<i32>} : memref<16x128xi32, #tpu.memory_space<vmem>>, vector<16xi32>,
        tpu.vector_store %arg11[%swap3A_587, %swap3A_588], %add3A_585 {strides = array<i32>} : memref<16x128xi32, #tpu.memory_space<vmem>>, vector<16xi32>,
        %get3A_590 = arith.constant 3 : i32
        %get3A_591 = arith.index_cast %get3A_590 : i32 to index
        %get3A_592 = arith.constant 112 : index
        %get3A_593 = tpu.vector_load %arg10[%get3A_591, %get3A_592] {strides = array<i32>} : memref<8x128xi32, #tpu.memory_space<vmem>>, vector<16xi32>,
        %add3A_594 = arith.constant 100352 : i32
        %add3A_595 = vector.broadcast %add3A_594 : i32 to vector<16xi32>
        %add3A_596 = arith.addi %get3A_593, %add3A_595 : vector<16xi32>
        %swap3A_597 = arith.constant 3 : i32
        %swap3A_598 = arith.index_cast %swap3A_597 : i32 to index
        %swap3A_599 = arith.constant 112 : index
        %swap3A_600 = tpu.vector_load %arg11[%swap3A_598, %swap3A_599] {strides = array<i32>} : memref<16x128xi32, #tpu.memory_space<vmem>>, vector<16xi32>,
        tpu.vector_store %arg11[%swap3A_598, %swap3A_599], %add3A_596 {strides = array<i32>} : memref<16x128xi32, #tpu.memory_space<vmem>>, vector<16xi32>,
        %add3A_601 = arith.constant 200704 : i32
        %add3A_602 = vector.broadcast %add3A_601 : i32 to vector<16xi32>
        %add3A_603 = arith.addi %get3A_593, %add3A_602 : vector<16xi32>
        %swap3A_604 = arith.constant 11 : i32
        %swap3A_605 = arith.index_cast %swap3A_604 : i32 to index
        %swap3A_606 = arith.constant 112 : index
        %swap3A_607 = tpu.vector_load %arg11[%swap3A_605, %swap3A_606] {strides = array<i32>} : memref<16x128xi32, #tpu.memory_space<vmem>>, vector<16xi32>,
        tpu.vector_store %arg11[%swap3A_605, %swap3A_606], %add3A_603 {strides = array<i32>} : memref<16x128xi32, #tpu.memory_space<vmem>>, vector<16xi32>,
        %get3A_608 = arith.constant 4 : i32
        %get3A_609 = arith.index_cast %get3A_608 : i32 to index
        %get3A_610 = arith.constant 0 : index
        %get3A_611 = tpu.vector_load %arg10[%get3A_609, %get3A_610] {strides = array<i32>} : memref<8x128xi32, #tpu.memory_space<vmem>>, vector<16xi32>,
        %add3A_612 = arith.constant 100352 : i32
        %add3A_613 = vector.broadcast %add3A_612 : i32 to vector<16xi32>
        %add3A_614 = arith.addi %get3A_611, %add3A_613 : vector<16xi32>
        %swap3A_615 = arith.constant 4 : i32
        %swap3A_616 = arith.index_cast %swap3A_615 : i32 to index
        %swap3A_617 = arith.constant 0 : index
        %swap3A_618 = tpu.vector_load %arg11[%swap3A_616, %swap3A_617] {strides = array<i32>} : memref<16x128xi32, #tpu.memory_space<vmem>>, vector<16xi32>,
        tpu.vector_store %arg11[%swap3A_616, %swap3A_617], %add3A_614 {strides = array<i32>} : memref<16x128xi32, #tpu.memory_space<vmem>>, vector<16xi32>,
        %add3A_619 = arith.constant 200704 : i32
        %add3A_620 = vector.broadcast %add3A_619 : i32 to vector<16xi32>
        %add3A_621 = arith.addi %get3A_611, %add3A_620 : vector<16xi32>
        %swap3A_622 = arith.constant 12 : i32
        %swap3A_623 = arith.index_cast %swap3A_622 : i32 to index
        %swap3A_624 = arith.constant 0 : index
        %swap3A_625 = tpu.vector_load %arg11[%swap3A_623, %swap3A_624] {strides = array<i32>} : memref<16x128xi32, #tpu.memory_space<vmem>>, vector<16xi32>,
        tpu.vector_store %arg11[%swap3A_623, %swap3A_624], %add3A_621 {strides = array<i32>} : memref<16x128xi32, #tpu.memory_space<vmem>>, vector<16xi32>,
        %get3A_626 = arith.constant 4 : i32
        %get3A_627 = arith.index_cast %get3A_626 : i32 to index
        %get3A_628 = arith.constant 16 : index
        %get3A_629 = tpu.vector_load %arg10[%get3A_627, %get3A_628] {strides = array<i32>} : memref<8x128xi32, #tpu.memory_space<vmem>>, vector<16xi32>,
        %add3A_630 = arith.constant 100352 : i32
        %add3A_631 = vector.broadcast %add3A_630 : i32 to vector<16xi32>
        %add3A_632 = arith.addi %get3A_629, %add3A_631 : vector<16xi32>
        %swap3A_633 = arith.constant 4 : i32
        %swap3A_634 = arith.index_cast %swap3A_633 : i32 to index
        %swap3A_635 = arith.constant 16 : index
        %swap3A_636 = tpu.vector_load %arg11[%swap3A_634, %swap3A_635] {strides = array<i32>} : memref<16x128xi32, #tpu.memory_space<vmem>>, vector<16xi32>,
        tpu.vector_store %arg11[%swap3A_634, %swap3A_635], %add3A_632 {strides = array<i32>} : memref<16x128xi32, #tpu.memory_space<vmem>>, vector<16xi32>,
        %add3A_637 = arith.constant 200704 : i32
        %add3A_638 = vector.broadcast %add3A_637 : i32 to vector<16xi32>
        %add3A_639 = arith.addi %get3A_629, %add3A_638 : vector<16xi32>
        %swap3A_640 = arith.constant 12 : i32
        %swap3A_641 = arith.index_cast %swap3A_640 : i32 to index
        %swap3A_642 = arith.constant 16 : index
        %swap3A_643 = tpu.vector_load %arg11[%swap3A_641, %swap3A_642] {strides = array<i32>} : memref<16x128xi32, #tpu.memory_space<vmem>>, vector<16xi32>,
        tpu.vector_store %arg11[%swap3A_641, %swap3A_642], %add3A_639 {strides = array<i32>} : memref<16x128xi32, #tpu.memory_space<vmem>>, vector<16xi32>,
        %get3A_644 = arith.constant 4 : i32
        %get3A_645 = arith.index_cast %get3A_644 : i32 to index
        %get3A_646 = arith.constant 32 : index
        %get3A_647 = tpu.vector_load %arg10[%get3A_645, %get3A_646] {strides = array<i32>} : memref<8x128xi32, #tpu.memory_space<vmem>>, vector<16xi32>,
        %add3A_648 = arith.constant 100352 : i32
        %add3A_649 = vector.broadcast %add3A_648 : i32 to vector<16xi32>
        %add3A_650 = arith.addi %get3A_647, %add3A_649 : vector<16xi32>
        %swap3A_651 = arith.constant 4 : i32
        %swap3A_652 = arith.index_cast %swap3A_651 : i32 to index
        %swap3A_653 = arith.constant 32 : index
        %swap3A_654 = tpu.vector_load %arg11[%swap3A_652, %swap3A_653] {strides = array<i32>} : memref<16x128xi32, #tpu.memory_space<vmem>>, vector<16xi32>,
        tpu.vector_store %arg11[%swap3A_652, %swap3A_653], %add3A_650 {strides = array<i32>} : memref<16x128xi32, #tpu.memory_space<vmem>>, vector<16xi32>,
        %add3A_655 = arith.constant 200704 : i32
        %add3A_656 = vector.broadcast %add3A_655 : i32 to vector<16xi32>
        %add3A_657 = arith.addi %get3A_647, %add3A_656 : vector<16xi32>
        %swap3A_658 = arith.constant 12 : i32
        %swap3A_659 = arith.index_cast %swap3A_658 : i32 to index
        %swap3A_660 = arith.constant 32 : index
        %swap3A_661 = tpu.vector_load %arg11[%swap3A_659, %swap3A_660] {strides = array<i32>} : memref<16x128xi32, #tpu.memory_space<vmem>>, vector<16xi32>,
        tpu.vector_store %arg11[%swap3A_659, %swap3A_660], %add3A_657 {strides = array<i32>} : memref<16x128xi32, #tpu.memory_space<vmem>>, vector<16xi32>,
        %get3A_662 = arith.constant 4 : i32
        %get3A_663 = arith.index_cast %get3A_662 : i32 to index
        %get3A_664 = arith.constant 48 : index
        %get3A_665 = tpu.vector_load %arg10[%get3A_663, %get3A_664] {strides = array<i32>} : memref<8x128xi32, #tpu.memory_space<vmem>>, vector<16xi32>,
        %add3A_666 = arith.constant 100352 : i32
        %add3A_667 = vector.broadcast %add3A_666 : i32 to vector<16xi32>
        %add3A_668 = arith.addi %get3A_665, %add3A_667 : vector<16xi32>
        %swap3A_669 = arith.constant 4 : i32
        %swap3A_670 = arith.index_cast %swap3A_669 : i32 to index
        %swap3A_671 = arith.constant 48 : index
        %swap3A_672 = tpu.vector_load %arg11[%swap3A_670, %swap3A_671] {strides = array<i32>} : memref<16x128xi32, #tpu.memory_space<vmem>>, vector<16xi32>,
        tpu.vector_store %arg11[%swap3A_670, %swap3A_671], %add3A_668 {strides = array<i32>} : memref<16x128xi32, #tpu.memory_space<vmem>>, vector<16xi32>,
        %add3A_673 = arith.constant 200704 : i32
        %add3A_674 = vector.broadcast %add3A_673 : i32 to vector<16xi32>
        %add3A_675 = arith.addi %get3A_665, %add3A_674 : vector<16xi32>
        %swap3A_676 = arith.constant 12 : i32
        %swap3A_677 = arith.index_cast %swap3A_676 : i32 to index
        %swap3A_678 = arith.constant 48 : index
        %swap3A_679 = tpu.vector_load %arg11[%swap3A_677, %swap3A_678] {strides = array<i32>} : memref<16x128xi32, #tpu.memory_space<vmem>>, vector<16xi32>,
        tpu.vector_store %arg11[%swap3A_677, %swap3A_678], %add3A_675 {strides = array<i32>} : memref<16x128xi32, #tpu.memory_space<vmem>>, vector<16xi32>,
        %get3A_680 = arith.constant 4 : i32
        %get3A_681 = arith.index_cast %get3A_680 : i32 to index
        %get3A_682 = arith.constant 64 : index
        %get3A_683 = tpu.vector_load %arg10[%get3A_681, %get3A_682] {strides = array<i32>} : memref<8x128xi32, #tpu.memory_space<vmem>>, vector<16xi32>,
        %add3A_684 = arith.constant 100352 : i32
        %add3A_685 = vector.broadcast %add3A_684 : i32 to vector<16xi32>
        %add3A_686 = arith.addi %get3A_683, %add3A_685 : vector<16xi32>
        %swap3A_687 = arith.constant 4 : i32
        %swap3A_688 = arith.index_cast %swap3A_687 : i32 to index
        %swap3A_689 = arith.constant 64 : index
        %swap3A_690 = tpu.vector_load %arg11[%swap3A_688, %swap3A_689] {strides = array<i32>} : memref<16x128xi32, #tpu.memory_space<vmem>>, vector<16xi32>,
        tpu.vector_store %arg11[%swap3A_688, %swap3A_689], %add3A_686 {strides = array<i32>} : memref<16x128xi32, #tpu.memory_space<vmem>>, vector<16xi32>,
        %add3A_691 = arith.constant 200704 : i32
        %add3A_692 = vector.broadcast %add3A_691 : i32 to vector<16xi32>
        %add3A_693 = arith.addi %get3A_683, %add3A_692 : vector<16xi32>
        %swap3A_694 = arith.constant 12 : i32
        %swap3A_695 = arith.index_cast %swap3A_694 : i32 to index
        %swap3A_696 = arith.constant 64 : index
        %swap3A_697 = tpu.vector_load %arg11[%swap3A_695, %swap3A_696] {strides = array<i32>} : memref<16x128xi32, #tpu.memory_space<vmem>>, vector<16xi32>,
        tpu.vector_store %arg11[%swap3A_695, %swap3A_696], %add3A_693 {strides = array<i32>} : memref<16x128xi32, #tpu.memory_space<vmem>>, vector<16xi32>,
        %get3A_698 = arith.constant 4 : i32
        %get3A_699 = arith.index_cast %get3A_698 : i32 to index
        %get3A_700 = arith.constant 80 : index
        %get3A_701 = tpu.vector_load %arg10[%get3A_699, %get3A_700] {strides = array<i32>} : memref<8x128xi32, #tpu.memory_space<vmem>>, vector<16xi32>,
        %add3A_702 = arith.constant 100352 : i32
        %add3A_703 = vector.broadcast %add3A_702 : i32 to vector<16xi32>
        %add3A_704 = arith.addi %get3A_701, %add3A_703 : vector<16xi32>
        %swap3A_705 = arith.constant 4 : i32
        %swap3A_706 = arith.index_cast %swap3A_705 : i32 to index
        %swap3A_707 = arith.constant 80 : index
        %swap3A_708 = tpu.vector_load %arg11[%swap3A_706, %swap3A_707] {strides = array<i32>} : memref<16x128xi32, #tpu.memory_space<vmem>>, vector<16xi32>,
        tpu.vector_store %arg11[%swap3A_706, %swap3A_707], %add3A_704 {strides = array<i32>} : memref<16x128xi32, #tpu.memory_space<vmem>>, vector<16xi32>,
        %add3A_709 = arith.constant 200704 : i32
        %add3A_710 = vector.broadcast %add3A_709 : i32 to vector<16xi32>
        %add3A_711 = arith.addi %get3A_701, %add3A_710 : vector<16xi32>
        %swap3A_712 = arith.constant 12 : i32
        %swap3A_713 = arith.index_cast %swap3A_712 : i32 to index
        %swap3A_714 = arith.constant 80 : index
        %swap3A_715 = tpu.vector_load %arg11[%swap3A_713, %swap3A_714] {strides = array<i32>} : memref<16x128xi32, #tpu.memory_space<vmem>>, vector<16xi32>,
        tpu.vector_store %arg11[%swap3A_713, %swap3A_714], %add3A_711 {strides = array<i32>} : memref<16x128xi32, #tpu.memory_space<vmem>>, vector<16xi32>,
        %get3A_716 = arith.constant 4 : i32
        %get3A_717 = arith.index_cast %get3A_716 : i32 to index
        %get3A_718 = arith.constant 96 : index
        %get3A_719 = tpu.vector_load %arg10[%get3A_717, %get3A_718] {strides = array<i32>} : memref<8x128xi32, #tpu.memory_space<vmem>>, vector<16xi32>,
        %add3A_720 = arith.constant 100352 : i32
        %add3A_721 = vector.broadcast %add3A_720 : i32 to vector<16xi32>
        %add3A_722 = arith.addi %get3A_719, %add3A_721 : vector<16xi32>
        %swap3A_723 = arith.constant 4 : i32
        %swap3A_724 = arith.index_cast %swap3A_723 : i32 to index
        %swap3A_725 = arith.constant 96 : index
        %swap3A_726 = tpu.vector_load %arg11[%swap3A_724, %swap3A_725] {strides = array<i32>} : memref<16x128xi32, #tpu.memory_space<vmem>>, vector<16xi32>,
        tpu.vector_store %arg11[%swap3A_724, %swap3A_725], %add3A_722 {strides = array<i32>} : memref<16x128xi32, #tpu.memory_space<vmem>>, vector<16xi32>,
        %add3A_727 = arith.constant 200704 : i32
        %add3A_728 = vector.broadcast %add3A_727 : i32 to vector<16xi32>
        %add3A_729 = arith.addi %get3A_719, %add3A_728 : vector<16xi32>
        %swap3A_730 = arith.constant 12 : i32
        %swap3A_731 = arith.index_cast %swap3A_730 : i32 to index
        %swap3A_732 = arith.constant 96 : index
        %swap3A_733 = tpu.vector_load %arg11[%swap3A_731, %swap3A_732] {strides = array<i32>} : memref<16x128xi32, #tpu.memory_space<vmem>>, vector<16xi32>,
        tpu.vector_store %arg11[%swap3A_731, %swap3A_732], %add3A_729 {strides = array<i32>} : memref<16x128xi32, #tpu.memory_space<vmem>>, vector<16xi32>,
        %get3A_734 = arith.constant 4 : i32
        %get3A_735 = arith.index_cast %get3A_734 : i32 to index
        %get3A_736 = arith.constant 112 : index
        %get3A_737 = tpu.vector_load %arg10[%get3A_735, %get3A_736] {strides = array<i32>} : memref<8x128xi32, #tpu.memory_space<vmem>>, vector<16xi32>,
        %add3A_738 = arith.constant 100352 : i32
        %add3A_739 = vector.broadcast %add3A_738 : i32 to vector<16xi32>
        %add3A_740 = arith.addi %get3A_737, %add3A_739 : vector<16xi32>
        %swap3A_741 = arith.constant 4 : i32
        %swap3A_742 = arith.index_cast %swap3A_741 : i32 to index
        %swap3A_743 = arith.constant 112 : index
        %swap3A_744 = tpu.vector_load %arg11[%swap3A_742, %swap3A_743] {strides = array<i32>} : memref<16x128xi32, #tpu.memory_space<vmem>>, vector<16xi32>,
        tpu.vector_store %arg11[%swap3A_742, %swap3A_743], %add3A_740 {strides = array<i32>} : memref<16x128xi32, #tpu.memory_space<vmem>>, vector<16xi32>,
        %add3A_745 = arith.constant 200704 : i32
        %add3A_746 = vector.broadcast %add3A_745 : i32 to vector<16xi32>
        %add3A_747 = arith.addi %get3A_737, %add3A_746 : vector<16xi32>
        %swap3A_748 = arith.constant 12 : i32
        %swap3A_749 = arith.index_cast %swap3A_748 : i32 to index
        %swap3A_750 = arith.constant 112 : index
        %swap3A_751 = tpu.vector_load %arg11[%swap3A_749, %swap3A_750] {strides = array<i32>} : memref<16x128xi32, #tpu.memory_space<vmem>>, vector<16xi32>,
        tpu.vector_store %arg11[%swap3A_749, %swap3A_750], %add3A_747 {strides = array<i32>} : memref<16x128xi32, #tpu.memory_space<vmem>>, vector<16xi32>,
        %get3A_752 = arith.constant 5 : i32
        %get3A_753 = arith.index_cast %get3A_752 : i32 to index
        %get3A_754 = arith.constant 0 : index
        %get3A_755 = tpu.vector_load %arg10[%get3A_753, %get3A_754] {strides = array<i32>} : memref<8x128xi32, #tpu.memory_space<vmem>>, vector<16xi32>,
        %add3A_756 = arith.constant 100352 : i32
        %add3A_757 = vector.broadcast %add3A_756 : i32 to vector<16xi32>
        %add3A_758 = arith.addi %get3A_755, %add3A_757 : vector<16xi32>
        %swap3A_759 = arith.constant 5 : i32
        %swap3A_760 = arith.index_cast %swap3A_759 : i32 to index
        %swap3A_761 = arith.constant 0 : index
        %swap3A_762 = tpu.vector_load %arg11[%swap3A_760, %swap3A_761] {strides = array<i32>} : memref<16x128xi32, #tpu.memory_space<vmem>>, vector<16xi32>,
        tpu.vector_store %arg11[%swap3A_760, %swap3A_761], %add3A_758 {strides = array<i32>} : memref<16x128xi32, #tpu.memory_space<vmem>>, vector<16xi32>,
        %add3A_763 = arith.constant 200704 : i32
        %add3A_764 = vector.broadcast %add3A_763 : i32 to vector<16xi32>
        %add3A_765 = arith.addi %get3A_755, %add3A_764 : vector<16xi32>
        %swap3A_766 = arith.constant 13 : i32
        %swap3A_767 = arith.index_cast %swap3A_766 : i32 to index
        %swap3A_768 = arith.constant 0 : index
        %swap3A_769 = tpu.vector_load %arg11[%swap3A_767, %swap3A_768] {strides = array<i32>} : memref<16x128xi32, #tpu.memory_space<vmem>>, vector<16xi32>,
        tpu.vector_store %arg11[%swap3A_767, %swap3A_768], %add3A_765 {strides = array<i32>} : memref<16x128xi32, #tpu.memory_space<vmem>>, vector<16xi32>,
        %get3A_770 = arith.constant 5 : i32
        %get3A_771 = arith.index_cast %get3A_770 : i32 to index
        %get3A_772 = arith.constant 16 : index
        %get3A_773 = tpu.vector_load %arg10[%get3A_771, %get3A_772] {strides = array<i32>} : memref<8x128xi32, #tpu.memory_space<vmem>>, vector<16xi32>,
        %add3A_774 = arith.constant 100352 : i32
        %add3A_775 = vector.broadcast %add3A_774 : i32 to vector<16xi32>
        %add3A_776 = arith.addi %get3A_773, %add3A_775 : vector<16xi32>
        %swap3A_777 = arith.constant 5 : i32
        %swap3A_778 = arith.index_cast %swap3A_777 : i32 to index
        %swap3A_779 = arith.constant 16 : index
        %swap3A_780 = tpu.vector_load %arg11[%swap3A_778, %swap3A_779] {strides = array<i32>} : memref<16x128xi32, #tpu.memory_space<vmem>>, vector<16xi32>,
        tpu.vector_store %arg11[%swap3A_778, %swap3A_779], %add3A_776 {strides = array<i32>} : memref<16x128xi32, #tpu.memory_space<vmem>>, vector<16xi32>,
        %add3A_781 = arith.constant 200704 : i32
        %add3A_782 = vector.broadcast %add3A_781 : i32 to vector<16xi32>
        %add3A_783 = arith.addi %get3A_773, %add3A_782 : vector<16xi32>
        %swap3A_784 = arith.constant 13 : i32
        %swap3A_785 = arith.index_cast %swap3A_784 : i32 to index
        %swap3A_786 = arith.constant 16 : index
        %swap3A_787 = tpu.vector_load %arg11[%swap3A_785, %swap3A_786] {strides = array<i32>} : memref<16x128xi32, #tpu.memory_space<vmem>>, vector<16xi32>,
        tpu.vector_store %arg11[%swap3A_785, %swap3A_786], %add3A_783 {strides = array<i32>} : memref<16x128xi32, #tpu.memory_space<vmem>>, vector<16xi32>,
        %get3A_788 = arith.constant 5 : i32
        %get3A_789 = arith.index_cast %get3A_788 : i32 to index
        %get3A_790 = arith.constant 32 : index
        %get3A_791 = tpu.vector_load %arg10[%get3A_789, %get3A_790] {strides = array<i32>} : memref<8x128xi32, #tpu.memory_space<vmem>>, vector<16xi32>,
        %add3A_792 = arith.constant 100352 : i32
        %add3A_793 = vector.broadcast %add3A_792 : i32 to vector<16xi32>
        %add3A_794 = arith.addi %get3A_791, %add3A_793 : vector<16xi32>
        %swap3A_795 = arith.constant 5 : i32
        %swap3A_796 = arith.index_cast %swap3A_795 : i32 to index
        %swap3A_797 = arith.constant 32 : index
        %swap3A_798 = tpu.vector_load %arg11[%swap3A_796, %swap3A_797] {strides = array<i32>} : memref<16x128xi32, #tpu.memory_space<vmem>>, vector<16xi32>,
        tpu.vector_store %arg11[%swap3A_796, %swap3A_797], %add3A_794 {strides = array<i32>} : memref<16x128xi32, #tpu.memory_space<vmem>>, vector<16xi32>,
        %add3A_799 = arith.constant 200704 : i32
        %add3A_800 = vector.broadcast %add3A_799 : i32 to vector<16xi32>
        %add3A_801 = arith.addi %get3A_791, %add3A_800 : vector<16xi32>
        %swap3A_802 = arith.constant 13 : i32
        %swap3A_803 = arith.index_cast %swap3A_802 : i32 to index
        %swap3A_804 = arith.constant 32 : index
        %swap3A_805 = tpu.vector_load %arg11[%swap3A_803, %swap3A_804] {strides = array<i32>} : memref<16x128xi32, #tpu.memory_space<vmem>>, vector<16xi32>,
        tpu.vector_store %arg11[%swap3A_803, %swap3A_804], %add3A_801 {strides = array<i32>} : memref<16x128xi32, #tpu.memory_space<vmem>>, vector<16xi32>,
        %get3A_806 = arith.constant 5 : i32
        %get3A_807 = arith.index_cast %get3A_806 : i32 to index
        %get3A_808 = arith.constant 48 : index
        %get3A_809 = tpu.vector_load %arg10[%get3A_807, %get3A_808] {strides = array<i32>} : memref<8x128xi32, #tpu.memory_space<vmem>>, vector<16xi32>,
        %add3A_810 = arith.constant 100352 : i32
        %add3A_811 = vector.broadcast %add3A_810 : i32 to vector<16xi32>
        %add3A_812 = arith.addi %get3A_809, %add3A_811 : vector<16xi32>
        %swap3A_813 = arith.constant 5 : i32
        %swap3A_814 = arith.index_cast %swap3A_813 : i32 to index
        %swap3A_815 = arith.constant 48 : index
        %swap3A_816 = tpu.vector_load %arg11[%swap3A_814, %swap3A_815] {strides = array<i32>} : memref<16x128xi32, #tpu.memory_space<vmem>>, vector<16xi32>,
        tpu.vector_store %arg11[%swap3A_814, %swap3A_815], %add3A_812 {strides = array<i32>} : memref<16x128xi32, #tpu.memory_space<vmem>>, vector<16xi32>,
        %add3A_817 = arith.constant 200704 : i32
        %add3A_818 = vector.broadcast %add3A_817 : i32 to vector<16xi32>
        %add3A_819 = arith.addi %get3A_809, %add3A_818 : vector<16xi32>
        %swap3A_820 = arith.constant 13 : i32
        %swap3A_821 = arith.index_cast %swap3A_820 : i32 to index
        %swap3A_822 = arith.constant 48 : index
        %swap3A_823 = tpu.vector_load %arg11[%swap3A_821, %swap3A_822] {strides = array<i32>} : memref<16x128xi32, #tpu.memory_space<vmem>>, vector<16xi32>,
        tpu.vector_store %arg11[%swap3A_821, %swap3A_822], %add3A_819 {strides = array<i32>} : memref<16x128xi32, #tpu.memory_space<vmem>>, vector<16xi32>,
        %get3A_824 = arith.constant 5 : i32
        %get3A_825 = arith.index_cast %get3A_824 : i32 to index
        %get3A_826 = arith.constant 64 : index
        %get3A_827 = tpu.vector_load %arg10[%get3A_825, %get3A_826] {strides = array<i32>} : memref<8x128xi32, #tpu.memory_space<vmem>>, vector<16xi32>,
        %add3A_828 = arith.constant 100352 : i32
        %add3A_829 = vector.broadcast %add3A_828 : i32 to vector<16xi32>
        %add3A_830 = arith.addi %get3A_827, %add3A_829 : vector<16xi32>
        %swap3A_831 = arith.constant 5 : i32
        %swap3A_832 = arith.index_cast %swap3A_831 : i32 to index
        %swap3A_833 = arith.constant 64 : index
        %swap3A_834 = tpu.vector_load %arg11[%swap3A_832, %swap3A_833] {strides = array<i32>} : memref<16x128xi32, #tpu.memory_space<vmem>>, vector<16xi32>,
        tpu.vector_store %arg11[%swap3A_832, %swap3A_833], %add3A_830 {strides = array<i32>} : memref<16x128xi32, #tpu.memory_space<vmem>>, vector<16xi32>,
        %add3A_835 = arith.constant 200704 : i32
        %add3A_836 = vector.broadcast %add3A_835 : i32 to vector<16xi32>
        %add3A_837 = arith.addi %get3A_827, %add3A_836 : vector<16xi32>
        %swap3A_838 = arith.constant 13 : i32
        %swap3A_839 = arith.index_cast %swap3A_838 : i32 to index
        %swap3A_840 = arith.constant 64 : index
        %swap3A_841 = tpu.vector_load %arg11[%swap3A_839, %swap3A_840] {strides = array<i32>} : memref<16x128xi32, #tpu.memory_space<vmem>>, vector<16xi32>,
        tpu.vector_store %arg11[%swap3A_839, %swap3A_840], %add3A_837 {strides = array<i32>} : memref<16x128xi32, #tpu.memory_space<vmem>>, vector<16xi32>,
        %get3A_842 = arith.constant 5 : i32
        %get3A_843 = arith.index_cast %get3A_842 : i32 to index
        %get3A_844 = arith.constant 80 : index
        %get3A_845 = tpu.vector_load %arg10[%get3A_843, %get3A_844] {strides = array<i32>} : memref<8x128xi32, #tpu.memory_space<vmem>>, vector<16xi32>,
        %add3A_846 = arith.constant 100352 : i32
        %add3A_847 = vector.broadcast %add3A_846 : i32 to vector<16xi32>
        %add3A_848 = arith.addi %get3A_845, %add3A_847 : vector<16xi32>
        %swap3A_849 = arith.constant 5 : i32
        %swap3A_850 = arith.index_cast %swap3A_849 : i32 to index
        %swap3A_851 = arith.constant 80 : index
        %swap3A_852 = tpu.vector_load %arg11[%swap3A_850, %swap3A_851] {strides = array<i32>} : memref<16x128xi32, #tpu.memory_space<vmem>>, vector<16xi32>,
        tpu.vector_store %arg11[%swap3A_850, %swap3A_851], %add3A_848 {strides = array<i32>} : memref<16x128xi32, #tpu.memory_space<vmem>>, vector<16xi32>,
        %add3A_853 = arith.constant 200704 : i32
        %add3A_854 = vector.broadcast %add3A_853 : i32 to vector<16xi32>
        %add3A_855 = arith.addi %get3A_845, %add3A_854 : vector<16xi32>
        %swap3A_856 = arith.constant 13 : i32
        %swap3A_857 = arith.index_cast %swap3A_856 : i32 to index
        %swap3A_858 = arith.constant 80 : index
        %swap3A_859 = tpu.vector_load %arg11[%swap3A_857, %swap3A_858] {strides = array<i32>} : memref<16x128xi32, #tpu.memory_space<vmem>>, vector<16xi32>,
        tpu.vector_store %arg11[%swap3A_857, %swap3A_858], %add3A_855 {strides = array<i32>} : memref<16x128xi32, #tpu.memory_space<vmem>>, vector<16xi32>,
        %get3A_860 = arith.constant 5 : i32
        %get3A_861 = arith.index_cast %get3A_860 : i32 to index
        %get3A_862 = arith.constant 96 : index
        %get3A_863 = tpu.vector_load %arg10[%get3A_861, %get3A_862] {strides = array<i32>} : memref<8x128xi32, #tpu.memory_space<vmem>>, vector<16xi32>,
        %add3A_864 = arith.constant 100352 : i32
        %add3A_865 = vector.broadcast %add3A_864 : i32 to vector<16xi32>
        %add3A_866 = arith.addi %get3A_863, %add3A_865 : vector<16xi32>
        %swap3A_867 = arith.constant 5 : i32
        %swap3A_868 = arith.index_cast %swap3A_867 : i32 to index
        %swap3A_869 = arith.constant 96 : index
        %swap3A_870 = tpu.vector_load %arg11[%swap3A_868, %swap3A_869] {strides = array<i32>} : memref<16x128xi32, #tpu.memory_space<vmem>>, vector<16xi32>,
        tpu.vector_store %arg11[%swap3A_868, %swap3A_869], %add3A_866 {strides = array<i32>} : memref<16x128xi32, #tpu.memory_space<vmem>>, vector<16xi32>,
        %add3A_871 = arith.constant 200704 : i32
        %add3A_872 = vector.broadcast %add3A_871 : i32 to vector<16xi32>
        %add3A_873 = arith.addi %get3A_863, %add3A_872 : vector<16xi32>
        %swap3A_874 = arith.constant 13 : i32
        %swap3A_875 = arith.index_cast %swap3A_874 : i32 to index
        %swap3A_876 = arith.constant 96 : index
        %swap3A_877 = tpu.vector_load %arg11[%swap3A_875, %swap3A_876] {strides = array<i32>} : memref<16x128xi32, #tpu.memory_space<vmem>>, vector<16xi32>,
        tpu.vector_store %arg11[%swap3A_875, %swap3A_876], %add3A_873 {strides = array<i32>} : memref<16x128xi32, #tpu.memory_space<vmem>>, vector<16xi32>,
        %get3A_878 = arith.constant 5 : i32
        %get3A_879 = arith.index_cast %get3A_878 : i32 to index
        %get3A_880 = arith.constant 112 : index
        %get3A_881 = tpu.vector_load %arg10[%get3A_879, %get3A_880] {strides = array<i32>} : memref<8x128xi32, #tpu.memory_space<vmem>>, vector<16xi32>,
        %add3A_882 = arith.constant 100352 : i32
        %add3A_883 = vector.broadcast %add3A_882 : i32 to vector<16xi32>
        %add3A_884 = arith.addi %get3A_881, %add3A_883 : vector<16xi32>
        %swap3A_885 = arith.constant 5 : i32
        %swap3A_886 = arith.index_cast %swap3A_885 : i32 to index
        %swap3A_887 = arith.constant 112 : index
        %swap3A_888 = tpu.vector_load %arg11[%swap3A_886, %swap3A_887] {strides = array<i32>} : memref<16x128xi32, #tpu.memory_space<vmem>>, vector<16xi32>,
        tpu.vector_store %arg11[%swap3A_886, %swap3A_887], %add3A_884 {strides = array<i32>} : memref<16x128xi32, #tpu.memory_space<vmem>>, vector<16xi32>,
        %add3A_889 = arith.constant 200704 : i32
        %add3A_890 = vector.broadcast %add3A_889 : i32 to vector<16xi32>
        %add3A_891 = arith.addi %get3A_881, %add3A_890 : vector<16xi32>
        %swap3A_892 = arith.constant 13 : i32
        %swap3A_893 = arith.index_cast %swap3A_892 : i32 to index
        %swap3A_894 = arith.constant 112 : index
        %swap3A_895 = tpu.vector_load %arg11[%swap3A_893, %swap3A_894] {strides = array<i32>} : memref<16x128xi32, #tpu.memory_space<vmem>>, vector<16xi32>,
        tpu.vector_store %arg11[%swap3A_893, %swap3A_894], %add3A_891 {strides = array<i32>} : memref<16x128xi32, #tpu.memory_space<vmem>>, vector<16xi32>,
        %get3A_896 = arith.constant 6 : i32
        %get3A_897 = arith.index_cast %get3A_896 : i32 to index
        %get3A_898 = arith.constant 0 : index
        %get3A_899 = tpu.vector_load %arg10[%get3A_897, %get3A_898] {strides = array<i32>} : memref<8x128xi32, #tpu.memory_space<vmem>>, vector<16xi32>,
        %add3A_900 = arith.constant 100352 : i32
        %add3A_901 = vector.broadcast %add3A_900 : i32 to vector<16xi32>
        %add3A_902 = arith.addi %get3A_899, %add3A_901 : vector<16xi32>
        %swap3A_903 = arith.constant 6 : i32
        %swap3A_904 = arith.index_cast %swap3A_903 : i32 to index
        %swap3A_905 = arith.constant 0 : index
        %swap3A_906 = tpu.vector_load %arg11[%swap3A_904, %swap3A_905] {strides = array<i32>} : memref<16x128xi32, #tpu.memory_space<vmem>>, vector<16xi32>,
        tpu.vector_store %arg11[%swap3A_904, %swap3A_905], %add3A_902 {strides = array<i32>} : memref<16x128xi32, #tpu.memory_space<vmem>>, vector<16xi32>,
        %add3A_907 = arith.constant 200704 : i32
        %add3A_908 = vector.broadcast %add3A_907 : i32 to vector<16xi32>
        %add3A_909 = arith.addi %get3A_899, %add3A_908 : vector<16xi32>
        %swap3A_910 = arith.constant 14 : i32
        %swap3A_911 = arith.index_cast %swap3A_910 : i32 to index
        %swap3A_912 = arith.constant 0 : index
        %swap3A_913 = tpu.vector_load %arg11[%swap3A_911, %swap3A_912] {strides = array<i32>} : memref<16x128xi32, #tpu.memory_space<vmem>>, vector<16xi32>,
        tpu.vector_store %arg11[%swap3A_911, %swap3A_912], %add3A_909 {strides = array<i32>} : memref<16x128xi32, #tpu.memory_space<vmem>>, vector<16xi32>,
        %get3A_914 = arith.constant 6 : i32
        %get3A_915 = arith.index_cast %get3A_914 : i32 to index
        %get3A_916 = arith.constant 16 : index
        %get3A_917 = tpu.vector_load %arg10[%get3A_915, %get3A_916] {strides = array<i32>} : memref<8x128xi32, #tpu.memory_space<vmem>>, vector<16xi32>,
        %add3A_918 = arith.constant 100352 : i32
        %add3A_919 = vector.broadcast %add3A_918 : i32 to vector<16xi32>
        %add3A_920 = arith.addi %get3A_917, %add3A_919 : vector<16xi32>
        %swap3A_921 = arith.constant 6 : i32
        %swap3A_922 = arith.index_cast %swap3A_921 : i32 to index
        %swap3A_923 = arith.constant 16 : index
        %swap3A_924 = tpu.vector_load %arg11[%swap3A_922, %swap3A_923] {strides = array<i32>} : memref<16x128xi32, #tpu.memory_space<vmem>>, vector<16xi32>,
        tpu.vector_store %arg11[%swap3A_922, %swap3A_923], %add3A_920 {strides = array<i32>} : memref<16x128xi32, #tpu.memory_space<vmem>>, vector<16xi32>,
        %add3A_925 = arith.constant 200704 : i32
        %add3A_926 = vector.broadcast %add3A_925 : i32 to vector<16xi32>
        %add3A_927 = arith.addi %get3A_917, %add3A_926 : vector<16xi32>
        %swap3A_928 = arith.constant 14 : i32
        %swap3A_929 = arith.index_cast %swap3A_928 : i32 to index
        %swap3A_930 = arith.constant 16 : index
        %swap3A_931 = tpu.vector_load %arg11[%swap3A_929, %swap3A_930] {strides = array<i32>} : memref<16x128xi32, #tpu.memory_space<vmem>>, vector<16xi32>,
        tpu.vector_store %arg11[%swap3A_929, %swap3A_930], %add3A_927 {strides = array<i32>} : memref<16x128xi32, #tpu.memory_space<vmem>>, vector<16xi32>,
        %get3A_932 = arith.constant 6 : i32
        %get3A_933 = arith.index_cast %get3A_932 : i32 to index
        %get3A_934 = arith.constant 32 : index
        %get3A_935 = tpu.vector_load %arg10[%get3A_933, %get3A_934] {strides = array<i32>} : memref<8x128xi32, #tpu.memory_space<vmem>>, vector<16xi32>,
        %add3A_936 = arith.constant 100352 : i32
        %add3A_937 = vector.broadcast %add3A_936 : i32 to vector<16xi32>
        %add3A_938 = arith.addi %get3A_935, %add3A_937 : vector<16xi32>
        %swap3A_939 = arith.constant 6 : i32
        %swap3A_940 = arith.index_cast %swap3A_939 : i32 to index
        %swap3A_941 = arith.constant 32 : index
        %swap3A_942 = tpu.vector_load %arg11[%swap3A_940, %swap3A_941] {strides = array<i32>} : memref<16x128xi32, #tpu.memory_space<vmem>>, vector<16xi32>,
        tpu.vector_store %arg11[%swap3A_940, %swap3A_941], %add3A_938 {strides = array<i32>} : memref<16x128xi32, #tpu.memory_space<vmem>>, vector<16xi32>,
        %add3A_943 = arith.constant 200704 : i32
        %add3A_944 = vector.broadcast %add3A_943 : i32 to vector<16xi32>
        %add3A_945 = arith.addi %get3A_935, %add3A_944 : vector<16xi32>
        %swap3A_946 = arith.constant 14 : i32
        %swap3A_947 = arith.index_cast %swap3A_946 : i32 to index
        %swap3A_948 = arith.constant 32 : index
        %swap3A_949 = tpu.vector_load %arg11[%swap3A_947, %swap3A_948] {strides = array<i32>} : memref<16x128xi32, #tpu.memory_space<vmem>>, vector<16xi32>,
        tpu.vector_store %arg11[%swap3A_947, %swap3A_948], %add3A_945 {strides = array<i32>} : memref<16x128xi32, #tpu.memory_space<vmem>>, vector<16xi32>,
        %get3A_950 = arith.constant 6 : i32
        %get3A_951 = arith.index_cast %get3A_950 : i32 to index
        %get3A_952 = arith.constant 48 : index
        %get3A_953 = tpu.vector_load %arg10[%get3A_951, %get3A_952] {strides = array<i32>} : memref<8x128xi32, #tpu.memory_space<vmem>>, vector<16xi32>,
        %add3A_954 = arith.constant 100352 : i32
        %add3A_955 = vector.broadcast %add3A_954 : i32 to vector<16xi32>
        %add3A_956 = arith.addi %get3A_953, %add3A_955 : vector<16xi32>
        %swap3A_957 = arith.constant 6 : i32
        %swap3A_958 = arith.index_cast %swap3A_957 : i32 to index
        %swap3A_959 = arith.constant 48 : index
        %swap3A_960 = tpu.vector_load %arg11[%swap3A_958, %swap3A_959] {strides = array<i32>} : memref<16x128xi32, #tpu.memory_space<vmem>>, vector<16xi32>,
        tpu.vector_store %arg11[%swap3A_958, %swap3A_959], %add3A_956 {strides = array<i32>} : memref<16x128xi32, #tpu.memory_space<vmem>>, vector<16xi32>,
        %add3A_961 = arith.constant 200704 : i32
        %add3A_962 = vector.broadcast %add3A_961 : i32 to vector<16xi32>
        %add3A_963 = arith.addi %get3A_953, %add3A_962 : vector<16xi32>
        %swap3A_964 = arith.constant 14 : i32
        %swap3A_965 = arith.index_cast %swap3A_964 : i32 to index
        %swap3A_966 = arith.constant 48 : index
        %swap3A_967 = tpu.vector_load %arg11[%swap3A_965, %swap3A_966] {strides = array<i32>} : memref<16x128xi32, #tpu.memory_space<vmem>>, vector<16xi32>,
        tpu.vector_store %arg11[%swap3A_965, %swap3A_966], %add3A_963 {strides = array<i32>} : memref<16x128xi32, #tpu.memory_space<vmem>>, vector<16xi32>,
        %get3A_968 = arith.constant 6 : i32
        %get3A_969 = arith.index_cast %get3A_968 : i32 to index
        %get3A_970 = arith.constant 64 : index
        %get3A_971 = tpu.vector_load %arg10[%get3A_969, %get3A_970] {strides = array<i32>} : memref<8x128xi32, #tpu.memory_space<vmem>>, vector<16xi32>,
        %add3A_972 = arith.constant 100352 : i32
        %add3A_973 = vector.broadcast %add3A_972 : i32 to vector<16xi32>
        %add3A_974 = arith.addi %get3A_971, %add3A_973 : vector<16xi32>
        %swap3A_975 = arith.constant 6 : i32
        %swap3A_976 = arith.index_cast %swap3A_975 : i32 to index
        %swap3A_977 = arith.constant 64 : index
        %swap3A_978 = tpu.vector_load %arg11[%swap3A_976, %swap3A_977] {strides = array<i32>} : memref<16x128xi32, #tpu.memory_space<vmem>>, vector<16xi32>,
        tpu.vector_store %arg11[%swap3A_976, %swap3A_977], %add3A_974 {strides = array<i32>} : memref<16x128xi32, #tpu.memory_space<vmem>>, vector<16xi32>,
        %add3A_979 = arith.constant 200704 : i32
        %add3A_980 = vector.broadcast %add3A_979 : i32 to vector<16xi32>
        %add3A_981 = arith.addi %get3A_971, %add3A_980 : vector<16xi32>
        %swap3A_982 = arith.constant 14 : i32
        %swap3A_983 = arith.index_cast %swap3A_982 : i32 to index
        %swap3A_984 = arith.constant 64 : index
        %swap3A_985 = tpu.vector_load %arg11[%swap3A_983, %swap3A_984] {strides = array<i32>} : memref<16x128xi32, #tpu.memory_space<vmem>>, vector<16xi32>,
        tpu.vector_store %arg11[%swap3A_983, %swap3A_984], %add3A_981 {strides = array<i32>} : memref<16x128xi32, #tpu.memory_space<vmem>>, vector<16xi32>,
        %get3A_986 = arith.constant 6 : i32
        %get3A_987 = arith.index_cast %get3A_986 : i32 to index
        %get3A_988 = arith.constant 80 : index
        %get3A_989 = tpu.vector_load %arg10[%get3A_987, %get3A_988] {strides = array<i32>} : memref<8x128xi32, #tpu.memory_space<vmem>>, vector<16xi32>,
        %add3A_990 = arith.constant 100352 : i32
        %add3A_991 = vector.broadcast %add3A_990 : i32 to vector<16xi32>
        %add3A_992 = arith.addi %get3A_989, %add3A_991 : vector<16xi32>
        %swap3A_993 = arith.constant 6 : i32
        %swap3A_994 = arith.index_cast %swap3A_993 : i32 to index
        %swap3A_995 = arith.constant 80 : index
        %swap3A_996 = tpu.vector_load %arg11[%swap3A_994, %swap3A_995] {strides = array<i32>} : memref<16x128xi32, #tpu.memory_space<vmem>>, vector<16xi32>,
        tpu.vector_store %arg11[%swap3A_994, %swap3A_995], %add3A_992 {strides = array<i32>} : memref<16x128xi32, #tpu.memory_space<vmem>>, vector<16xi32>,
        %add3A_997 = arith.constant 200704 : i32
        %add3A_998 = vector.broadcast %add3A_997 : i32 to vector<16xi32>
        %add3A_999 = arith.addi %get3A_989, %add3A_998 : vector<16xi32>
        %swap3A_1000 = arith.constant 14 : i32
        %swap3A_1001 = arith.index_cast %swap3A_1000 : i32 to index
        %swap3A_1002 = arith.constant 80 : index
        %swap3A_1003 = tpu.vector_load %arg11[%swap3A_1001, %swap3A_1002] {strides = array<i32>} : memref<16x128xi32, #tpu.memory_space<vmem>>, vector<16xi32>,
        tpu.vector_store %arg11[%swap3A_1001, %swap3A_1002], %add3A_999 {strides = array<i32>} : memref<16x128xi32, #tpu.memory_space<vmem>>, vector<16xi32>,
        %get3A_1004 = arith.constant 6 : i32
        %get3A_1005 = arith.index_cast %get3A_1004 : i32 to index
        %get3A_1006 = arith.constant 96 : index
        %get3A_1007 = tpu.vector_load %arg10[%get3A_1005, %get3A_1006] {strides = array<i32>} : memref<8x128xi32, #tpu.memory_space<vmem>>, vector<16xi32>,
        %add3A_1008 = arith.constant 100352 : i32
        %add3A_1009 = vector.broadcast %add3A_1008 : i32 to vector<16xi32>
        %add3A_1010 = arith.addi %get3A_1007, %add3A_1009 : vector<16xi32>
        %swap3A_1011 = arith.constant 6 : i32
        %swap3A_1012 = arith.index_cast %swap3A_1011 : i32 to index
        %swap3A_1013 = arith.constant 96 : index
        %swap3A_1014 = tpu.vector_load %arg11[%swap3A_1012, %swap3A_1013] {strides = array<i32>} : memref<16x128xi32, #tpu.memory_space<vmem>>, vector<16xi32>,
        tpu.vector_store %arg11[%swap3A_1012, %swap3A_1013], %add3A_1010 {strides = array<i32>} : memref<16x128xi32, #tpu.memory_space<vmem>>, vector<16xi32>,
        %add3A_1015 = arith.constant 200704 : i32
        %add3A_1016 = vector.broadcast %add3A_1015 : i32 to vector<16xi32>
        %add3A_1017 = arith.addi %get3A_1007, %add3A_1016 : vector<16xi32>
        %swap3A_1018 = arith.constant 14 : i32
        %swap3A_1019 = arith.index_cast %swap3A_1018 : i32 to index
        %swap3A_1020 = arith.constant 96 : index
        %swap3A_1021 = tpu.vector_load %arg11[%swap3A_1019, %swap3A_1020] {strides = array<i32>} : memref<16x128xi32, #tpu.memory_space<vmem>>, vector<16xi32>,
        tpu.vector_store %arg11[%swap3A_1019, %swap3A_1020], %add3A_1017 {strides = array<i32>} : memref<16x128xi32, #tpu.memory_space<vmem>>, vector<16xi32>,
        %get3A_1022 = arith.constant 6 : i32
        %get3A_1023 = arith.index_cast %get3A_1022 : i32 to index
        %get3A_1024 = arith.constant 112 : index
        %get3A_1025 = tpu.vector_load %arg10[%get3A_1023, %get3A_1024] {strides = array<i32>} : memref<8x128xi32, #tpu.memory_space<vmem>>, vector<16xi32>,
        %add3A_1026 = arith.constant 100352 : i32
        %add3A_1027 = vector.broadcast %add3A_1026 : i32 to vector<16xi32>
        %add3A_1028 = arith.addi %get3A_1025, %add3A_1027 : vector<16xi32>
        %swap3A_1029 = arith.constant 6 : i32
        %swap3A_1030 = arith.index_cast %swap3A_1029 : i32 to index
        %swap3A_1031 = arith.constant 112 : index
        %swap3A_1032 = tpu.vector_load %arg11[%swap3A_1030, %swap3A_1031] {strides = array<i32>} : memref<16x128xi32, #tpu.memory_space<vmem>>, vector<16xi32>,
        tpu.vector_store %arg11[%swap3A_1030, %swap3A_1031], %add3A_1028 {strides = array<i32>} : memref<16x128xi32, #tpu.memory_space<vmem>>, vector<16xi32>,
        %add3A_1033 = arith.constant 200704 : i32
        %add3A_1034 = vector.broadcast %add3A_1033 : i32 to vector<16xi32>
        %add3A_1035 = arith.addi %get3A_1025, %add3A_1034 : vector<16xi32>
        %swap3A_1036 = arith.constant 14 : i32
        %swap3A_1037 = arith.index_cast %swap3A_1036 : i32 to index
        %swap3A_1038 = arith.constant 112 : index
        %swap3A_1039 = tpu.vector_load %arg11[%swap3A_1037, %swap3A_1038] {strides = array<i32>} : memref<16x128xi32, #tpu.memory_space<vmem>>, vector<16xi32>,
        tpu.vector_store %arg11[%swap3A_1037, %swap3A_1038], %add3A_1035 {strides = array<i32>} : memref<16x128xi32, #tpu.memory_space<vmem>>, vector<16xi32>,
        %get3A_1040 = arith.constant 7 : i32
        %get3A_1041 = arith.index_cast %get3A_1040 : i32 to index
        %get3A_1042 = arith.constant 0 : index
        %get3A_1043 = tpu.vector_load %arg10[%get3A_1041, %get3A_1042] {strides = array<i32>} : memref<8x128xi32, #tpu.memory_space<vmem>>, vector<16xi32>,
        %add3A_1044 = arith.constant 100352 : i32
        %add3A_1045 = vector.broadcast %add3A_1044 : i32 to vector<16xi32>
        %add3A_1046 = arith.addi %get3A_1043, %add3A_1045 : vector<16xi32>
        %swap3A_1047 = arith.constant 7 : i32
        %swap3A_1048 = arith.index_cast %swap3A_1047 : i32 to index
        %swap3A_1049 = arith.constant 0 : index
        %swap3A_1050 = tpu.vector_load %arg11[%swap3A_1048, %swap3A_1049] {strides = array<i32>} : memref<16x128xi32, #tpu.memory_space<vmem>>, vector<16xi32>,
        tpu.vector_store %arg11[%swap3A_1048, %swap3A_1049], %add3A_1046 {strides = array<i32>} : memref<16x128xi32, #tpu.memory_space<vmem>>, vector<16xi32>,
        %add3A_1051 = arith.constant 200704 : i32
        %add3A_1052 = vector.broadcast %add3A_1051 : i32 to vector<16xi32>
        %add3A_1053 = arith.addi %get3A_1043, %add3A_1052 : vector<16xi32>
        %swap3A_1054 = arith.constant 15 : i32
        %swap3A_1055 = arith.index_cast %swap3A_1054 : i32 to index
        %swap3A_1056 = arith.constant 0 : index
        %swap3A_1057 = tpu.vector_load %arg11[%swap3A_1055, %swap3A_1056] {strides = array<i32>} : memref<16x128xi32, #tpu.memory_space<vmem>>, vector<16xi32>,
        tpu.vector_store %arg11[%swap3A_1055, %swap3A_1056], %add3A_1053 {strides = array<i32>} : memref<16x128xi32, #tpu.memory_space<vmem>>, vector<16xi32>,
        %get3A_1058 = arith.constant 7 : i32
        %get3A_1059 = arith.index_cast %get3A_1058 : i32 to index
        %get3A_1060 = arith.constant 16 : index
        %get3A_1061 = tpu.vector_load %arg10[%get3A_1059, %get3A_1060] {strides = array<i32>} : memref<8x128xi32, #tpu.memory_space<vmem>>, vector<16xi32>,
        %add3A_1062 = arith.constant 100352 : i32
        %add3A_1063 = vector.broadcast %add3A_1062 : i32 to vector<16xi32>
        %add3A_1064 = arith.addi %get3A_1061, %add3A_1063 : vector<16xi32>
        %swap3A_1065 = arith.constant 7 : i32
        %swap3A_1066 = arith.index_cast %swap3A_1065 : i32 to index
        %swap3A_1067 = arith.constant 16 : index
        %swap3A_1068 = tpu.vector_load %arg11[%swap3A_1066, %swap3A_1067] {strides = array<i32>} : memref<16x128xi32, #tpu.memory_space<vmem>>, vector<16xi32>,
        tpu.vector_store %arg11[%swap3A_1066, %swap3A_1067], %add3A_1064 {strides = array<i32>} : memref<16x128xi32, #tpu.memory_space<vmem>>, vector<16xi32>,
        %add3A_1069 = arith.constant 200704 : i32
        %add3A_1070 = vector.broadcast %add3A_1069 : i32 to vector<16xi32>
        %add3A_1071 = arith.addi %get3A_1061, %add3A_1070 : vector<16xi32>
        %swap3A_1072 = arith.constant 15 : i32
        %swap3A_1073 = arith.index_cast %swap3A_1072 : i32 to index
        %swap3A_1074 = arith.constant 16 : index
        %swap3A_1075 = tpu.vector_load %arg11[%swap3A_1073, %swap3A_1074] {strides = array<i32>} : memref<16x128xi32, #tpu.memory_space<vmem>>, vector<16xi32>,
        tpu.vector_store %arg11[%swap3A_1073, %swap3A_1074], %add3A_1071 {strides = array<i32>} : memref<16x128xi32, #tpu.memory_space<vmem>>, vector<16xi32>,
        %get3A_1076 = arith.constant 7 : i32
        %get3A_1077 = arith.index_cast %get3A_1076 : i32 to index
        %get3A_1078 = arith.constant 32 : index
        %get3A_1079 = tpu.vector_load %arg10[%get3A_1077, %get3A_1078] {strides = array<i32>} : memref<8x128xi32, #tpu.memory_space<vmem>>, vector<16xi32>,
        %add3A_1080 = arith.constant 100352 : i32
        %add3A_1081 = vector.broadcast %add3A_1080 : i32 to vector<16xi32>
        %add3A_1082 = arith.addi %get3A_1079, %add3A_1081 : vector<16xi32>
        %swap3A_1083 = arith.constant 7 : i32
        %swap3A_1084 = arith.index_cast %swap3A_1083 : i32 to index
        %swap3A_1085 = arith.constant 32 : index
        %swap3A_1086 = tpu.vector_load %arg11[%swap3A_1084, %swap3A_1085] {strides = array<i32>} : memref<16x128xi32, #tpu.memory_space<vmem>>, vector<16xi32>,
        tpu.vector_store %arg11[%swap3A_1084, %swap3A_1085], %add3A_1082 {strides = array<i32>} : memref<16x128xi32, #tpu.memory_space<vmem>>, vector<16xi32>,
        %add3A_1087 = arith.constant 200704 : i32
        %add3A_1088 = vector.broadcast %add3A_1087 : i32 to vector<16xi32>
        %add3A_1089 = arith.addi %get3A_1079, %add3A_1088 : vector<16xi32>
        %swap3A_1090 = arith.constant 15 : i32
        %swap3A_1091 = arith.index_cast %swap3A_1090 : i32 to index
        %swap3A_1092 = arith.constant 32 : index
        %swap3A_1093 = tpu.vector_load %arg11[%swap3A_1091, %swap3A_1092] {strides = array<i32>} : memref<16x128xi32, #tpu.memory_space<vmem>>, vector<16xi32>,
        tpu.vector_store %arg11[%swap3A_1091, %swap3A_1092], %add3A_1089 {strides = array<i32>} : memref<16x128xi32, #tpu.memory_space<vmem>>, vector<16xi32>,
        %get3A_1094 = arith.constant 7 : i32
        %get3A_1095 = arith.index_cast %get3A_1094 : i32 to index
        %get3A_1096 = arith.constant 48 : index
        %get3A_1097 = tpu.vector_load %arg10[%get3A_1095, %get3A_1096] {strides = array<i32>} : memref<8x128xi32, #tpu.memory_space<vmem>>, vector<16xi32>,
        %add3A_1098 = arith.constant 100352 : i32
        %add3A_1099 = vector.broadcast %add3A_1098 : i32 to vector<16xi32>
        %add3A_1100 = arith.addi %get3A_1097, %add3A_1099 : vector<16xi32>
        %swap3A_1101 = arith.constant 7 : i32
        %swap3A_1102 = arith.index_cast %swap3A_1101 : i32 to index
        %swap3A_1103 = arith.constant 48 : index
        %swap3A_1104 = tpu.vector_load %arg11[%swap3A_1102, %swap3A_1103] {strides = array<i32>} : memref<16x128xi32, #tpu.memory_space<vmem>>, vector<16xi32>,
        tpu.vector_store %arg11[%swap3A_1102, %swap3A_1103], %add3A_1100 {strides = array<i32>} : memref<16x128xi32, #tpu.memory_space<vmem>>, vector<16xi32>,
        %add3A_1105 = arith.constant 200704 : i32
        %add3A_1106 = vector.broadcast %add3A_1105 : i32 to vector<16xi32>
        %add3A_1107 = arith.addi %get3A_1097, %add3A_1106 : vector<16xi32>
        %swap3A_1108 = arith.constant 15 : i32
        %swap3A_1109 = arith.index_cast %swap3A_1108 : i32 to index
        %swap3A_1110 = arith.constant 48 : index
        %swap3A_1111 = tpu.vector_load %arg11[%swap3A_1109, %swap3A_1110] {strides = array<i32>} : memref<16x128xi32, #tpu.memory_space<vmem>>, vector<16xi32>,
        tpu.vector_store %arg11[%swap3A_1109, %swap3A_1110], %add3A_1107 {strides = array<i32>} : memref<16x128xi32, #tpu.memory_space<vmem>>, vector<16xi32>,
        %get3A_1112 = arith.constant 7 : i32
        %get3A_1113 = arith.index_cast %get3A_1112 : i32 to index
        %get3A_1114 = arith.constant 64 : index
        %get3A_1115 = tpu.vector_load %arg10[%get3A_1113, %get3A_1114] {strides = array<i32>} : memref<8x128xi32, #tpu.memory_space<vmem>>, vector<16xi32>,
        %add3A_1116 = arith.constant 100352 : i32
        %add3A_1117 = vector.broadcast %add3A_1116 : i32 to vector<16xi32>
        %add3A_1118 = arith.addi %get3A_1115, %add3A_1117 : vector<16xi32>
        %swap3A_1119 = arith.constant 7 : i32
        %swap3A_1120 = arith.index_cast %swap3A_1119 : i32 to index
        %swap3A_1121 = arith.constant 64 : index
        %swap3A_1122 = tpu.vector_load %arg11[%swap3A_1120, %swap3A_1121] {strides = array<i32>} : memref<16x128xi32, #tpu.memory_space<vmem>>, vector<16xi32>,
        tpu.vector_store %arg11[%swap3A_1120, %swap3A_1121], %add3A_1118 {strides = array<i32>} : memref<16x128xi32, #tpu.memory_space<vmem>>, vector<16xi32>,
        %add3A_1123 = arith.constant 200704 : i32
        %add3A_1124 = vector.broadcast %add3A_1123 : i32 to vector<16xi32>
        %add3A_1125 = arith.addi %get3A_1115, %add3A_1124 : vector<16xi32>
        %swap3A_1126 = arith.constant 15 : i32
        %swap3A_1127 = arith.index_cast %swap3A_1126 : i32 to index
        %swap3A_1128 = arith.constant 64 : index
        %swap3A_1129 = tpu.vector_load %arg11[%swap3A_1127, %swap3A_1128] {strides = array<i32>} : memref<16x128xi32, #tpu.memory_space<vmem>>, vector<16xi32>,
        tpu.vector_store %arg11[%swap3A_1127, %swap3A_1128], %add3A_1125 {strides = array<i32>} : memref<16x128xi32, #tpu.memory_space<vmem>>, vector<16xi32>,
        %get3A_1130 = arith.constant 7 : i32
        %get3A_1131 = arith.index_cast %get3A_1130 : i32 to index
        %get3A_1132 = arith.constant 80 : index
        %get3A_1133 = tpu.vector_load %arg10[%get3A_1131, %get3A_1132] {strides = array<i32>} : memref<8x128xi32, #tpu.memory_space<vmem>>, vector<16xi32>,
        %add3A_1134 = arith.constant 100352 : i32
        %add3A_1135 = vector.broadcast %add3A_1134 : i32 to vector<16xi32>
        %add3A_1136 = arith.addi %get3A_1133, %add3A_1135 : vector<16xi32>
        %swap3A_1137 = arith.constant 7 : i32
        %swap3A_1138 = arith.index_cast %swap3A_1137 : i32 to index
        %swap3A_1139 = arith.constant 80 : index
        %swap3A_1140 = tpu.vector_load %arg11[%swap3A_1138, %swap3A_1139] {strides = array<i32>} : memref<16x128xi32, #tpu.memory_space<vmem>>, vector<16xi32>,
        tpu.vector_store %arg11[%swap3A_1138, %swap3A_1139], %add3A_1136 {strides = array<i32>} : memref<16x128xi32, #tpu.memory_space<vmem>>, vector<16xi32>,
        %add3A_1141 = arith.constant 200704 : i32
        %add3A_1142 = vector.broadcast %add3A_1141 : i32 to vector<16xi32>
        %add3A_1143 = arith.addi %get3A_1133, %add3A_1142 : vector<16xi32>
        %swap3A_1144 = arith.constant 15 : i32
        %swap3A_1145 = arith.index_cast %swap3A_1144 : i32 to index
        %swap3A_1146 = arith.constant 80 : index
        %swap3A_1147 = tpu.vector_load %arg11[%swap3A_1145, %swap3A_1146] {strides = array<i32>} : memref<16x128xi32, #tpu.memory_space<vmem>>, vector<16xi32>,
        tpu.vector_store %arg11[%swap3A_1145, %swap3A_1146], %add3A_1143 {strides = array<i32>} : memref<16x128xi32, #tpu.memory_space<vmem>>, vector<16xi32>,
        %get3A_1148 = arith.constant 7 : i32
        %get3A_1149 = arith.index_cast %get3A_1148 : i32 to index
        %get3A_1150 = arith.constant 96 : index
        %get3A_1151 = tpu.vector_load %arg10[%get3A_1149, %get3A_1150] {strides = array<i32>} : memref<8x128xi32, #tpu.memory_space<vmem>>, vector<16xi32>,
        %add3A_1152 = arith.constant 100352 : i32
        %add3A_1153 = vector.broadcast %add3A_1152 : i32 to vector<16xi32>
        %add3A_1154 = arith.addi %get3A_1151, %add3A_1153 : vector<16xi32>
        %swap3A_1155 = arith.constant 7 : i32
        %swap3A_1156 = arith.index_cast %swap3A_1155 : i32 to index
        %swap3A_1157 = arith.constant 96 : index
        %swap3A_1158 = tpu.vector_load %arg11[%swap3A_1156, %swap3A_1157] {strides = array<i32>} : memref<16x128xi32, #tpu.memory_space<vmem>>, vector<16xi32>,
        tpu.vector_store %arg11[%swap3A_1156, %swap3A_1157], %add3A_1154 {strides = array<i32>} : memref<16x128xi32, #tpu.memory_space<vmem>>, vector<16xi32>,
        %add3A_1159 = arith.constant 200704 : i32
        %add3A_1160 = vector.broadcast %add3A_1159 : i32 to vector<16xi32>
        %add3A_1161 = arith.addi %get3A_1151, %add3A_1160 : vector<16xi32>
        %swap3A_1162 = arith.constant 15 : i32
        %swap3A_1163 = arith.index_cast %swap3A_1162 : i32 to index
        %swap3A_1164 = arith.constant 96 : index
        %swap3A_1165 = tpu.vector_load %arg11[%swap3A_1163, %swap3A_1164] {strides = array<i32>} : memref<16x128xi32, #tpu.memory_space<vmem>>, vector<16xi32>,
        tpu.vector_store %arg11[%swap3A_1163, %swap3A_1164], %add3A_1161 {strides = array<i32>} : memref<16x128xi32, #tpu.memory_space<vmem>>, vector<16xi32>,
        %get3A_1166 = arith.constant 7 : i32
        %get3A_1167 = arith.index_cast %get3A_1166 : i32 to index
        %get3A_1168 = arith.constant 112 : index
        %get3A_1169 = tpu.vector_load %arg10[%get3A_1167, %get3A_1168] {strides = array<i32>} : memref<8x128xi32, #tpu.memory_space<vmem>>, vector<16xi32>,
        %add3A_1170 = arith.constant 100352 : i32
        %add3A_1171 = vector.broadcast %add3A_1170 : i32 to vector<16xi32>
        %add3A_1172 = arith.addi %get3A_1169, %add3A_1171 : vector<16xi32>
        %swap3A_1173 = arith.constant 7 : i32
        %swap3A_1174 = arith.index_cast %swap3A_1173 : i32 to index
        %swap3A_1175 = arith.constant 112 : index
        %swap3A_1176 = tpu.vector_load %arg11[%swap3A_1174, %swap3A_1175] {strides = array<i32>} : memref<16x128xi32, #tpu.memory_space<vmem>>, vector<16xi32>,
        tpu.vector_store %arg11[%swap3A_1174, %swap3A_1175], %add3A_1172 {strides = array<i32>} : memref<16x128xi32, #tpu.memory_space<vmem>>, vector<16xi32>,
        %add3A_1177 = arith.constant 200704 : i32
        %add3A_1178 = vector.broadcast %add3A_1177 : i32 to vector<16xi32>
        %add3A_1179 = arith.addi %get3A_1169, %add3A_1178 : vector<16xi32>
        %swap3A_1180 = arith.constant 15 : i32
        %swap3A_1181 = arith.index_cast %swap3A_1180 : i32 to index
        %swap3A_1182 = arith.constant 112 : index
        %swap3A_1183 = tpu.vector_load %arg11[%swap3A_1181, %swap3A_1182] {strides = array<i32>} : memref<16x128xi32, #tpu.memory_space<vmem>>, vector<16xi32>,
        tpu.vector_store %arg11[%swap3A_1181, %swap3A_1182], %add3A_1179 {strides = array<i32>} : memref<16x128xi32, #tpu.memory_space<vmem>>, vector<16xi32>,
        %dma_start3A = arith.constant 0 : i32
        %dma_start3A_1184 = arith.constant 0 : i32
        %dma_start3A_1185 = tpu.memref_slice %arg13[%dma_start3A_1184] : memref<1024xf32, #tpu.memory_space<vmem>> -> memref<128xf32, #tpu.memory_space<vmem>>
        %dma_start3A_1186 = arith.constant 0 : i32
        %dma_start3A_1187 = tpu.memref_slice %arg10[%dma_start3A, %dma_start3A_1186] : memref<8x128xi32, #tpu.memory_space<vmem>> -> memref<1x128xi32, #tpu.memory_space<vmem>>
        %dma_start3A_1188 = tpu.memref_squeeze %dma_start3A_1187 : memref<1x128xi32, #tpu.memory_space<vmem>> -> memref<128xi32, #tpu.memory_space<vmem>>
        %dma_start3A_1189 = arith.constant 0 : i32
        %dma_start3A_1190 = tpu.memref_slice %arg4[%dma_start3A_1189] : memref<301056xf32, #tpu.memory_space<hbm>> -> memref<301056xf32, #tpu.memory_space<hbm>>
        tpu.enqueue_indirect_dma source(%dma_start3A_1190 : memref<301056xf32, #tpu.memory_space<hbm>>) target(%dma_start3A_1185 : memref<128xf32, #tpu.memory_space<vmem>>) offsets(%dma_start3A_1188 : memref<128xi32, #tpu.memory_space<vmem>>) semaphore(%arg17 : memref<!tpu.dma_semaphore, #tpu.memory_space<semaphore_mem>>)
        %dma_start3A_1191 = arith.constant 0 : i32
        %dma_start3A_1192 = arith.constant 0 : i32
        %dma_start3A_1193 = tpu.memref_slice %arg14[%dma_start3A_1192] : memref<1024xf32, #tpu.memory_space<vmem>> -> memref<128xf32, #tpu.memory_space<vmem>>
        %dma_start3A_1194 = arith.constant 0 : i32
        %dma_start3A_1195 = tpu.memref_slice %arg11[%dma_start3A_1191, %dma_start3A_1194] : memref<16x128xi32, #tpu.memory_space<vmem>> -> memref<1x128xi32, #tpu.memory_space<vmem>>
        %dma_start3A_1196 = tpu.memref_squeeze %dma_start3A_1195 : memref<1x128xi32, #tpu.memory_space<vmem>> -> memref<128xi32, #tpu.memory_space<vmem>>
        %dma_start3A_1197 = arith.constant 0 : i32
        %dma_start3A_1198 = tpu.memref_slice %arg4[%dma_start3A_1197] : memref<301056xf32, #tpu.memory_space<hbm>> -> memref<301056xf32, #tpu.memory_space<hbm>>
        tpu.enqueue_indirect_dma source(%dma_start3A_1198 : memref<301056xf32, #tpu.memory_space<hbm>>) target(%dma_start3A_1193 : memref<128xf32, #tpu.memory_space<vmem>>) offsets(%dma_start3A_1196 : memref<128xi32, #tpu.memory_space<vmem>>) semaphore(%arg17 : memref<!tpu.dma_semaphore, #tpu.memory_space<semaphore_mem>>)
        %dma_start3A_1199 = arith.constant 8 : i32
        %dma_start3A_1200 = arith.constant 0 : i32
        %dma_start3A_1201 = tpu.memref_slice %arg15[%dma_start3A_1200] : memref<1024xf32, #tpu.memory_space<vmem>> -> memref<128xf32, #tpu.memory_space<vmem>>
        %dma_start3A_1202 = arith.constant 0 : i32
        %dma_start3A_1203 = tpu.memref_slice %arg11[%dma_start3A_1199, %dma_start3A_1202] : memref<16x128xi32, #tpu.memory_space<vmem>> -> memref<1x128xi32, #tpu.memory_space<vmem>>
        %dma_start3A_1204 = tpu.memref_squeeze %dma_start3A_1203 : memref<1x128xi32, #tpu.memory_space<vmem>> -> memref<128xi32, #tpu.memory_space<vmem>>
        %dma_start3A_1205 = arith.constant 0 : i32
        %dma_start3A_1206 = tpu.memref_slice %arg4[%dma_start3A_1205] : memref<301056xf32, #tpu.memory_space<hbm>> -> memref<301056xf32, #tpu.memory_space<hbm>>
        tpu.enqueue_indirect_dma source(%dma_start3A_1206 : memref<301056xf32, #tpu.memory_space<hbm>>) target(%dma_start3A_1201 : memref<128xf32, #tpu.memory_space<vmem>>) offsets(%dma_start3A_1204 : memref<128xi32, #tpu.memory_space<vmem>>) semaphore(%arg17 : memref<!tpu.dma_semaphore, #tpu.memory_space<semaphore_mem>>)
        %dma_start3A_1207 = arith.constant 1 : i32
        %dma_start3A_1208 = arith.constant 128 : i32
        %dma_start3A_1209 = tpu.memref_slice %arg13[%dma_start3A_1208] : memref<1024xf32, #tpu.memory_space<vmem>> -> memref<128xf32, #tpu.memory_space<vmem>>
        %dma_start3A_1210 = arith.constant 0 : i32
        %dma_start3A_1211 = tpu.memref_slice %arg10[%dma_start3A_1207, %dma_start3A_1210] : memref<8x128xi32, #tpu.memory_space<vmem>> -> memref<1x128xi32, #tpu.memory_space<vmem>>
        %dma_start3A_1212 = tpu.memref_squeeze %dma_start3A_1211 : memref<1x128xi32, #tpu.memory_space<vmem>> -> memref<128xi32, #tpu.memory_space<vmem>>
        %dma_start3A_1213 = arith.constant 0 : i32
        %dma_start3A_1214 = tpu.memref_slice %arg4[%dma_start3A_1213] : memref<301056xf32, #tpu.memory_space<hbm>> -> memref<301056xf32, #tpu.memory_space<hbm>>
        tpu.enqueue_indirect_dma source(%dma_start3A_1214 : memref<301056xf32, #tpu.memory_space<hbm>>) target(%dma_start3A_1209 : memref<128xf32, #tpu.memory_space<vmem>>) offsets(%dma_start3A_1212 : memref<128xi32, #tpu.memory_space<vmem>>) semaphore(%arg17 : memref<!tpu.dma_semaphore, #tpu.memory_space<semaphore_mem>>)
        %dma_start3A_1215 = arith.constant 1 : i32
        %dma_start3A_1216 = arith.constant 128 : i32
        %dma_start3A_1217 = tpu.memref_slice %arg14[%dma_start3A_1216] : memref<1024xf32, #tpu.memory_space<vmem>> -> memref<128xf32, #tpu.memory_space<vmem>>
        %dma_start3A_1218 = arith.constant 0 : i32
        %dma_start3A_1219 = tpu.memref_slice %arg11[%dma_start3A_1215, %dma_start3A_1218] : memref<16x128xi32, #tpu.memory_space<vmem>> -> memref<1x128xi32, #tpu.memory_space<vmem>>
        %dma_start3A_1220 = tpu.memref_squeeze %dma_start3A_1219 : memref<1x128xi32, #tpu.memory_space<vmem>> -> memref<128xi32, #tpu.memory_space<vmem>>
        %dma_start3A_1221 = arith.constant 0 : i32
        %dma_start3A_1222 = tpu.memref_slice %arg4[%dma_start3A_1221] : memref<301056xf32, #tpu.memory_space<hbm>> -> memref<301056xf32, #tpu.memory_space<hbm>>
        tpu.enqueue_indirect_dma source(%dma_start3A_1222 : memref<301056xf32, #tpu.memory_space<hbm>>) target(%dma_start3A_1217 : memref<128xf32, #tpu.memory_space<vmem>>) offsets(%dma_start3A_1220 : memref<128xi32, #tpu.memory_space<vmem>>) semaphore(%arg17 : memref<!tpu.dma_semaphore, #tpu.memory_space<semaphore_mem>>)
        %dma_start3A_1223 = arith.constant 9 : i32
        %dma_start3A_1224 = arith.constant 128 : i32
        %dma_start3A_1225 = tpu.memref_slice %arg15[%dma_start3A_1224] : memref<1024xf32, #tpu.memory_space<vmem>> -> memref<128xf32, #tpu.memory_space<vmem>>
        %dma_start3A_1226 = arith.constant 0 : i32
        %dma_start3A_1227 = tpu.memref_slice %arg11[%dma_start3A_1223, %dma_start3A_1226] : memref<16x128xi32, #tpu.memory_space<vmem>> -> memref<1x128xi32, #tpu.memory_space<vmem>>
        %dma_start3A_1228 = tpu.memref_squeeze %dma_start3A_1227 : memref<1x128xi32, #tpu.memory_space<vmem>> -> memref<128xi32, #tpu.memory_space<vmem>>
        %dma_start3A_1229 = arith.constant 0 : i32
        %dma_start3A_1230 = tpu.memref_slice %arg4[%dma_start3A_1229] : memref<301056xf32, #tpu.memory_space<hbm>> -> memref<301056xf32, #tpu.memory_space<hbm>>
        tpu.enqueue_indirect_dma source(%dma_start3A_1230 : memref<301056xf32, #tpu.memory_space<hbm>>) target(%dma_start3A_1225 : memref<128xf32, #tpu.memory_space<vmem>>) offsets(%dma_start3A_1228 : memref<128xi32, #tpu.memory_space<vmem>>) semaphore(%arg17 : memref<!tpu.dma_semaphore, #tpu.memory_space<semaphore_mem>>)
        %dma_start3A_1231 = arith.constant 2 : i32
        %dma_start3A_1232 = arith.constant 256 : i32
        %dma_start3A_1233 = tpu.memref_slice %arg13[%dma_start3A_1232] : memref<1024xf32, #tpu.memory_space<vmem>> -> memref<128xf32, #tpu.memory_space<vmem>>
        %dma_start3A_1234 = arith.constant 0 : i32
        %dma_start3A_1235 = tpu.memref_slice %arg10[%dma_start3A_1231, %dma_start3A_1234] : memref<8x128xi32, #tpu.memory_space<vmem>> -> memref<1x128xi32, #tpu.memory_space<vmem>>
        %dma_start3A_1236 = tpu.memref_squeeze %dma_start3A_1235 : memref<1x128xi32, #tpu.memory_space<vmem>> -> memref<128xi32, #tpu.memory_space<vmem>>
        %dma_start3A_1237 = arith.constant 0 : i32
        %dma_start3A_1238 = tpu.memref_slice %arg4[%dma_start3A_1237] : memref<301056xf32, #tpu.memory_space<hbm>> -> memref<301056xf32, #tpu.memory_space<hbm>>
        tpu.enqueue_indirect_dma source(%dma_start3A_1238 : memref<301056xf32, #tpu.memory_space<hbm>>) target(%dma_start3A_1233 : memref<128xf32, #tpu.memory_space<vmem>>) offsets(%dma_start3A_1236 : memref<128xi32, #tpu.memory_space<vmem>>) semaphore(%arg17 : memref<!tpu.dma_semaphore, #tpu.memory_space<semaphore_mem>>)
        %dma_start3A_1239 = arith.constant 2 : i32
        %dma_start3A_1240 = arith.constant 256 : i32
        %dma_start3A_1241 = tpu.memref_slice %arg14[%dma_start3A_1240] : memref<1024xf32, #tpu.memory_space<vmem>> -> memref<128xf32, #tpu.memory_space<vmem>>
        %dma_start3A_1242 = arith.constant 0 : i32
        %dma_start3A_1243 = tpu.memref_slice %arg11[%dma_start3A_1239, %dma_start3A_1242] : memref<16x128xi32, #tpu.memory_space<vmem>> -> memref<1x128xi32, #tpu.memory_space<vmem>>
        %dma_start3A_1244 = tpu.memref_squeeze %dma_start3A_1243 : memref<1x128xi32, #tpu.memory_space<vmem>> -> memref<128xi32, #tpu.memory_space<vmem>>
        %dma_start3A_1245 = arith.constant 0 : i32
        %dma_start3A_1246 = tpu.memref_slice %arg4[%dma_start3A_1245] : memref<301056xf32, #tpu.memory_space<hbm>> -> memref<301056xf32, #tpu.memory_space<hbm>>
        tpu.enqueue_indirect_dma source(%dma_start3A_1246 : memref<301056xf32, #tpu.memory_space<hbm>>) target(%dma_start3A_1241 : memref<128xf32, #tpu.memory_space<vmem>>) offsets(%dma_start3A_1244 : memref<128xi32, #tpu.memory_space<vmem>>) semaphore(%arg17 : memref<!tpu.dma_semaphore, #tpu.memory_space<semaphore_mem>>)
        %dma_start3A_1247 = arith.constant 10 : i32
        %dma_start3A_1248 = arith.constant 256 : i32
        %dma_start3A_1249 = tpu.memref_slice %arg15[%dma_start3A_1248] : memref<1024xf32, #tpu.memory_space<vmem>> -> memref<128xf32, #tpu.memory_space<vmem>>
        %dma_start3A_1250 = arith.constant 0 : i32
        %dma_start3A_1251 = tpu.memref_slice %arg11[%dma_start3A_1247, %dma_start3A_1250] : memref<16x128xi32, #tpu.memory_space<vmem>> -> memref<1x128xi32, #tpu.memory_space<vmem>>
        %dma_start3A_1252 = tpu.memref_squeeze %dma_start3A_1251 : memref<1x128xi32, #tpu.memory_space<vmem>> -> memref<128xi32, #tpu.memory_space<vmem>>
        %dma_start3A_1253 = arith.constant 0 : i32
        %dma_start3A_1254 = tpu.memref_slice %arg4[%dma_start3A_1253] : memref<301056xf32, #tpu.memory_space<hbm>> -> memref<301056xf32, #tpu.memory_space<hbm>>
        tpu.enqueue_indirect_dma source(%dma_start3A_1254 : memref<301056xf32, #tpu.memory_space<hbm>>) target(%dma_start3A_1249 : memref<128xf32, #tpu.memory_space<vmem>>) offsets(%dma_start3A_1252 : memref<128xi32, #tpu.memory_space<vmem>>) semaphore(%arg17 : memref<!tpu.dma_semaphore, #tpu.memory_space<semaphore_mem>>)
        %dma_start3A_1255 = arith.constant 3 : i32
        %dma_start3A_1256 = arith.constant 384 : i32
        %dma_start3A_1257 = tpu.memref_slice %arg13[%dma_start3A_1256] : memref<1024xf32, #tpu.memory_space<vmem>> -> memref<128xf32, #tpu.memory_space<vmem>>
        %dma_start3A_1258 = arith.constant 0 : i32
        %dma_start3A_1259 = tpu.memref_slice %arg10[%dma_start3A_1255, %dma_start3A_1258] : memref<8x128xi32, #tpu.memory_space<vmem>> -> memref<1x128xi32, #tpu.memory_space<vmem>>
        %dma_start3A_1260 = tpu.memref_squeeze %dma_start3A_1259 : memref<1x128xi32, #tpu.memory_space<vmem>> -> memref<128xi32, #tpu.memory_space<vmem>>
        %dma_start3A_1261 = arith.constant 0 : i32
        %dma_start3A_1262 = tpu.memref_slice %arg4[%dma_start3A_1261] : memref<301056xf32, #tpu.memory_space<hbm>> -> memref<301056xf32, #tpu.memory_space<hbm>>
        tpu.enqueue_indirect_dma source(%dma_start3A_1262 : memref<301056xf32, #tpu.memory_space<hbm>>) target(%dma_start3A_1257 : memref<128xf32, #tpu.memory_space<vmem>>) offsets(%dma_start3A_1260 : memref<128xi32, #tpu.memory_space<vmem>>) semaphore(%arg17 : memref<!tpu.dma_semaphore, #tpu.memory_space<semaphore_mem>>)
        %dma_start3A_1263 = arith.constant 3 : i32
        %dma_start3A_1264 = arith.constant 384 : i32
        %dma_start3A_1265 = tpu.memref_slice %arg14[%dma_start3A_1264] : memref<1024xf32, #tpu.memory_space<vmem>> -> memref<128xf32, #tpu.memory_space<vmem>>
        %dma_start3A_1266 = arith.constant 0 : i32
        %dma_start3A_1267 = tpu.memref_slice %arg11[%dma_start3A_1263, %dma_start3A_1266] : memref<16x128xi32, #tpu.memory_space<vmem>> -> memref<1x128xi32, #tpu.memory_space<vmem>>
        %dma_start3A_1268 = tpu.memref_squeeze %dma_start3A_1267 : memref<1x128xi32, #tpu.memory_space<vmem>> -> memref<128xi32, #tpu.memory_space<vmem>>
        %dma_start3A_1269 = arith.constant 0 : i32
        %dma_start3A_1270 = tpu.memref_slice %arg4[%dma_start3A_1269] : memref<301056xf32, #tpu.memory_space<hbm>> -> memref<301056xf32, #tpu.memory_space<hbm>>
        tpu.enqueue_indirect_dma source(%dma_start3A_1270 : memref<301056xf32, #tpu.memory_space<hbm>>) target(%dma_start3A_1265 : memref<128xf32, #tpu.memory_space<vmem>>) offsets(%dma_start3A_1268 : memref<128xi32, #tpu.memory_space<vmem>>) semaphore(%arg17 : memref<!tpu.dma_semaphore, #tpu.memory_space<semaphore_mem>>)
        %dma_start3A_1271 = arith.constant 11 : i32
        %dma_start3A_1272 = arith.constant 384 : i32
        %dma_start3A_1273 = tpu.memref_slice %arg15[%dma_start3A_1272] : memref<1024xf32, #tpu.memory_space<vmem>> -> memref<128xf32, #tpu.memory_space<vmem>>
        %dma_start3A_1274 = arith.constant 0 : i32
        %dma_start3A_1275 = tpu.memref_slice %arg11[%dma_start3A_1271, %dma_start3A_1274] : memref<16x128xi32, #tpu.memory_space<vmem>> -> memref<1x128xi32, #tpu.memory_space<vmem>>
        %dma_start3A_1276 = tpu.memref_squeeze %dma_start3A_1275 : memref<1x128xi32, #tpu.memory_space<vmem>> -> memref<128xi32, #tpu.memory_space<vmem>>
        %dma_start3A_1277 = arith.constant 0 : i32
        %dma_start3A_1278 = tpu.memref_slice %arg4[%dma_start3A_1277] : memref<301056xf32, #tpu.memory_space<hbm>> -> memref<301056xf32, #tpu.memory_space<hbm>>
        tpu.enqueue_indirect_dma source(%dma_start3A_1278 : memref<301056xf32, #tpu.memory_space<hbm>>) target(%dma_start3A_1273 : memref<128xf32, #tpu.memory_space<vmem>>) offsets(%dma_start3A_1276 : memref<128xi32, #tpu.memory_space<vmem>>) semaphore(%arg17 : memref<!tpu.dma_semaphore, #tpu.memory_space<semaphore_mem>>)
        %dma_start3A_1279 = arith.constant 4 : i32
        %dma_start3A_1280 = arith.constant 512 : i32
        %dma_start3A_1281 = tpu.memref_slice %arg13[%dma_start3A_1280] : memref<1024xf32, #tpu.memory_space<vmem>> -> memref<128xf32, #tpu.memory_space<vmem>>
        %dma_start3A_1282 = arith.constant 0 : i32
        %dma_start3A_1283 = tpu.memref_slice %arg10[%dma_start3A_1279, %dma_start3A_1282] : memref<8x128xi32, #tpu.memory_space<vmem>> -> memref<1x128xi32, #tpu.memory_space<vmem>>
        %dma_start3A_1284 = tpu.memref_squeeze %dma_start3A_1283 : memref<1x128xi32, #tpu.memory_space<vmem>> -> memref<128xi32, #tpu.memory_space<vmem>>
        %dma_start3A_1285 = arith.constant 0 : i32
        %dma_start3A_1286 = tpu.memref_slice %arg4[%dma_start3A_1285] : memref<301056xf32, #tpu.memory_space<hbm>> -> memref<301056xf32, #tpu.memory_space<hbm>>
        tpu.enqueue_indirect_dma source(%dma_start3A_1286 : memref<301056xf32, #tpu.memory_space<hbm>>) target(%dma_start3A_1281 : memref<128xf32, #tpu.memory_space<vmem>>) offsets(%dma_start3A_1284 : memref<128xi32, #tpu.memory_space<vmem>>) semaphore(%arg17 : memref<!tpu.dma_semaphore, #tpu.memory_space<semaphore_mem>>)
        %dma_start3A_1287 = arith.constant 4 : i32
        %dma_start3A_1288 = arith.constant 512 : i32
        %dma_start3A_1289 = tpu.memref_slice %arg14[%dma_start3A_1288] : memref<1024xf32, #tpu.memory_space<vmem>> -> memref<128xf32, #tpu.memory_space<vmem>>
        %dma_start3A_1290 = arith.constant 0 : i32
        %dma_start3A_1291 = tpu.memref_slice %arg11[%dma_start3A_1287, %dma_start3A_1290] : memref<16x128xi32, #tpu.memory_space<vmem>> -> memref<1x128xi32, #tpu.memory_space<vmem>>
        %dma_start3A_1292 = tpu.memref_squeeze %dma_start3A_1291 : memref<1x128xi32, #tpu.memory_space<vmem>> -> memref<128xi32, #tpu.memory_space<vmem>>
        %dma_start3A_1293 = arith.constant 0 : i32
        %dma_start3A_1294 = tpu.memref_slice %arg4[%dma_start3A_1293] : memref<301056xf32, #tpu.memory_space<hbm>> -> memref<301056xf32, #tpu.memory_space<hbm>>
        tpu.enqueue_indirect_dma source(%dma_start3A_1294 : memref<301056xf32, #tpu.memory_space<hbm>>) target(%dma_start3A_1289 : memref<128xf32, #tpu.memory_space<vmem>>) offsets(%dma_start3A_1292 : memref<128xi32, #tpu.memory_space<vmem>>) semaphore(%arg17 : memref<!tpu.dma_semaphore, #tpu.memory_space<semaphore_mem>>)
        %dma_start3A_1295 = arith.constant 12 : i32
        %dma_start3A_1296 = arith.constant 512 : i32
        %dma_start3A_1297 = tpu.memref_slice %arg15[%dma_start3A_1296] : memref<1024xf32, #tpu.memory_space<vmem>> -> memref<128xf32, #tpu.memory_space<vmem>>
        %dma_start3A_1298 = arith.constant 0 : i32
        %dma_start3A_1299 = tpu.memref_slice %arg11[%dma_start3A_1295, %dma_start3A_1298] : memref<16x128xi32, #tpu.memory_space<vmem>> -> memref<1x128xi32, #tpu.memory_space<vmem>>
        %dma_start3A_1300 = tpu.memref_squeeze %dma_start3A_1299 : memref<1x128xi32, #tpu.memory_space<vmem>> -> memref<128xi32, #tpu.memory_space<vmem>>
        %dma_start3A_1301 = arith.constant 0 : i32
        %dma_start3A_1302 = tpu.memref_slice %arg4[%dma_start3A_1301] : memref<301056xf32, #tpu.memory_space<hbm>> -> memref<301056xf32, #tpu.memory_space<hbm>>
        tpu.enqueue_indirect_dma source(%dma_start3A_1302 : memref<301056xf32, #tpu.memory_space<hbm>>) target(%dma_start3A_1297 : memref<128xf32, #tpu.memory_space<vmem>>) offsets(%dma_start3A_1300 : memref<128xi32, #tpu.memory_space<vmem>>) semaphore(%arg17 : memref<!tpu.dma_semaphore, #tpu.memory_space<semaphore_mem>>)
        %dma_start3A_1303 = arith.constant 5 : i32
        %dma_start3A_1304 = arith.constant 640 : i32
        %dma_start3A_1305 = tpu.memref_slice %arg13[%dma_start3A_1304] : memref<1024xf32, #tpu.memory_space<vmem>> -> memref<128xf32, #tpu.memory_space<vmem>>
        %dma_start3A_1306 = arith.constant 0 : i32
        %dma_start3A_1307 = tpu.memref_slice %arg10[%dma_start3A_1303, %dma_start3A_1306] : memref<8x128xi32, #tpu.memory_space<vmem>> -> memref<1x128xi32, #tpu.memory_space<vmem>>
        %dma_start3A_1308 = tpu.memref_squeeze %dma_start3A_1307 : memref<1x128xi32, #tpu.memory_space<vmem>> -> memref<128xi32, #tpu.memory_space<vmem>>
        %dma_start3A_1309 = arith.constant 0 : i32
        %dma_start3A_1310 = tpu.memref_slice %arg4[%dma_start3A_1309] : memref<301056xf32, #tpu.memory_space<hbm>> -> memref<301056xf32, #tpu.memory_space<hbm>>
        tpu.enqueue_indirect_dma source(%dma_start3A_1310 : memref<301056xf32, #tpu.memory_space<hbm>>) target(%dma_start3A_1305 : memref<128xf32, #tpu.memory_space<vmem>>) offsets(%dma_start3A_1308 : memref<128xi32, #tpu.memory_space<vmem>>) semaphore(%arg17 : memref<!tpu.dma_semaphore, #tpu.memory_space<semaphore_mem>>)
        %dma_start3A_1311 = arith.constant 5 : i32
        %dma_start3A_1312 = arith.constant 640 : i32
        %dma_start3A_1313 = tpu.memref_slice %arg14[%dma_start3A_1312] : memref<1024xf32, #tpu.memory_space<vmem>> -> memref<128xf32, #tpu.memory_space<vmem>>
        %dma_start3A_1314 = arith.constant 0 : i32
        %dma_start3A_1315 = tpu.memref_slice %arg11[%dma_start3A_1311, %dma_start3A_1314] : memref<16x128xi32, #tpu.memory_space<vmem>> -> memref<1x128xi32, #tpu.memory_space<vmem>>
        %dma_start3A_1316 = tpu.memref_squeeze %dma_start3A_1315 : memref<1x128xi32, #tpu.memory_space<vmem>> -> memref<128xi32, #tpu.memory_space<vmem>>
        %dma_start3A_1317 = arith.constant 0 : i32
        %dma_start3A_1318 = tpu.memref_slice %arg4[%dma_start3A_1317] : memref<301056xf32, #tpu.memory_space<hbm>> -> memref<301056xf32, #tpu.memory_space<hbm>>
        tpu.enqueue_indirect_dma source(%dma_start3A_1318 : memref<301056xf32, #tpu.memory_space<hbm>>) target(%dma_start3A_1313 : memref<128xf32, #tpu.memory_space<vmem>>) offsets(%dma_start3A_1316 : memref<128xi32, #tpu.memory_space<vmem>>) semaphore(%arg17 : memref<!tpu.dma_semaphore, #tpu.memory_space<semaphore_mem>>)
        %dma_start3A_1319 = arith.constant 13 : i32
        %dma_start3A_1320 = arith.constant 640 : i32
        %dma_start3A_1321 = tpu.memref_slice %arg15[%dma_start3A_1320] : memref<1024xf32, #tpu.memory_space<vmem>> -> memref<128xf32, #tpu.memory_space<vmem>>
        %dma_start3A_1322 = arith.constant 0 : i32
        %dma_start3A_1323 = tpu.memref_slice %arg11[%dma_start3A_1319, %dma_start3A_1322] : memref<16x128xi32, #tpu.memory_space<vmem>> -> memref<1x128xi32, #tpu.memory_space<vmem>>
        %dma_start3A_1324 = tpu.memref_squeeze %dma_start3A_1323 : memref<1x128xi32, #tpu.memory_space<vmem>> -> memref<128xi32, #tpu.memory_space<vmem>>
        %dma_start3A_1325 = arith.constant 0 : i32
        %dma_start3A_1326 = tpu.memref_slice %arg4[%dma_start3A_1325] : memref<301056xf32, #tpu.memory_space<hbm>> -> memref<301056xf32, #tpu.memory_space<hbm>>
        tpu.enqueue_indirect_dma source(%dma_start3A_1326 : memref<301056xf32, #tpu.memory_space<hbm>>) target(%dma_start3A_1321 : memref<128xf32, #tpu.memory_space<vmem>>) offsets(%dma_start3A_1324 : memref<128xi32, #tpu.memory_space<vmem>>) semaphore(%arg17 : memref<!tpu.dma_semaphore, #tpu.memory_space<semaphore_mem>>)
        %dma_start3A_1327 = arith.constant 6 : i32
        %dma_start3A_1328 = arith.constant 768 : i32
        %dma_start3A_1329 = tpu.memref_slice %arg13[%dma_start3A_1328] : memref<1024xf32, #tpu.memory_space<vmem>> -> memref<128xf32, #tpu.memory_space<vmem>>
        %dma_start3A_1330 = arith.constant 0 : i32
        %dma_start3A_1331 = tpu.memref_slice %arg10[%dma_start3A_1327, %dma_start3A_1330] : memref<8x128xi32, #tpu.memory_space<vmem>> -> memref<1x128xi32, #tpu.memory_space<vmem>>
        %dma_start3A_1332 = tpu.memref_squeeze %dma_start3A_1331 : memref<1x128xi32, #tpu.memory_space<vmem>> -> memref<128xi32, #tpu.memory_space<vmem>>
        %dma_start3A_1333 = arith.constant 0 : i32
        %dma_start3A_1334 = tpu.memref_slice %arg4[%dma_start3A_1333] : memref<301056xf32, #tpu.memory_space<hbm>> -> memref<301056xf32, #tpu.memory_space<hbm>>
        tpu.enqueue_indirect_dma source(%dma_start3A_1334 : memref<301056xf32, #tpu.memory_space<hbm>>) target(%dma_start3A_1329 : memref<128xf32, #tpu.memory_space<vmem>>) offsets(%dma_start3A_1332 : memref<128xi32, #tpu.memory_space<vmem>>) semaphore(%arg17 : memref<!tpu.dma_semaphore, #tpu.memory_space<semaphore_mem>>)
        %dma_start3A_1335 = arith.constant 6 : i32
        %dma_start3A_1336 = arith.constant 768 : i32
        %dma_start3A_1337 = tpu.memref_slice %arg14[%dma_start3A_1336] : memref<1024xf32, #tpu.memory_space<vmem>> -> memref<128xf32, #tpu.memory_space<vmem>>
        %dma_start3A_1338 = arith.constant 0 : i32
        %dma_start3A_1339 = tpu.memref_slice %arg11[%dma_start3A_1335, %dma_start3A_1338] : memref<16x128xi32, #tpu.memory_space<vmem>> -> memref<1x128xi32, #tpu.memory_space<vmem>>
        %dma_start3A_1340 = tpu.memref_squeeze %dma_start3A_1339 : memref<1x128xi32, #tpu.memory_space<vmem>> -> memref<128xi32, #tpu.memory_space<vmem>>
        %dma_start3A_1341 = arith.constant 0 : i32
        %dma_start3A_1342 = tpu.memref_slice %arg4[%dma_start3A_1341] : memref<301056xf32, #tpu.memory_space<hbm>> -> memref<301056xf32, #tpu.memory_space<hbm>>
        tpu.enqueue_indirect_dma source(%dma_start3A_1342 : memref<301056xf32, #tpu.memory_space<hbm>>) target(%dma_start3A_1337 : memref<128xf32, #tpu.memory_space<vmem>>) offsets(%dma_start3A_1340 : memref<128xi32, #tpu.memory_space<vmem>>) semaphore(%arg17 : memref<!tpu.dma_semaphore, #tpu.memory_space<semaphore_mem>>)
        %dma_start3A_1343 = arith.constant 14 : i32
        %dma_start3A_1344 = arith.constant 768 : i32
        %dma_start3A_1345 = tpu.memref_slice %arg15[%dma_start3A_1344] : memref<1024xf32, #tpu.memory_space<vmem>> -> memref<128xf32, #tpu.memory_space<vmem>>
        %dma_start3A_1346 = arith.constant 0 : i32
        %dma_start3A_1347 = tpu.memref_slice %arg11[%dma_start3A_1343, %dma_start3A_1346] : memref<16x128xi32, #tpu.memory_space<vmem>> -> memref<1x128xi32, #tpu.memory_space<vmem>>
        %dma_start3A_1348 = tpu.memref_squeeze %dma_start3A_1347 : memref<1x128xi32, #tpu.memory_space<vmem>> -> memref<128xi32, #tpu.memory_space<vmem>>
        %dma_start3A_1349 = arith.constant 0 : i32
        %dma_start3A_1350 = tpu.memref_slice %arg4[%dma_start3A_1349] : memref<301056xf32, #tpu.memory_space<hbm>> -> memref<301056xf32, #tpu.memory_space<hbm>>
        tpu.enqueue_indirect_dma source(%dma_start3A_1350 : memref<301056xf32, #tpu.memory_space<hbm>>) target(%dma_start3A_1345 : memref<128xf32, #tpu.memory_space<vmem>>) offsets(%dma_start3A_1348 : memref<128xi32, #tpu.memory_space<vmem>>) semaphore(%arg17 : memref<!tpu.dma_semaphore, #tpu.memory_space<semaphore_mem>>)
        %dma_start3A_1351 = arith.constant 7 : i32
        %dma_start3A_1352 = arith.constant 896 : i32
        %dma_start3A_1353 = tpu.memref_slice %arg13[%dma_start3A_1352] : memref<1024xf32, #tpu.memory_space<vmem>> -> memref<128xf32, #tpu.memory_space<vmem>>
        %dma_start3A_1354 = arith.constant 0 : i32
        %dma_start3A_1355 = tpu.memref_slice %arg10[%dma_start3A_1351, %dma_start3A_1354] : memref<8x128xi32, #tpu.memory_space<vmem>> -> memref<1x128xi32, #tpu.memory_space<vmem>>
        %dma_start3A_1356 = tpu.memref_squeeze %dma_start3A_1355 : memref<1x128xi32, #tpu.memory_space<vmem>> -> memref<128xi32, #tpu.memory_space<vmem>>
        %dma_start3A_1357 = arith.constant 0 : i32
        %dma_start3A_1358 = tpu.memref_slice %arg4[%dma_start3A_1357] : memref<301056xf32, #tpu.memory_space<hbm>> -> memref<301056xf32, #tpu.memory_space<hbm>>
        tpu.enqueue_indirect_dma source(%dma_start3A_1358 : memref<301056xf32, #tpu.memory_space<hbm>>) target(%dma_start3A_1353 : memref<128xf32, #tpu.memory_space<vmem>>) offsets(%dma_start3A_1356 : memref<128xi32, #tpu.memory_space<vmem>>) semaphore(%arg17 : memref<!tpu.dma_semaphore, #tpu.memory_space<semaphore_mem>>)
        %dma_start3A_1359 = arith.constant 7 : i32
        %dma_start3A_1360 = arith.constant 896 : i32
        %dma_start3A_1361 = tpu.memref_slice %arg14[%dma_start3A_1360] : memref<1024xf32, #tpu.memory_space<vmem>> -> memref<128xf32, #tpu.memory_space<vmem>>
        %dma_start3A_1362 = arith.constant 0 : i32
        %dma_start3A_1363 = tpu.memref_slice %arg11[%dma_start3A_1359, %dma_start3A_1362] : memref<16x128xi32, #tpu.memory_space<vmem>> -> memref<1x128xi32, #tpu.memory_space<vmem>>
        %dma_start3A_1364 = tpu.memref_squeeze %dma_start3A_1363 : memref<1x128xi32, #tpu.memory_space<vmem>> -> memref<128xi32, #tpu.memory_space<vmem>>
        %dma_start3A_1365 = arith.constant 0 : i32
        %dma_start3A_1366 = tpu.memref_slice %arg4[%dma_start3A_1365] : memref<301056xf32, #tpu.memory_space<hbm>> -> memref<301056xf32, #tpu.memory_space<hbm>>
        tpu.enqueue_indirect_dma source(%dma_start3A_1366 : memref<301056xf32, #tpu.memory_space<hbm>>) target(%dma_start3A_1361 : memref<128xf32, #tpu.memory_space<vmem>>) offsets(%dma_start3A_1364 : memref<128xi32, #tpu.memory_space<vmem>>) semaphore(%arg17 : memref<!tpu.dma_semaphore, #tpu.memory_space<semaphore_mem>>)
        %dma_start3A_1367 = arith.constant 15 : i32
        %dma_start3A_1368 = arith.constant 896 : i32
        %dma_start3A_1369 = tpu.memref_slice %arg15[%dma_start3A_1368] : memref<1024xf32, #tpu.memory_space<vmem>> -> memref<128xf32, #tpu.memory_space<vmem>>
        %dma_start3A_1370 = arith.constant 0 : i32
        %dma_start3A_1371 = tpu.memref_slice %arg11[%dma_start3A_1367, %dma_start3A_1370] : memref<16x128xi32, #tpu.memory_space<vmem>> -> memref<1x128xi32, #tpu.memory_space<vmem>>
        %dma_start3A_1372 = tpu.memref_squeeze %dma_start3A_1371 : memref<1x128xi32, #tpu.memory_space<vmem>> -> memref<128xi32, #tpu.memory_space<vmem>>
        %dma_start3A_1373 = arith.constant 0 : i32
        %dma_start3A_1374 = tpu.memref_slice %arg4[%dma_start3A_1373] : memref<301056xf32, #tpu.memory_space<hbm>> -> memref<301056xf32, #tpu.memory_space<hbm>>
        tpu.enqueue_indirect_dma source(%dma_start3A_1374 : memref<301056xf32, #tpu.memory_space<hbm>>) target(%dma_start3A_1369 : memref<128xf32, #tpu.memory_space<vmem>>) offsets(%dma_start3A_1372 : memref<128xi32, #tpu.memory_space<vmem>>) semaphore(%arg17 : memref<!tpu.dma_semaphore, #tpu.memory_space<semaphore_mem>>)
        %dma_wait3A = arith.constant 0 : i32
        %dma_wait3A_1375 = arith.constant 0 : i32
        %dma_wait3A_1376 = tpu.memref_slice %arg13[%dma_wait3A_1375] : memref<1024xf32, #tpu.memory_space<vmem>> -> memref<128xf32, #tpu.memory_space<vmem>>
        %dma_wait3A_1377 = arith.constant 0 : i32
        %dma_wait3A_1378 = tpu.memref_slice %arg10[%dma_wait3A, %dma_wait3A_1377] : memref<8x128xi32, #tpu.memory_space<vmem>> -> memref<1x128xi32, #tpu.memory_space<vmem>>
        %dma_wait3A_1379 = tpu.memref_squeeze %dma_wait3A_1378 : memref<1x128xi32, #tpu.memory_space<vmem>> -> memref<128xi32, #tpu.memory_space<vmem>>
        %dma_wait3A_1380 = arith.constant 0 : i32
        %dma_wait3A_1381 = tpu.memref_slice %arg4[%dma_wait3A_1380] : memref<301056xf32, #tpu.memory_space<hbm>> -> memref<301056xf32, #tpu.memory_space<hbm>>
        tpu.wait_indirect_dma semaphore(%arg17 : memref<!tpu.dma_semaphore, #tpu.memory_space<semaphore_mem>>) src(%dma_wait3A_1381 : memref<301056xf32, #tpu.memory_space<hbm>>) dst(%dma_wait3A_1376 : memref<128xf32, #tpu.memory_space<vmem>>)
        %dma_wait3A_1382 = arith.constant 0 : i32
        %dma_wait3A_1383 = arith.constant 0 : i32
        %dma_wait3A_1384 = tpu.memref_slice %arg14[%dma_wait3A_1383] : memref<1024xf32, #tpu.memory_space<vmem>> -> memref<128xf32, #tpu.memory_space<vmem>>
        %dma_wait3A_1385 = arith.constant 0 : i32
        %dma_wait3A_1386 = tpu.memref_slice %arg11[%dma_wait3A_1382, %dma_wait3A_1385] : memref<16x128xi32, #tpu.memory_space<vmem>> -> memref<1x128xi32, #tpu.memory_space<vmem>>
        %dma_wait3A_1387 = tpu.memref_squeeze %dma_wait3A_1386 : memref<1x128xi32, #tpu.memory_space<vmem>> -> memref<128xi32, #tpu.memory_space<vmem>>
        %dma_wait3A_1388 = arith.constant 0 : i32
        %dma_wait3A_1389 = tpu.memref_slice %arg4[%dma_wait3A_1388] : memref<301056xf32, #tpu.memory_space<hbm>> -> memref<301056xf32, #tpu.memory_space<hbm>>
        tpu.wait_indirect_dma semaphore(%arg17 : memref<!tpu.dma_semaphore, #tpu.memory_space<semaphore_mem>>) src(%dma_wait3A_1389 : memref<301056xf32, #tpu.memory_space<hbm>>) dst(%dma_wait3A_1384 : memref<128xf32, #tpu.memory_space<vmem>>)
        %dma_wait3A_1390 = arith.constant 8 : i32
        %dma_wait3A_1391 = arith.constant 0 : i32
        %dma_wait3A_1392 = tpu.memref_slice %arg15[%dma_wait3A_1391] : memref<1024xf32, #tpu.memory_space<vmem>> -> memref<128xf32, #tpu.memory_space<vmem>>
        %dma_wait3A_1393 = arith.constant 0 : i32
        %dma_wait3A_1394 = tpu.memref_slice %arg11[%dma_wait3A_1390, %dma_wait3A_1393] : memref<16x128xi32, #tpu.memory_space<vmem>> -> memref<1x128xi32, #tpu.memory_space<vmem>>
        %dma_wait3A_1395 = tpu.memref_squeeze %dma_wait3A_1394 : memref<1x128xi32, #tpu.memory_space<vmem>> -> memref<128xi32, #tpu.memory_space<vmem>>
        %dma_wait3A_1396 = arith.constant 0 : i32
        %dma_wait3A_1397 = tpu.memref_slice %arg4[%dma_wait3A_1396] : memref<301056xf32, #tpu.memory_space<hbm>> -> memref<301056xf32, #tpu.memory_space<hbm>>
        tpu.wait_indirect_dma semaphore(%arg17 : memref<!tpu.dma_semaphore, #tpu.memory_space<semaphore_mem>>) src(%dma_wait3A_1397 : memref<301056xf32, #tpu.memory_space<hbm>>) dst(%dma_wait3A_1392 : memref<128xf32, #tpu.memory_space<vmem>>)
        %dma_wait3A_1398 = arith.constant 1 : i32
        %dma_wait3A_1399 = arith.constant 128 : i32
        %dma_wait3A_1400 = tpu.memref_slice %arg13[%dma_wait3A_1399] : memref<1024xf32, #tpu.memory_space<vmem>> -> memref<128xf32, #tpu.memory_space<vmem>>
        %dma_wait3A_1401 = arith.constant 0 : i32
        %dma_wait3A_1402 = tpu.memref_slice %arg10[%dma_wait3A_1398, %dma_wait3A_1401] : memref<8x128xi32, #tpu.memory_space<vmem>> -> memref<1x128xi32, #tpu.memory_space<vmem>>
        %dma_wait3A_1403 = tpu.memref_squeeze %dma_wait3A_1402 : memref<1x128xi32, #tpu.memory_space<vmem>> -> memref<128xi32, #tpu.memory_space<vmem>>
        %dma_wait3A_1404 = arith.constant 0 : i32
        %dma_wait3A_1405 = tpu.memref_slice %arg4[%dma_wait3A_1404] : memref<301056xf32, #tpu.memory_space<hbm>> -> memref<301056xf32, #tpu.memory_space<hbm>>
        tpu.wait_indirect_dma semaphore(%arg17 : memref<!tpu.dma_semaphore, #tpu.memory_space<semaphore_mem>>) src(%dma_wait3A_1405 : memref<301056xf32, #tpu.memory_space<hbm>>) dst(%dma_wait3A_1400 : memref<128xf32, #tpu.memory_space<vmem>>)
        %dma_wait3A_1406 = arith.constant 1 : i32
        %dma_wait3A_1407 = arith.constant 128 : i32
        %dma_wait3A_1408 = tpu.memref_slice %arg14[%dma_wait3A_1407] : memref<1024xf32, #tpu.memory_space<vmem>> -> memref<128xf32, #tpu.memory_space<vmem>>
        %dma_wait3A_1409 = arith.constant 0 : i32
        %dma_wait3A_1410 = tpu.memref_slice %arg11[%dma_wait3A_1406, %dma_wait3A_1409] : memref<16x128xi32, #tpu.memory_space<vmem>> -> memref<1x128xi32, #tpu.memory_space<vmem>>
        %dma_wait3A_1411 = tpu.memref_squeeze %dma_wait3A_1410 : memref<1x128xi32, #tpu.memory_space<vmem>> -> memref<128xi32, #tpu.memory_space<vmem>>
        %dma_wait3A_1412 = arith.constant 0 : i32
        %dma_wait3A_1413 = tpu.memref_slice %arg4[%dma_wait3A_1412] : memref<301056xf32, #tpu.memory_space<hbm>> -> memref<301056xf32, #tpu.memory_space<hbm>>
        tpu.wait_indirect_dma semaphore(%arg17 : memref<!tpu.dma_semaphore, #tpu.memory_space<semaphore_mem>>) src(%dma_wait3A_1413 : memref<301056xf32, #tpu.memory_space<hbm>>) dst(%dma_wait3A_1408 : memref<128xf32, #tpu.memory_space<vmem>>)
        %dma_wait3A_1414 = arith.constant 9 : i32
        %dma_wait3A_1415 = arith.constant 128 : i32
        %dma_wait3A_1416 = tpu.memref_slice %arg15[%dma_wait3A_1415] : memref<1024xf32, #tpu.memory_space<vmem>> -> memref<128xf32, #tpu.memory_space<vmem>>
        %dma_wait3A_1417 = arith.constant 0 : i32
        %dma_wait3A_1418 = tpu.memref_slice %arg11[%dma_wait3A_1414, %dma_wait3A_1417] : memref<16x128xi32, #tpu.memory_space<vmem>> -> memref<1x128xi32, #tpu.memory_space<vmem>>
        %dma_wait3A_1419 = tpu.memref_squeeze %dma_wait3A_1418 : memref<1x128xi32, #tpu.memory_space<vmem>> -> memref<128xi32, #tpu.memory_space<vmem>>
        %dma_wait3A_1420 = arith.constant 0 : i32
        %dma_wait3A_1421 = tpu.memref_slice %arg4[%dma_wait3A_1420] : memref<301056xf32, #tpu.memory_space<hbm>> -> memref<301056xf32, #tpu.memory_space<hbm>>
        tpu.wait_indirect_dma semaphore(%arg17 : memref<!tpu.dma_semaphore, #tpu.memory_space<semaphore_mem>>) src(%dma_wait3A_1421 : memref<301056xf32, #tpu.memory_space<hbm>>) dst(%dma_wait3A_1416 : memref<128xf32, #tpu.memory_space<vmem>>)
        %dma_wait3A_1422 = arith.constant 2 : i32
        %dma_wait3A_1423 = arith.constant 256 : i32
        %dma_wait3A_1424 = tpu.memref_slice %arg13[%dma_wait3A_1423] : memref<1024xf32, #tpu.memory_space<vmem>> -> memref<128xf32, #tpu.memory_space<vmem>>
        %dma_wait3A_1425 = arith.constant 0 : i32
        %dma_wait3A_1426 = tpu.memref_slice %arg10[%dma_wait3A_1422, %dma_wait3A_1425] : memref<8x128xi32, #tpu.memory_space<vmem>> -> memref<1x128xi32, #tpu.memory_space<vmem>>
        %dma_wait3A_1427 = tpu.memref_squeeze %dma_wait3A_1426 : memref<1x128xi32, #tpu.memory_space<vmem>> -> memref<128xi32, #tpu.memory_space<vmem>>
        %dma_wait3A_1428 = arith.constant 0 : i32
        %dma_wait3A_1429 = tpu.memref_slice %arg4[%dma_wait3A_1428] : memref<301056xf32, #tpu.memory_space<hbm>> -> memref<301056xf32, #tpu.memory_space<hbm>>
        tpu.wait_indirect_dma semaphore(%arg17 : memref<!tpu.dma_semaphore, #tpu.memory_space<semaphore_mem>>) src(%dma_wait3A_1429 : memref<301056xf32, #tpu.memory_space<hbm>>) dst(%dma_wait3A_1424 : memref<128xf32, #tpu.memory_space<vmem>>)
        %dma_wait3A_1430 = arith.constant 2 : i32
        %dma_wait3A_1431 = arith.constant 256 : i32
        %dma_wait3A_1432 = tpu.memref_slice %arg14[%dma_wait3A_1431] : memref<1024xf32, #tpu.memory_space<vmem>> -> memref<128xf32, #tpu.memory_space<vmem>>
        %dma_wait3A_1433 = arith.constant 0 : i32
        %dma_wait3A_1434 = tpu.memref_slice %arg11[%dma_wait3A_1430, %dma_wait3A_1433] : memref<16x128xi32, #tpu.memory_space<vmem>> -> memref<1x128xi32, #tpu.memory_space<vmem>>
        %dma_wait3A_1435 = tpu.memref_squeeze %dma_wait3A_1434 : memref<1x128xi32, #tpu.memory_space<vmem>> -> memref<128xi32, #tpu.memory_space<vmem>>
        %dma_wait3A_1436 = arith.constant 0 : i32
        %dma_wait3A_1437 = tpu.memref_slice %arg4[%dma_wait3A_1436] : memref<301056xf32, #tpu.memory_space<hbm>> -> memref<301056xf32, #tpu.memory_space<hbm>>
        tpu.wait_indirect_dma semaphore(%arg17 : memref<!tpu.dma_semaphore, #tpu.memory_space<semaphore_mem>>) src(%dma_wait3A_1437 : memref<301056xf32, #tpu.memory_space<hbm>>) dst(%dma_wait3A_1432 : memref<128xf32, #tpu.memory_space<vmem>>)
        %dma_wait3A_1438 = arith.constant 10 : i32
        %dma_wait3A_1439 = arith.constant 256 : i32
        %dma_wait3A_1440 = tpu.memref_slice %arg15[%dma_wait3A_1439] : memref<1024xf32, #tpu.memory_space<vmem>> -> memref<128xf32, #tpu.memory_space<vmem>>
        %dma_wait3A_1441 = arith.constant 0 : i32
        %dma_wait3A_1442 = tpu.memref_slice %arg11[%dma_wait3A_1438, %dma_wait3A_1441] : memref<16x128xi32, #tpu.memory_space<vmem>> -> memref<1x128xi32, #tpu.memory_space<vmem>>
        %dma_wait3A_1443 = tpu.memref_squeeze %dma_wait3A_1442 : memref<1x128xi32, #tpu.memory_space<vmem>> -> memref<128xi32, #tpu.memory_space<vmem>>
        %dma_wait3A_1444 = arith.constant 0 : i32
        %dma_wait3A_1445 = tpu.memref_slice %arg4[%dma_wait3A_1444] : memref<301056xf32, #tpu.memory_space<hbm>> -> memref<301056xf32, #tpu.memory_space<hbm>>
        tpu.wait_indirect_dma semaphore(%arg17 : memref<!tpu.dma_semaphore, #tpu.memory_space<semaphore_mem>>) src(%dma_wait3A_1445 : memref<301056xf32, #tpu.memory_space<hbm>>) dst(%dma_wait3A_1440 : memref<128xf32, #tpu.memory_space<vmem>>)
        %dma_wait3A_1446 = arith.constant 3 : i32
        %dma_wait3A_1447 = arith.constant 384 : i32
        %dma_wait3A_1448 = tpu.memref_slice %arg13[%dma_wait3A_1447] : memref<1024xf32, #tpu.memory_space<vmem>> -> memref<128xf32, #tpu.memory_space<vmem>>
        %dma_wait3A_1449 = arith.constant 0 : i32
        %dma_wait3A_1450 = tpu.memref_slice %arg10[%dma_wait3A_1446, %dma_wait3A_1449] : memref<8x128xi32, #tpu.memory_space<vmem>> -> memref<1x128xi32, #tpu.memory_space<vmem>>
        %dma_wait3A_1451 = tpu.memref_squeeze %dma_wait3A_1450 : memref<1x128xi32, #tpu.memory_space<vmem>> -> memref<128xi32, #tpu.memory_space<vmem>>
        %dma_wait3A_1452 = arith.constant 0 : i32
        %dma_wait3A_1453 = tpu.memref_slice %arg4[%dma_wait3A_1452] : memref<301056xf32, #tpu.memory_space<hbm>> -> memref<301056xf32, #tpu.memory_space<hbm>>
        tpu.wait_indirect_dma semaphore(%arg17 : memref<!tpu.dma_semaphore, #tpu.memory_space<semaphore_mem>>) src(%dma_wait3A_1453 : memref<301056xf32, #tpu.memory_space<hbm>>) dst(%dma_wait3A_1448 : memref<128xf32, #tpu.memory_space<vmem>>)
        %dma_wait3A_1454 = arith.constant 3 : i32
        %dma_wait3A_1455 = arith.constant 384 : i32
        %dma_wait3A_1456 = tpu.memref_slice %arg14[%dma_wait3A_1455] : memref<1024xf32, #tpu.memory_space<vmem>> -> memref<128xf32, #tpu.memory_space<vmem>>
        %dma_wait3A_1457 = arith.constant 0 : i32
        %dma_wait3A_1458 = tpu.memref_slice %arg11[%dma_wait3A_1454, %dma_wait3A_1457] : memref<16x128xi32, #tpu.memory_space<vmem>> -> memref<1x128xi32, #tpu.memory_space<vmem>>
        %dma_wait3A_1459 = tpu.memref_squeeze %dma_wait3A_1458 : memref<1x128xi32, #tpu.memory_space<vmem>> -> memref<128xi32, #tpu.memory_space<vmem>>
        %dma_wait3A_1460 = arith.constant 0 : i32
        %dma_wait3A_1461 = tpu.memref_slice %arg4[%dma_wait3A_1460] : memref<301056xf32, #tpu.memory_space<hbm>> -> memref<301056xf32, #tpu.memory_space<hbm>>
        tpu.wait_indirect_dma semaphore(%arg17 : memref<!tpu.dma_semaphore, #tpu.memory_space<semaphore_mem>>) src(%dma_wait3A_1461 : memref<301056xf32, #tpu.memory_space<hbm>>) dst(%dma_wait3A_1456 : memref<128xf32, #tpu.memory_space<vmem>>)
        %dma_wait3A_1462 = arith.constant 11 : i32
        %dma_wait3A_1463 = arith.constant 384 : i32
        %dma_wait3A_1464 = tpu.memref_slice %arg15[%dma_wait3A_1463] : memref<1024xf32, #tpu.memory_space<vmem>> -> memref<128xf32, #tpu.memory_space<vmem>>
        %dma_wait3A_1465 = arith.constant 0 : i32
        %dma_wait3A_1466 = tpu.memref_slice %arg11[%dma_wait3A_1462, %dma_wait3A_1465] : memref<16x128xi32, #tpu.memory_space<vmem>> -> memref<1x128xi32, #tpu.memory_space<vmem>>
        %dma_wait3A_1467 = tpu.memref_squeeze %dma_wait3A_1466 : memref<1x128xi32, #tpu.memory_space<vmem>> -> memref<128xi32, #tpu.memory_space<vmem>>
        %dma_wait3A_1468 = arith.constant 0 : i32
        %dma_wait3A_1469 = tpu.memref_slice %arg4[%dma_wait3A_1468] : memref<301056xf32, #tpu.memory_space<hbm>> -> memref<301056xf32, #tpu.memory_space<hbm>>
        tpu.wait_indirect_dma semaphore(%arg17 : memref<!tpu.dma_semaphore, #tpu.memory_space<semaphore_mem>>) src(%dma_wait3A_1469 : memref<301056xf32, #tpu.memory_space<hbm>>) dst(%dma_wait3A_1464 : memref<128xf32, #tpu.memory_space<vmem>>)
        %dma_wait3A_1470 = arith.constant 4 : i32
        %dma_wait3A_1471 = arith.constant 512 : i32
        %dma_wait3A_1472 = tpu.memref_slice %arg13[%dma_wait3A_1471] : memref<1024xf32, #tpu.memory_space<vmem>> -> memref<128xf32, #tpu.memory_space<vmem>>
        %dma_wait3A_1473 = arith.constant 0 : i32
        %dma_wait3A_1474 = tpu.memref_slice %arg10[%dma_wait3A_1470, %dma_wait3A_1473] : memref<8x128xi32, #tpu.memory_space<vmem>> -> memref<1x128xi32, #tpu.memory_space<vmem>>
        %dma_wait3A_1475 = tpu.memref_squeeze %dma_wait3A_1474 : memref<1x128xi32, #tpu.memory_space<vmem>> -> memref<128xi32, #tpu.memory_space<vmem>>
        %dma_wait3A_1476 = arith.constant 0 : i32
        %dma_wait3A_1477 = tpu.memref_slice %arg4[%dma_wait3A_1476] : memref<301056xf32, #tpu.memory_space<hbm>> -> memref<301056xf32, #tpu.memory_space<hbm>>
        tpu.wait_indirect_dma semaphore(%arg17 : memref<!tpu.dma_semaphore, #tpu.memory_space<semaphore_mem>>) src(%dma_wait3A_1477 : memref<301056xf32, #tpu.memory_space<hbm>>) dst(%dma_wait3A_1472 : memref<128xf32, #tpu.memory_space<vmem>>)
        %dma_wait3A_1478 = arith.constant 4 : i32
        %dma_wait3A_1479 = arith.constant 512 : i32
        %dma_wait3A_1480 = tpu.memref_slice %arg14[%dma_wait3A_1479] : memref<1024xf32, #tpu.memory_space<vmem>> -> memref<128xf32, #tpu.memory_space<vmem>>
        %dma_wait3A_1481 = arith.constant 0 : i32
        %dma_wait3A_1482 = tpu.memref_slice %arg11[%dma_wait3A_1478, %dma_wait3A_1481] : memref<16x128xi32, #tpu.memory_space<vmem>> -> memref<1x128xi32, #tpu.memory_space<vmem>>
        %dma_wait3A_1483 = tpu.memref_squeeze %dma_wait3A_1482 : memref<1x128xi32, #tpu.memory_space<vmem>> -> memref<128xi32, #tpu.memory_space<vmem>>
        %dma_wait3A_1484 = arith.constant 0 : i32
        %dma_wait3A_1485 = tpu.memref_slice %arg4[%dma_wait3A_1484] : memref<301056xf32, #tpu.memory_space<hbm>> -> memref<301056xf32, #tpu.memory_space<hbm>>
        tpu.wait_indirect_dma semaphore(%arg17 : memref<!tpu.dma_semaphore, #tpu.memory_space<semaphore_mem>>) src(%dma_wait3A_1485 : memref<301056xf32, #tpu.memory_space<hbm>>) dst(%dma_wait3A_1480 : memref<128xf32, #tpu.memory_space<vmem>>)
        %dma_wait3A_1486 = arith.constant 12 : i32
        %dma_wait3A_1487 = arith.constant 512 : i32
        %dma_wait3A_1488 = tpu.memref_slice %arg15[%dma_wait3A_1487] : memref<1024xf32, #tpu.memory_space<vmem>> -> memref<128xf32, #tpu.memory_space<vmem>>
        %dma_wait3A_1489 = arith.constant 0 : i32
        %dma_wait3A_1490 = tpu.memref_slice %arg11[%dma_wait3A_1486, %dma_wait3A_1489] : memref<16x128xi32, #tpu.memory_space<vmem>> -> memref<1x128xi32, #tpu.memory_space<vmem>>
        %dma_wait3A_1491 = tpu.memref_squeeze %dma_wait3A_1490 : memref<1x128xi32, #tpu.memory_space<vmem>> -> memref<128xi32, #tpu.memory_space<vmem>>
        %dma_wait3A_1492 = arith.constant 0 : i32
        %dma_wait3A_1493 = tpu.memref_slice %arg4[%dma_wait3A_1492] : memref<301056xf32, #tpu.memory_space<hbm>> -> memref<301056xf32, #tpu.memory_space<hbm>>
        tpu.wait_indirect_dma semaphore(%arg17 : memref<!tpu.dma_semaphore, #tpu.memory_space<semaphore_mem>>) src(%dma_wait3A_1493 : memref<301056xf32, #tpu.memory_space<hbm>>) dst(%dma_wait3A_1488 : memref<128xf32, #tpu.memory_space<vmem>>)
        %dma_wait3A_1494 = arith.constant 5 : i32
        %dma_wait3A_1495 = arith.constant 640 : i32
        %dma_wait3A_1496 = tpu.memref_slice %arg13[%dma_wait3A_1495] : memref<1024xf32, #tpu.memory_space<vmem>> -> memref<128xf32, #tpu.memory_space<vmem>>
        %dma_wait3A_1497 = arith.constant 0 : i32
        %dma_wait3A_1498 = tpu.memref_slice %arg10[%dma_wait3A_1494, %dma_wait3A_1497] : memref<8x128xi32, #tpu.memory_space<vmem>> -> memref<1x128xi32, #tpu.memory_space<vmem>>
        %dma_wait3A_1499 = tpu.memref_squeeze %dma_wait3A_1498 : memref<1x128xi32, #tpu.memory_space<vmem>> -> memref<128xi32, #tpu.memory_space<vmem>>
        %dma_wait3A_1500 = arith.constant 0 : i32
        %dma_wait3A_1501 = tpu.memref_slice %arg4[%dma_wait3A_1500] : memref<301056xf32, #tpu.memory_space<hbm>> -> memref<301056xf32, #tpu.memory_space<hbm>>
        tpu.wait_indirect_dma semaphore(%arg17 : memref<!tpu.dma_semaphore, #tpu.memory_space<semaphore_mem>>) src(%dma_wait3A_1501 : memref<301056xf32, #tpu.memory_space<hbm>>) dst(%dma_wait3A_1496 : memref<128xf32, #tpu.memory_space<vmem>>)
        %dma_wait3A_1502 = arith.constant 5 : i32
        %dma_wait3A_1503 = arith.constant 640 : i32
        %dma_wait3A_1504 = tpu.memref_slice %arg14[%dma_wait3A_1503] : memref<1024xf32, #tpu.memory_space<vmem>> -> memref<128xf32, #tpu.memory_space<vmem>>
        %dma_wait3A_1505 = arith.constant 0 : i32
        %dma_wait3A_1506 = tpu.memref_slice %arg11[%dma_wait3A_1502, %dma_wait3A_1505] : memref<16x128xi32, #tpu.memory_space<vmem>> -> memref<1x128xi32, #tpu.memory_space<vmem>>
        %dma_wait3A_1507 = tpu.memref_squeeze %dma_wait3A_1506 : memref<1x128xi32, #tpu.memory_space<vmem>> -> memref<128xi32, #tpu.memory_space<vmem>>
        %dma_wait3A_1508 = arith.constant 0 : i32
        %dma_wait3A_1509 = tpu.memref_slice %arg4[%dma_wait3A_1508] : memref<301056xf32, #tpu.memory_space<hbm>> -> memref<301056xf32, #tpu.memory_space<hbm>>
        tpu.wait_indirect_dma semaphore(%arg17 : memref<!tpu.dma_semaphore, #tpu.memory_space<semaphore_mem>>) src(%dma_wait3A_1509 : memref<301056xf32, #tpu.memory_space<hbm>>) dst(%dma_wait3A_1504 : memref<128xf32, #tpu.memory_space<vmem>>)
        %dma_wait3A_1510 = arith.constant 13 : i32
        %dma_wait3A_1511 = arith.constant 640 : i32
        %dma_wait3A_1512 = tpu.memref_slice %arg15[%dma_wait3A_1511] : memref<1024xf32, #tpu.memory_space<vmem>> -> memref<128xf32, #tpu.memory_space<vmem>>
        %dma_wait3A_1513 = arith.constant 0 : i32
        %dma_wait3A_1514 = tpu.memref_slice %arg11[%dma_wait3A_1510, %dma_wait3A_1513] : memref<16x128xi32, #tpu.memory_space<vmem>> -> memref<1x128xi32, #tpu.memory_space<vmem>>
        %dma_wait3A_1515 = tpu.memref_squeeze %dma_wait3A_1514 : memref<1x128xi32, #tpu.memory_space<vmem>> -> memref<128xi32, #tpu.memory_space<vmem>>
        %dma_wait3A_1516 = arith.constant 0 : i32
        %dma_wait3A_1517 = tpu.memref_slice %arg4[%dma_wait3A_1516] : memref<301056xf32, #tpu.memory_space<hbm>> -> memref<301056xf32, #tpu.memory_space<hbm>>
        tpu.wait_indirect_dma semaphore(%arg17 : memref<!tpu.dma_semaphore, #tpu.memory_space<semaphore_mem>>) src(%dma_wait3A_1517 : memref<301056xf32, #tpu.memory_space<hbm>>) dst(%dma_wait3A_1512 : memref<128xf32, #tpu.memory_space<vmem>>)
        %dma_wait3A_1518 = arith.constant 6 : i32
        %dma_wait3A_1519 = arith.constant 768 : i32
        %dma_wait3A_1520 = tpu.memref_slice %arg13[%dma_wait3A_1519] : memref<1024xf32, #tpu.memory_space<vmem>> -> memref<128xf32, #tpu.memory_space<vmem>>
        %dma_wait3A_1521 = arith.constant 0 : i32
        %dma_wait3A_1522 = tpu.memref_slice %arg10[%dma_wait3A_1518, %dma_wait3A_1521] : memref<8x128xi32, #tpu.memory_space<vmem>> -> memref<1x128xi32, #tpu.memory_space<vmem>>
        %dma_wait3A_1523 = tpu.memref_squeeze %dma_wait3A_1522 : memref<1x128xi32, #tpu.memory_space<vmem>> -> memref<128xi32, #tpu.memory_space<vmem>>
        %dma_wait3A_1524 = arith.constant 0 : i32
        %dma_wait3A_1525 = tpu.memref_slice %arg4[%dma_wait3A_1524] : memref<301056xf32, #tpu.memory_space<hbm>> -> memref<301056xf32, #tpu.memory_space<hbm>>
        tpu.wait_indirect_dma semaphore(%arg17 : memref<!tpu.dma_semaphore, #tpu.memory_space<semaphore_mem>>) src(%dma_wait3A_1525 : memref<301056xf32, #tpu.memory_space<hbm>>) dst(%dma_wait3A_1520 : memref<128xf32, #tpu.memory_space<vmem>>)
        %dma_wait3A_1526 = arith.constant 6 : i32
        %dma_wait3A_1527 = arith.constant 768 : i32
        %dma_wait3A_1528 = tpu.memref_slice %arg14[%dma_wait3A_1527] : memref<1024xf32, #tpu.memory_space<vmem>> -> memref<128xf32, #tpu.memory_space<vmem>>
        %dma_wait3A_1529 = arith.constant 0 : i32
        %dma_wait3A_1530 = tpu.memref_slice %arg11[%dma_wait3A_1526, %dma_wait3A_1529] : memref<16x128xi32, #tpu.memory_space<vmem>> -> memref<1x128xi32, #tpu.memory_space<vmem>>
        %dma_wait3A_1531 = tpu.memref_squeeze %dma_wait3A_1530 : memref<1x128xi32, #tpu.memory_space<vmem>> -> memref<128xi32, #tpu.memory_space<vmem>>
        %dma_wait3A_1532 = arith.constant 0 : i32
        %dma_wait3A_1533 = tpu.memref_slice %arg4[%dma_wait3A_1532] : memref<301056xf32, #tpu.memory_space<hbm>> -> memref<301056xf32, #tpu.memory_space<hbm>>
        tpu.wait_indirect_dma semaphore(%arg17 : memref<!tpu.dma_semaphore, #tpu.memory_space<semaphore_mem>>) src(%dma_wait3A_1533 : memref<301056xf32, #tpu.memory_space<hbm>>) dst(%dma_wait3A_1528 : memref<128xf32, #tpu.memory_space<vmem>>)
        %dma_wait3A_1534 = arith.constant 14 : i32
        %dma_wait3A_1535 = arith.constant 768 : i32
        %dma_wait3A_1536 = tpu.memref_slice %arg15[%dma_wait3A_1535] : memref<1024xf32, #tpu.memory_space<vmem>> -> memref<128xf32, #tpu.memory_space<vmem>>
        %dma_wait3A_1537 = arith.constant 0 : i32
        %dma_wait3A_1538 = tpu.memref_slice %arg11[%dma_wait3A_1534, %dma_wait3A_1537] : memref<16x128xi32, #tpu.memory_space<vmem>> -> memref<1x128xi32, #tpu.memory_space<vmem>>
        %dma_wait3A_1539 = tpu.memref_squeeze %dma_wait3A_1538 : memref<1x128xi32, #tpu.memory_space<vmem>> -> memref<128xi32, #tpu.memory_space<vmem>>
        %dma_wait3A_1540 = arith.constant 0 : i32
        %dma_wait3A_1541 = tpu.memref_slice %arg4[%dma_wait3A_1540] : memref<301056xf32, #tpu.memory_space<hbm>> -> memref<301056xf32, #tpu.memory_space<hbm>>
        tpu.wait_indirect_dma semaphore(%arg17 : memref<!tpu.dma_semaphore, #tpu.memory_space<semaphore_mem>>) src(%dma_wait3A_1541 : memref<301056xf32, #tpu.memory_space<hbm>>) dst(%dma_wait3A_1536 : memref<128xf32, #tpu.memory_space<vmem>>)
        %dma_wait3A_1542 = arith.constant 7 : i32
        %dma_wait3A_1543 = arith.constant 896 : i32
        %dma_wait3A_1544 = tpu.memref_slice %arg13[%dma_wait3A_1543] : memref<1024xf32, #tpu.memory_space<vmem>> -> memref<128xf32, #tpu.memory_space<vmem>>
        %dma_wait3A_1545 = arith.constant 0 : i32
        %dma_wait3A_1546 = tpu.memref_slice %arg10[%dma_wait3A_1542, %dma_wait3A_1545] : memref<8x128xi32, #tpu.memory_space<vmem>> -> memref<1x128xi32, #tpu.memory_space<vmem>>
        %dma_wait3A_1547 = tpu.memref_squeeze %dma_wait3A_1546 : memref<1x128xi32, #tpu.memory_space<vmem>> -> memref<128xi32, #tpu.memory_space<vmem>>
        %dma_wait3A_1548 = arith.constant 0 : i32
        %dma_wait3A_1549 = tpu.memref_slice %arg4[%dma_wait3A_1548] : memref<301056xf32, #tpu.memory_space<hbm>> -> memref<301056xf32, #tpu.memory_space<hbm>>
        tpu.wait_indirect_dma semaphore(%arg17 : memref<!tpu.dma_semaphore, #tpu.memory_space<semaphore_mem>>) src(%dma_wait3A_1549 : memref<301056xf32, #tpu.memory_space<hbm>>) dst(%dma_wait3A_1544 : memref<128xf32, #tpu.memory_space<vmem>>)
        %dma_wait3A_1550 = arith.constant 7 : i32
        %dma_wait3A_1551 = arith.constant 896 : i32
        %dma_wait3A_1552 = tpu.memref_slice %arg14[%dma_wait3A_1551] : memref<1024xf32, #tpu.memory_space<vmem>> -> memref<128xf32, #tpu.memory_space<vmem>>
        %dma_wait3A_1553 = arith.constant 0 : i32
        %dma_wait3A_1554 = tpu.memref_slice %arg11[%dma_wait3A_1550, %dma_wait3A_1553] : memref<16x128xi32, #tpu.memory_space<vmem>> -> memref<1x128xi32, #tpu.memory_space<vmem>>
        %dma_wait3A_1555 = tpu.memref_squeeze %dma_wait3A_1554 : memref<1x128xi32, #tpu.memory_space<vmem>> -> memref<128xi32, #tpu.memory_space<vmem>>
        %dma_wait3A_1556 = arith.constant 0 : i32
        %dma_wait3A_1557 = tpu.memref_slice %arg4[%dma_wait3A_1556] : memref<301056xf32, #tpu.memory_space<hbm>> -> memref<301056xf32, #tpu.memory_space<hbm>>
        tpu.wait_indirect_dma semaphore(%arg17 : memref<!tpu.dma_semaphore, #tpu.memory_space<semaphore_mem>>) src(%dma_wait3A_1557 : memref<301056xf32, #tpu.memory_space<hbm>>) dst(%dma_wait3A_1552 : memref<128xf32, #tpu.memory_space<vmem>>)
        %dma_wait3A_1558 = arith.constant 15 : i32
        %dma_wait3A_1559 = arith.constant 896 : i32
        %dma_wait3A_1560 = tpu.memref_slice %arg15[%dma_wait3A_1559] : memref<1024xf32, #tpu.memory_space<vmem>> -> memref<128xf32, #tpu.memory_space<vmem>>
        %dma_wait3A_1561 = arith.constant 0 : i32
        %dma_wait3A_1562 = tpu.memref_slice %arg11[%dma_wait3A_1558, %dma_wait3A_1561] : memref<16x128xi32, #tpu.memory_space<vmem>> -> memref<1x128xi32, #tpu.memory_space<vmem>>
        %dma_wait3A_1563 = tpu.memref_squeeze %dma_wait3A_1562 : memref<1x128xi32, #tpu.memory_space<vmem>> -> memref<128xi32, #tpu.memory_space<vmem>>
        %dma_wait3A_1564 = arith.constant 0 : i32
        %dma_wait3A_1565 = tpu.memref_slice %arg4[%dma_wait3A_1564] : memref<301056xf32, #tpu.memory_space<hbm>> -> memref<301056xf32, #tpu.memory_space<hbm>>
        tpu.wait_indirect_dma semaphore(%arg17 : memref<!tpu.dma_semaphore, #tpu.memory_space<semaphore_mem>>) src(%dma_wait3A_1565 : memref<301056xf32, #tpu.memory_space<hbm>>) dst(%dma_wait3A_1560 : memref<128xf32, #tpu.memory_space<vmem>>)
        %scan3A_1566 = arith.constant 0 : i32
        %scan3A_1567 = arith.constant 0 : i32
        %scan3A_1568 = arith.constant 64 : i32
        %scan3A_1569 = arith.addi %scan3A_1567, %scan3A_1568 : i32
        %scan3A_1570 = arith.constant 1 : i32
        scf.for %scan3A_1572 = %scan3A_1567 to %scan3A_1569 step %scan3A_1570  : i32 {
          %mul3A_1573 = arith.constant 16 : i32
          %mul3A_1574 = arith.muli %scan3A_1572, %mul3A_1573 : i32
          %add3A_1575 = vector.broadcast %mul3A_1574 : i32 to vector<16xi32>
          %add3A_1576 = arith.addi %iota3A, %add3A_1575 : vector<16xi32>
          %get3A_1577 = arith.constant 0 : i32
          %get3A_1578 = arith.index_cast %get3A_1577 : i32 to index
          %get3A_1579 = arith.index_cast %mul3A_1574 : i32 to index
          %get3A_1580 = tpu.vector_load %arg9[%get3A_1578, %get3A_1579] {strides = array<i32>} : memref<1x1024xi32, #tpu.memory_space<vmem>>, vector<16xi32>,
          %gather3A = tpu.vector_load_idx %arg8[%get3A_1580] : memref<100000xi32, #tpu.memory_space<vmem>>[vector<16xi32>], vector<16xi32>,
          %broadcast_in_dim3A = arith.constant 0 : i32
          %broadcast_in_dim3A_1581 = vector.broadcast %broadcast_in_dim3A : i32 to vector<16xi32>
          %gather3A_1582 = tpu.vector_load_idx %arg12[%add3A_1576, %broadcast_in_dim3A_1581] : memref<1024x3xf32, #tpu.memory_space<vmem>>[vector<16xi32>, vector<16xi32>], vector<16xf32>,
          %broadcast_in_dim3A_1583 = arith.constant 1 : i32
          %broadcast_in_dim3A_1584 = vector.broadcast %broadcast_in_dim3A_1583 : i32 to vector<16xi32>
          %gather3A_1585 = tpu.vector_load_idx %arg12[%add3A_1576, %broadcast_in_dim3A_1584] : memref<1024x3xf32, #tpu.memory_space<vmem>>[vector<16xi32>, vector<16xi32>], vector<16xf32>,
          %broadcast_in_dim3A_1586 = arith.constant 2 : i32
          %broadcast_in_dim3A_1587 = vector.broadcast %broadcast_in_dim3A_1586 : i32 to vector<16xi32>
          %gather3A_1588 = tpu.vector_load_idx %arg12[%add3A_1576, %broadcast_in_dim3A_1587] : memref<1024x3xf32, #tpu.memory_space<vmem>>[vector<16xi32>, vector<16xi32>], vector<16xf32>,
          %get3A_1589 = arith.index_cast %mul3A_1574 : i32 to index
          %get3A_1590 = tpu.vector_load %arg13[%get3A_1589] {strides = array<i32>} : memref<1024xf32, #tpu.memory_space<vmem>>, vector<16xf32>,
          %get3A_1591 = arith.index_cast %mul3A_1574 : i32 to index
          %get3A_1592 = tpu.vector_load %arg14[%get3A_1591] {strides = array<i32>} : memref<1024xf32, #tpu.memory_space<vmem>>, vector<16xf32>,
          %get3A_1593 = arith.index_cast %mul3A_1574 : i32 to index
          %get3A_1594 = tpu.vector_load %arg15[%get3A_1593] {strides = array<i32>} : memref<1024xf32, #tpu.memory_space<vmem>>, vector<16xf32>,
          %add3A_1595 = arith.constant 0 : i32
          %add3A_1596 = vector.broadcast %add3A_1595 : i32 to vector<16xi32>
          %add3A_1597 = arith.addi %gather3A, %add3A_1596 : vector<16xi32>
          %mul3A_1598 = arith.mulf %gather3A_1582, %get3A_1590 : vector<16xf32>
          tpu.vector_store_idx %arg16[%add3A_1597], %mul3A_1598 {add = true} : memref<4608xf32, #tpu.memory_space<vmem>>[vector<16xi32>], vector<16xf32>,
          %add3A_1599 = arith.constant 512 : i32
          %add3A_1600 = vector.broadcast %add3A_1599 : i32 to vector<16xi32>
          %add3A_1601 = arith.addi %gather3A, %add3A_1600 : vector<16xi32>
          %mul3A_1602 = arith.mulf %gather3A_1582, %get3A_1592 : vector<16xf32>
          tpu.vector_store_idx %arg16[%add3A_1601], %mul3A_1602 {add = true} : memref<4608xf32, #tpu.memory_space<vmem>>[vector<16xi32>], vector<16xf32>,
          %add3A_1603 = arith.constant 1024 : i32
          %add3A_1604 = vector.broadcast %add3A_1603 : i32 to vector<16xi32>
          %add3A_1605 = arith.addi %gather3A, %add3A_1604 : vector<16xi32>
          %mul3A_1606 = arith.mulf %gather3A_1582, %get3A_1594 : vector<16xf32>
          tpu.vector_store_idx %arg16[%add3A_1605], %mul3A_1606 {add = true} : memref<4608xf32, #tpu.memory_space<vmem>>[vector<16xi32>], vector<16xf32>,
          %add3A_1607 = arith.constant 1536 : i32
          %add3A_1608 = vector.broadcast %add3A_1607 : i32 to vector<16xi32>
          %add3A_1609 = arith.addi %gather3A, %add3A_1608 : vector<16xi32>
          %mul3A_1610 = arith.mulf %gather3A_1585, %get3A_1590 : vector<16xf32>
          tpu.vector_store_idx %arg16[%add3A_1609], %mul3A_1610 {add = true} : memref<4608xf32, #tpu.memory_space<vmem>>[vector<16xi32>], vector<16xf32>,
          %add3A_1611 = arith.constant 2048 : i32
          %add3A_1612 = vector.broadcast %add3A_1611 : i32 to vector<16xi32>
          %add3A_1613 = arith.addi %gather3A, %add3A_1612 : vector<16xi32>
          %mul3A_1614 = arith.mulf %gather3A_1585, %get3A_1592 : vector<16xf32>
          tpu.vector_store_idx %arg16[%add3A_1613], %mul3A_1614 {add = true} : memref<4608xf32, #tpu.memory_space<vmem>>[vector<16xi32>], vector<16xf32>,
          %add3A_1615 = arith.constant 2560 : i32
          %add3A_1616 = vector.broadcast %add3A_1615 : i32 to vector<16xi32>
          %add3A_1617 = arith.addi %gather3A, %add3A_1616 : vector<16xi32>
          %mul3A_1618 = arith.mulf %gather3A_1585, %get3A_1594 : vector<16xf32>
          tpu.vector_store_idx %arg16[%add3A_1617], %mul3A_1618 {add = true} : memref<4608xf32, #tpu.memory_space<vmem>>[vector<16xi32>], vector<16xf32>,
          %add3A_1619 = arith.constant 3072 : i32
          %add3A_1620 = vector.broadcast %add3A_1619 : i32 to vector<16xi32>
          %add3A_1621 = arith.addi %gather3A, %add3A_1620 : vector<16xi32>
          %mul3A_1622 = arith.mulf %gather3A_1588, %get3A_1590 : vector<16xf32>
          tpu.vector_store_idx %arg16[%add3A_1621], %mul3A_1622 {add = true} : memref<4608xf32, #tpu.memory_space<vmem>>[vector<16xi32>], vector<16xf32>,
          %add3A_1623 = arith.constant 3584 : i32
          %add3A_1624 = vector.broadcast %add3A_1623 : i32 to vector<16xi32>
          %add3A_1625 = arith.addi %gather3A, %add3A_1624 : vector<16xi32>
          %mul3A_1626 = arith.mulf %gather3A_1588, %get3A_1592 : vector<16xf32>
          tpu.vector_store_idx %arg16[%add3A_1625], %mul3A_1626 {add = true} : memref<4608xf32, #tpu.memory_space<vmem>>[vector<16xi32>], vector<16xf32>,
          %add3A_1627 = arith.constant 4096 : i32
          %add3A_1628 = vector.broadcast %add3A_1627 : i32 to vector<16xi32>
          %add3A_1629 = arith.addi %gather3A, %add3A_1628 : vector<16xi32>
          %mul3A_1630 = arith.mulf %gather3A_1588, %get3A_1594 : vector<16xf32>
          tpu.vector_store_idx %arg16[%add3A_1629], %mul3A_1630 {add = true} : memref<4608xf32, #tpu.memory_space<vmem>>[vector<16xi32>], vector<16xf32>,
        }
        %scan3A_1571 = arith.constant 64 : i32
      } else {
      }
    }
    %scan3A_5 = arith.constant 98 : i32
    %mul3A_6 = arith.constant 9 : i32
    %mul3A_7 = arith.muli %add3A, %mul3A_6 : i32
    %mul3A_8 = arith.constant 512 : i32
    %mul3A_9 = arith.muli %mul3A_7, %mul3A_8 : i32
    "tpu.region"() ({
      %run_scoped3A = tpu.sem_alloc : memref<!tpu.dma_semaphore, #tpu.memory_space<semaphore_mem>>
      %dma_start3A = tpu.memref_slice %arg7[%mul3A_9] : memref<147456xf32, #tpu.memory_space<hbm>> -> memref<4608xf32, #tpu.memory_space<hbm>>
      %dma_start3A_10 = tpu.memref_slice %arg7[%mul3A_9] : memref<147456xf32, #tpu.memory_space<hbm>> -> memref<4608xf32, #tpu.memory_space<hbm>>
      tpu.enqueue_dma source(%arg16 : memref<4608xf32, #tpu.memory_space<vmem>>) target(%dma_start3A_10 : memref<4608xf32, #tpu.memory_space<hbm>>) target_semaphore(%run_scoped3A : memref<!tpu.dma_semaphore, #tpu.memory_space<semaphore_mem>>)
      %dma_wait3A = tpu.memref_slice %arg7[%mul3A_9] : memref<147456xf32, #tpu.memory_space<hbm>> -> memref<4608xf32, #tpu.memory_space<hbm>>
      %dma_wait3A_11 = tpu.memref_slice %arg7[%mul3A_9] : memref<147456xf32, #tpu.memory_space<hbm>> -> memref<4608xf32, #tpu.memory_space<hbm>>
      tpu.wait_dma2 semaphore(%run_scoped3A : memref<!tpu.dma_semaphore, #tpu.memory_space<semaphore_mem>>) src(%arg16 : memref<4608xf32, #tpu.memory_space<vmem>>) dst(%dma_wait3A_11 : memref<4608xf32, #tpu.memory_space<hbm>>)
      tpu.yield
    }) : () -> ()
    return
  }
}

module attributes {stable_mosaic.version = 14 : i64} {
  func.func @_node_body(%arg0: i32, %arg1: memref<2048x128xf32, #tpu.memory_space<vmem>>, %arg2: memref<2048x3xf32, #tpu.memory_space<vmem>>, %arg3: memref<1x2048x1xi32, #tpu.memory_space<vmem>>, %arg4: memref<128x64xf32, #tpu.memory_space<vmem>>, %arg5: memref<3x128xf32, #tpu.memory_space<vmem>>, %arg6: memref<1x64xf32, #tpu.memory_space<vmem>>, %arg7: memref<1x64xf32, #tpu.memory_space<vmem>>, %arg8: memref<1x1xf32, #tpu.memory_space<vmem>>, %arg9: memref<512x2xf32, #tpu.memory_space<vmem>>, %arg10: memref<3x2048xf32, #tpu.memory_space<vmem>>) attributes {dimension_semantics = [#tpu.dimension_semantics<arbitrary>], iteration_bounds = array<i64: 49>, scalar_prefetch = 0 : i64, scratch_operands = 0 : i64, tpu.core_type = #tpu.core_type<tc>, window_params = [{transform_indices = @transform_0, window_bounds = array<i64: 2048, 128>}, {transform_indices = @transform_1, window_bounds = array<i64: 2048, 3>}, {transform_indices = @transform_2, window_bounds = array<i64: 1, 2048, 1>}, {pipeline_mode = #tpu.pipeline_mode<synchronous>, transform_indices = @transform_3, window_bounds = array<i64: 128, 64>}, {pipeline_mode = #tpu.pipeline_mode<synchronous>, transform_indices = @transform_4, window_bounds = array<i64: 3, 128>}, {pipeline_mode = #tpu.pipeline_mode<synchronous>, transform_indices = @transform_5, window_bounds = array<i64: 1, 64>}, {pipeline_mode = #tpu.pipeline_mode<synchronous>, transform_indices = @transform_6, window_bounds = array<i64: 1, 64>}, {pipeline_mode = #tpu.pipeline_mode<synchronous>, transform_indices = @transform_7, window_bounds = array<i64: 1, 1>}, {pipeline_mode = #tpu.pipeline_mode<synchronous>, transform_indices = @transform_8, window_bounds = array<i64: 512, 2>}, {transform_indices = @transform_9, window_bounds = array<i64: 3, 2048>}]} {
    %get3A = arith.constant 0 : index
    %get3A_0 = arith.constant 0 : index
    %get3A_1 = vector.load %arg1[%get3A, %get3A_0] : memref<2048x128xf32, #tpu.memory_space<vmem>>, vector<2048x128xf32>
    %get3A_2 = arith.constant 0 : index
    %get3A_3 = arith.constant 0 : index
    %get3A_4 = vector.load %arg2[%get3A_2, %get3A_3] : memref<2048x3xf32, #tpu.memory_space<vmem>>, vector<2048x3xf32>
    %get3A_5 = arith.constant 0 : index
    %get3A_6 = arith.constant 0 : index
    %get3A_7 = arith.constant 0 : index
    %get3A_8 = vector.load %arg3[%get3A_5, %get3A_6, %get3A_7] : memref<1x2048x1xi32, #tpu.memory_space<vmem>>, vector<1x2048x1xi32>
    %get3A_9 = vector.shape_cast %get3A_8 : vector<1x2048x1xi32> to vector<2048x1xi32>
    %get3A_10 = arith.constant 0 : index
    %get3A_11 = arith.constant 0 : index
    %get3A_12 = vector.load %arg4[%get3A_10, %get3A_11] : memref<128x64xf32, #tpu.memory_space<vmem>>, vector<128x64xf32>
    %get3A_13 = arith.constant 0 : index
    %get3A_14 = arith.constant 0 : index
    %get3A_15 = vector.load %arg5[%get3A_13, %get3A_14] : memref<3x128xf32, #tpu.memory_space<vmem>>, vector<3x128xf32>
    %get3A_16 = arith.constant 0 : index
    %get3A_17 = arith.constant 0 : index
    %get3A_18 = vector.load %arg6[%get3A_16, %get3A_17] : memref<1x64xf32, #tpu.memory_space<vmem>>, vector<1x64xf32>
    %get3A_19 = arith.constant 0 : index
    %get3A_20 = arith.constant 0 : index
    %get3A_21 = vector.load %arg7[%get3A_19, %get3A_20] : memref<1x64xf32, #tpu.memory_space<vmem>>, vector<1x64xf32>
    %get3A_22 = arith.constant 0 : index
    %get3A_23 = arith.constant 0 : index
    %get3A_24 = vector.load %arg8[%get3A_22, %get3A_23] : memref<1x1xf32, #tpu.memory_space<vmem>>, vector<1x1xf32>
    %get3A_25 = vector.extract %get3A_24[0, 0] : f32 from vector<1x1xf32>
    %dot_general3A = arith.constant dense<0.000000e+00> : vector<3x64xf32>
    %dot_general3A_26 = tpu.matmul %get3A_15, %get3A_12, %dot_general3A {dimension_numbers = #tpu.dot_dimension_numbers<[1], [0], [0], [1], [0, 0, 1, 1], [], []>, transpose_lhs_hint = false} : vector<3x128xf32>, vector<128x64xf32>, vector<3x64xf32> -> vector<3x64xf32>
    %dot_general3A_27 = arith.constant dense<0.000000e+00> : vector<2048x64xf32>
    %dot_general3A_28 = tpu.matmul %get3A_1, %get3A_12, %dot_general3A_27 {dimension_numbers = #tpu.dot_dimension_numbers<[1], [0], [0], [1], [0, 0, 1, 1], [], []>, transpose_lhs_hint = false} : vector<2048x128xf32>, vector<128x64xf32>, vector<2048x64xf32> -> vector<2048x64xf32>
    %dot_general3A_29 = arith.constant dense<0.000000e+00> : vector<2048x64xf32>
    %dot_general3A_30 = tpu.matmul %get3A_4, %dot_general3A_26, %dot_general3A_29 {dimension_numbers = #tpu.dot_dimension_numbers<[1], [0], [0], [1], [0, 0, 1, 1], [], []>, transpose_lhs_hint = false} : vector<2048x3xf32>, vector<3x64xf32>, vector<2048x64xf32> -> vector<2048x64xf32>
    %add3A = arith.addf %dot_general3A_28, %dot_general3A_30 : vector<2048x64xf32>
    %add3A_31 = vector.broadcast %get3A_21 : vector<1x64xf32> to vector<2048x64xf32>
    %add3A_32 = arith.addf %add3A, %add3A_31 : vector<2048x64xf32>
    %neg3A = arith.constant 0.000000e+00 : f32
    %neg3A_33 = vector.broadcast %neg3A : f32 to vector<2048x64xf32>
    %neg3A_34 = arith.subf %neg3A_33, %add3A_32 : vector<2048x64xf32>
    %exp3A = math.exp %neg3A_34 : vector<2048x64xf32>
    %add3A_35 = arith.constant 1.000000e+00 : f32
    %add3A_36 = vector.broadcast %add3A_35 : f32 to vector<2048x64xf32>
    %add3A_37 = arith.addf %add3A_36, %exp3A : vector<2048x64xf32>
    %div3A = arith.constant 1.000000e+00 : f32
    %div3A_38 = vector.broadcast %div3A : f32 to vector<2048x64xf32>
    %div3A_39 = arith.divf %div3A_38, %add3A_37 : vector<2048x64xf32>
    %mul3A = arith.mulf %add3A_32, %div3A_39 : vector<2048x64xf32>
    %mul3A_40 = vector.broadcast %get3A_18 : vector<1x64xf32> to vector<2048x64xf32>
    %mul3A_41 = arith.mulf %mul3A, %mul3A_40 : vector<2048x64xf32>
    %reduce_sum3A = arith.constant dense<0.000000e+00> : vector<2048xf32>
    %reduce_sum3A_42 = vector.multi_reduction <add>, %mul3A_41, %reduce_sum3A [1] : vector<2048x64xf32> to vector<2048xf32>
    %broadcast_in_dim3A = vector.shape_cast %reduce_sum3A_42 : vector<2048xf32> to vector<2048x1xf32>
    %add3A_43 = vector.broadcast %get3A_25 : f32 to vector<2048x1xf32>
    %add3A_44 = arith.addf %broadcast_in_dim3A, %add3A_43 : vector<2048x1xf32>
    %ge3A = arith.constant 0 : i32
    %ge3A_45 = vector.broadcast %ge3A : i32 to vector<2048x1xi32>
    %ge3A_46 = arith.cmpi sge, %get3A_9, %ge3A_45 : vector<2048x1xi32>
    %jit3A = arith.constant 0.000000e+00 : f32
    %broadcast_in_dim3A_47 = vector.broadcast %jit3A : f32 to vector<2048x1xf32>
    %select_n3A = arith.select %ge3A_46, %add3A_44, %broadcast_in_dim3A_47 : vector<2048x1xi1>, vector<2048x1xf32>
    %convert_element_type3A = arith.extui %ge3A_46 : vector<2048x1xi1> to vector<2048x1xi32>
    %convert_element_type3A_48 = arith.sitofp %convert_element_type3A : vector<2048x1xi32> to vector<2048x1xf32>
    %concatenate3A = tpu.concatenate %select_n3A, %convert_element_type3A_48 in 1 : vector<2048x1xf32>, vector<2048x1xf32> -> vector<2048x2xf32>
    %iota3A = tpu.iota {dimensions = array<i32: 1>} : vector<2048x512xi32>
    %eq3A = vector.broadcast %get3A_9 : vector<2048x1xi32> to vector<2048x512xi32>
    %eq3A_49 = arith.cmpi eq, %eq3A, %iota3A : vector<2048x512xi32>
    %convert_element_type3A_50 = arith.extui %eq3A_49 : vector<2048x512xi1> to vector<2048x512xi32>
    %convert_element_type3A_51 = arith.sitofp %convert_element_type3A_50 : vector<2048x512xi32> to vector<2048x512xf32>
    %dot_general3A_52 = arith.constant dense<0.000000e+00> : vector<512x2xf32>
    %dot_general3A_53 = tpu.matmul %convert_element_type3A_51, %concatenate3A, %dot_general3A_52 {dimension_numbers = #tpu.dot_dimension_numbers<[0], [0], [1], [1], [0, 1, 1, 1], [], []>, transpose_lhs_hint = false} : vector<2048x512xf32>, vector<2048x2xf32>, vector<512x2xf32> -> vector<512x2xf32>
    %eq3A_54 = arith.constant 0 : i32
    %eq3A_55 = arith.cmpi eq, %arg0, %eq3A_54 : i32
    %convert_element_type3A_56 = arith.extui %eq3A_55 : i1 to i32
    %cond3A = arith.constant 0 : i32
    %cond3A_57 = arith.cmpi ne, %convert_element_type3A_56, %cond3A : i32
    scf.if %cond3A_57 {
      %broadcast_in_dim3A_78 = arith.constant 0.000000e+00 : f32
      %broadcast_in_dim3A_79 = vector.broadcast %broadcast_in_dim3A_78 : f32 to vector<512x2xf32>
      %swap3A_80 = arith.constant 0 : index
      %swap3A_81 = arith.constant 0 : index
      %swap3A_82 = vector.load %arg9[%swap3A_80, %swap3A_81] : memref<512x2xf32, #tpu.memory_space<vmem>>, vector<512x2xf32>
      tpu.vector_store %arg9[%swap3A_80, %swap3A_81], %broadcast_in_dim3A_79 {strides = array<i32>} : memref<512x2xf32, #tpu.memory_space<vmem>>, vector<512x2xf32>,
    } else {
    }
    %get3A_58 = arith.constant 0 : index
    %get3A_59 = arith.constant 0 : index
    %get3A_60 = vector.load %arg9[%get3A_58, %get3A_59] : memref<512x2xf32, #tpu.memory_space<vmem>>, vector<512x2xf32>
    %add3A_61 = arith.addf %get3A_60, %dot_general3A_53 : vector<512x2xf32>
    %swap3A = arith.constant 0 : index
    %swap3A_62 = arith.constant 0 : index
    %swap3A_63 = vector.load %arg9[%swap3A, %swap3A_62] : memref<512x2xf32, #tpu.memory_space<vmem>>, vector<512x2xf32>
    tpu.vector_store %arg9[%swap3A, %swap3A_62], %add3A_61 {strides = array<i32>} : memref<512x2xf32, #tpu.memory_space<vmem>>, vector<512x2xf32>,
    %sub3A = arith.constant 1.000000e+00 : f32
    %sub3A_64 = vector.broadcast %sub3A : f32 to vector<2048x64xf32>
    %sub3A_65 = arith.subf %sub3A_64, %div3A_39 : vector<2048x64xf32>
    %mul3A_66 = arith.mulf %add3A_32, %sub3A_65 : vector<2048x64xf32>
    %add3A_67 = arith.constant 1.000000e+00 : f32
    %add3A_68 = vector.broadcast %add3A_67 : f32 to vector<2048x64xf32>
    %add3A_69 = arith.addf %add3A_68, %mul3A_66 : vector<2048x64xf32>
    %mul3A_70 = arith.mulf %div3A_39, %add3A_69 : vector<2048x64xf32>
    %mul3A_71 = vector.broadcast %get3A_18 : vector<1x64xf32> to vector<2048x64xf32>
    %mul3A_72 = arith.mulf %mul3A_70, %mul3A_71 : vector<2048x64xf32>
    %dot_general3A_73 = arith.constant dense<0.000000e+00> : vector<3x2048xf32>
    %dot_general3A_74 = tpu.matmul %dot_general3A_26, %mul3A_72, %dot_general3A_73 {dimension_numbers = #tpu.dot_dimension_numbers<[1], [1], [0], [0], [0, 0, 1, 0], [], []>, transpose_lhs_hint = false} : vector<3x64xf32>, vector<2048x64xf32>, vector<3x2048xf32> -> vector<3x2048xf32>
    %swap3A_75 = arith.constant 0 : index
    %swap3A_76 = arith.constant 0 : index
    %swap3A_77 = vector.load %arg10[%swap3A_75, %swap3A_76] : memref<3x2048xf32, #tpu.memory_space<vmem>>, vector<3x2048xf32>
    tpu.vector_store %arg10[%swap3A_75, %swap3A_76], %dot_general3A_74 {strides = array<i32>} : memref<3x2048xf32, #tpu.memory_space<vmem>>, vector<3x2048xf32>,
    return
  }
  func.func @transform_0(%arg0: i32) -> (i32, i32) {
    %c0_i32 = arith.constant 0 : i32
    %c0_i32_0 = arith.constant 0 : i32
    return %arg0, %c0_i32 : i32, i32
  }
  func.func @transform_1(%arg0: i32) -> (i32, i32) {
    %c0_i32 = arith.constant 0 : i32
    %c0_i32_0 = arith.constant 0 : i32
    return %arg0, %c0_i32 : i32, i32
  }
  func.func @transform_2(%arg0: i32) -> (i32, i32, i32) {
    %c0_i32 = arith.constant 0 : i32
    %c0_i32_0 = arith.constant 0 : i32
    %c0_i32_1 = arith.constant 0 : i32
    return %arg0, %c0_i32, %c0_i32_0 : i32, i32, i32
  }
  func.func @transform_3(%arg0: i32) -> (i32, i32) {
    %c0_i32 = arith.constant 0 : i32
    %c0_i32_0 = arith.constant 0 : i32
    %c0_i32_1 = arith.constant 0 : i32
    return %c0_i32, %c0_i32_0 : i32, i32
  }
  func.func @transform_4(%arg0: i32) -> (i32, i32) {
    %c0_i32 = arith.constant 0 : i32
    %c0_i32_0 = arith.constant 0 : i32
    %c0_i32_1 = arith.constant 0 : i32
    return %c0_i32, %c0_i32_0 : i32, i32
  }
  func.func @transform_5(%arg0: i32) -> (i32, i32) {
    %c0_i32 = arith.constant 0 : i32
    %c0_i32_0 = arith.constant 0 : i32
    %c0_i32_1 = arith.constant 0 : i32
    return %c0_i32, %c0_i32_0 : i32, i32
  }
  func.func @transform_6(%arg0: i32) -> (i32, i32) {
    %c0_i32 = arith.constant 0 : i32
    %c0_i32_0 = arith.constant 0 : i32
    %c0_i32_1 = arith.constant 0 : i32
    return %c0_i32, %c0_i32_0 : i32, i32
  }
  func.func @transform_7(%arg0: i32) -> (i32, i32) {
    %c0_i32 = arith.constant 0 : i32
    %c0_i32_0 = arith.constant 0 : i32
    %c0_i32_1 = arith.constant 0 : i32
    return %c0_i32, %c0_i32_0 : i32, i32
  }
  func.func @transform_8(%arg0: i32) -> (i32, i32) {
    %c0_i32 = arith.constant 0 : i32
    %c0_i32_0 = arith.constant 0 : i32
    %c0_i32_1 = arith.constant 0 : i32
    return %c0_i32, %c0_i32_0 : i32, i32
  }
  func.func @transform_9(%arg0: i32) -> (i32, i32) {
    %c0_i32 = arith.constant 0 : i32
    %c0_i32_0 = arith.constant 0 : i32
    return %c0_i32, %arg0 : i32, i32
  }
}

module attributes {stable_mosaic.version = 14 : i64} {
  func.func @_combine_body(%arg0: i32, %arg1: memref<32x9x512xf32, #tpu.memory_space<vmem>>, %arg2: memref<512x9xf32, #tpu.memory_space<vmem>>, %arg3: memref<9x512xf32, #tpu.memory_space<vmem>>) attributes {dimension_semantics = [#tpu.dimension_semantics<arbitrary>], iteration_bounds = array<i64: 1>, scalar_prefetch = 0 : i64, scratch_operands = 0 : i64, tpu.core_type = #tpu.core_type<tc>, window_params = [{pipeline_mode = #tpu.pipeline_mode<synchronous>, transform_indices = @transform_0, window_bounds = array<i64: 32, 9, 512>}, {pipeline_mode = #tpu.pipeline_mode<synchronous>, transform_indices = @transform_1, window_bounds = array<i64: 512, 9>}, {pipeline_mode = #tpu.pipeline_mode<synchronous>, transform_indices = @transform_2, window_bounds = array<i64: 9, 512>}]} {
    %get3A = arith.constant 0 : index
    %get3A_0 = arith.constant 0 : index
    %get3A_1 = arith.constant 0 : index
    %get3A_2 = vector.load %arg1[%get3A, %get3A_0, %get3A_1] : memref<32x9x512xf32, #tpu.memory_space<vmem>>, vector<32x9x512xf32>
    %reduce_sum3A = arith.constant dense<0.000000e+00> : vector<9x512xf32>
    %reduce_sum3A_3 = vector.multi_reduction <add>, %get3A_2, %reduce_sum3A [0] : vector<32x9x512xf32> to vector<9x512xf32>
    %get3A_4 = arith.constant 0 : index
    %get3A_5 = arith.constant 0 : index
    %get3A_6 = vector.load %arg2[%get3A_4, %get3A_5] : memref<512x9xf32, #tpu.memory_space<vmem>>, vector<512x9xf32>
    %slice3A = vector.extract_strided_slice %get3A_6 {offsets = [0, 0], sizes = [512, 1], strides = [1, 1]} : vector<512x9xf32> to vector<512x1xf32>
    %squeeze3A = vector.shape_cast %slice3A : vector<512x1xf32> to vector<512xf32>
    %slice3A_7 = vector.extract_strided_slice %get3A_6 {offsets = [0, 4], sizes = [512, 1], strides = [1, 1]} : vector<512x9xf32> to vector<512x1xf32>
    %squeeze3A_8 = vector.shape_cast %slice3A_7 : vector<512x1xf32> to vector<512xf32>
    %slice3A_9 = vector.extract_strided_slice %get3A_6 {offsets = [0, 8], sizes = [512, 1], strides = [1, 1]} : vector<512x9xf32> to vector<512x1xf32>
    %squeeze3A_10 = vector.shape_cast %slice3A_9 : vector<512x1xf32> to vector<512xf32>
    %mul3A = arith.mulf %squeeze3A_8, %squeeze3A_10 : vector<512xf32>
    %slice3A_11 = vector.extract_strided_slice %get3A_6 {offsets = [0, 5], sizes = [512, 1], strides = [1, 1]} : vector<512x9xf32> to vector<512x1xf32>
    %squeeze3A_12 = vector.shape_cast %slice3A_11 : vector<512x1xf32> to vector<512xf32>
    %slice3A_13 = vector.extract_strided_slice %get3A_6 {offsets = [0, 7], sizes = [512, 1], strides = [1, 1]} : vector<512x9xf32> to vector<512x1xf32>
    %squeeze3A_14 = vector.shape_cast %slice3A_13 : vector<512x1xf32> to vector<512xf32>
    %mul3A_15 = arith.mulf %squeeze3A_12, %squeeze3A_14 : vector<512xf32>
    %sub3A = arith.subf %mul3A, %mul3A_15 : vector<512xf32>
    %mul3A_16 = arith.mulf %squeeze3A, %sub3A : vector<512xf32>
    %slice3A_17 = vector.extract_strided_slice %get3A_6 {offsets = [0, 1], sizes = [512, 1], strides = [1, 1]} : vector<512x9xf32> to vector<512x1xf32>
    %squeeze3A_18 = vector.shape_cast %slice3A_17 : vector<512x1xf32> to vector<512xf32>
    %slice3A_19 = vector.extract_strided_slice %get3A_6 {offsets = [0, 3], sizes = [512, 1], strides = [1, 1]} : vector<512x9xf32> to vector<512x1xf32>
    %squeeze3A_20 = vector.shape_cast %slice3A_19 : vector<512x1xf32> to vector<512xf32>
    %slice3A_21 = vector.extract_strided_slice %get3A_6 {offsets = [0, 8], sizes = [512, 1], strides = [1, 1]} : vector<512x9xf32> to vector<512x1xf32>
    %squeeze3A_22 = vector.shape_cast %slice3A_21 : vector<512x1xf32> to vector<512xf32>
    %mul3A_23 = arith.mulf %squeeze3A_20, %squeeze3A_22 : vector<512xf32>
    %slice3A_24 = vector.extract_strided_slice %get3A_6 {offsets = [0, 5], sizes = [512, 1], strides = [1, 1]} : vector<512x9xf32> to vector<512x1xf32>
    %squeeze3A_25 = vector.shape_cast %slice3A_24 : vector<512x1xf32> to vector<512xf32>
    %slice3A_26 = vector.extract_strided_slice %get3A_6 {offsets = [0, 6], sizes = [512, 1], strides = [1, 1]} : vector<512x9xf32> to vector<512x1xf32>
    %squeeze3A_27 = vector.shape_cast %slice3A_26 : vector<512x1xf32> to vector<512xf32>
    %mul3A_28 = arith.mulf %squeeze3A_25, %squeeze3A_27 : vector<512xf32>
    %sub3A_29 = arith.subf %mul3A_23, %mul3A_28 : vector<512xf32>
    %mul3A_30 = arith.mulf %squeeze3A_18, %sub3A_29 : vector<512xf32>
    %sub3A_31 = arith.subf %mul3A_16, %mul3A_30 : vector<512xf32>
    %slice3A_32 = vector.extract_strided_slice %get3A_6 {offsets = [0, 2], sizes = [512, 1], strides = [1, 1]} : vector<512x9xf32> to vector<512x1xf32>
    %squeeze3A_33 = vector.shape_cast %slice3A_32 : vector<512x1xf32> to vector<512xf32>
    %slice3A_34 = vector.extract_strided_slice %get3A_6 {offsets = [0, 3], sizes = [512, 1], strides = [1, 1]} : vector<512x9xf32> to vector<512x1xf32>
    %squeeze3A_35 = vector.shape_cast %slice3A_34 : vector<512x1xf32> to vector<512xf32>
    %slice3A_36 = vector.extract_strided_slice %get3A_6 {offsets = [0, 7], sizes = [512, 1], strides = [1, 1]} : vector<512x9xf32> to vector<512x1xf32>
    %squeeze3A_37 = vector.shape_cast %slice3A_36 : vector<512x1xf32> to vector<512xf32>
    %mul3A_38 = arith.mulf %squeeze3A_35, %squeeze3A_37 : vector<512xf32>
    %slice3A_39 = vector.extract_strided_slice %get3A_6 {offsets = [0, 4], sizes = [512, 1], strides = [1, 1]} : vector<512x9xf32> to vector<512x1xf32>
    %squeeze3A_40 = vector.shape_cast %slice3A_39 : vector<512x1xf32> to vector<512xf32>
    %slice3A_41 = vector.extract_strided_slice %get3A_6 {offsets = [0, 6], sizes = [512, 1], strides = [1, 1]} : vector<512x9xf32> to vector<512x1xf32>
    %squeeze3A_42 = vector.shape_cast %slice3A_41 : vector<512x1xf32> to vector<512xf32>
    %mul3A_43 = arith.mulf %squeeze3A_40, %squeeze3A_42 : vector<512xf32>
    %sub3A_44 = arith.subf %mul3A_38, %mul3A_43 : vector<512xf32>
    %mul3A_45 = arith.mulf %squeeze3A_33, %sub3A_44 : vector<512xf32>
    %add3A = arith.addf %sub3A_31, %mul3A_45 : vector<512xf32>
    %abs3A = math.absf %add3A : vector<512xf32>
    %max3A = arith.constant 1.000000e-10 : f32
    %max3A_46 = vector.broadcast %max3A : f32 to vector<512xf32>
    %max3A_47 = arith.maximumf %abs3A, %max3A_46 : vector<512xf32>
    %broadcast_in_dim3A = vector.shape_cast %max3A_47 : vector<512xf32> to vector<1x512xf32>
    %div3A = vector.broadcast %broadcast_in_dim3A : vector<1x512xf32> to vector<9x512xf32>
    %div3A_48 = arith.divf %reduce_sum3A_3, %div3A : vector<9x512xf32>
    %swap3A = arith.constant 0 : index
    %swap3A_49 = arith.constant 0 : index
    %swap3A_50 = vector.load %arg3[%swap3A, %swap3A_49] : memref<9x512xf32, #tpu.memory_space<vmem>>, vector<9x512xf32>
    tpu.vector_store %arg3[%swap3A, %swap3A_49], %div3A_48 {strides = array<i32>} : memref<9x512xf32, #tpu.memory_space<vmem>>, vector<9x512xf32>,
    return
  }
  func.func @transform_0(%arg0: i32) -> (i32, i32, i32) {
    %c0_i32 = arith.constant 0 : i32
    %c0_i32_0 = arith.constant 0 : i32
    %c0_i32_1 = arith.constant 0 : i32
    %c0_i32_2 = arith.constant 0 : i32
    return %c0_i32, %c0_i32_0, %c0_i32_1 : i32, i32, i32
  }
  func.func @transform_1(%arg0: i32) -> (i32, i32) {
    %c0_i32 = arith.constant 0 : i32
    %c0_i32_0 = arith.constant 0 : i32
    %c0_i32_1 = arith.constant 0 : i32
    return %c0_i32, %c0_i32_0 : i32, i32
  }
  func.func @transform_2(%arg0: i32) -> (i32, i32) {
    %c0_i32 = arith.constant 0 : i32
    %c0_i32_0 = arith.constant 0 : i32
    %c0_i32_1 = arith.constant 0 : i32
    return %c0_i32, %c0_i32_0 : i32, i32
  }
}

</mosaic_0001>

<sc_bundles>
// kernel: kernel.5.cloned.1.call-start
scs
__scs_entry_jumppad:
0x0: {  	(pc) =	sbr.rel $0x88, $3  }
0x1: {  	(tag) =	ssettag $0x0;
	lr =	simm.s32 $0x1  }
0x2: {  	[smem:$0x3F96] =	sst lr;
	_ =	strace $0xD0000000  }
0x3: {  	_ = 	snop  }
0x4: {  	_ = 	snop  }
0x5: {  	_ = 	snop  }
0x6: {  	_ = 	snop  }
0x7: {  	_ = 	snop  }
__scs_overlays_trampoline_lowered:
0x8: {  	[smem:$0x3FA5] =	sst s0  }
0x9: {  	[smem:$0x3FA6] =	sst s1  }
0xa: {  	[smem:$0x3FA7] =	sst s2  }
0xb: {  	[smem:$0x3FA8] =	sst s3  }
0xc: {  	[smem:$0x3FA9] =	sst s4  }
0xd: {  	[smem:$0x3FAA] =	sst s5  }
0xe: {  	[smem:$0x3FAB] =	sst s6  }
0xf: {  	[smem:$0x3FAC] =	sst s7  }
0x10: {  	[smem:$0x3FAD] =	sst s8  }
0x11: {  	[smem:$0x3FAE] =	sst s9;
	s0 =	simm.s32 @!p0 $0x0  }
0x12: {  	s1 =	sld [smem:$0x3F94];
	s0 =	simm.s32 @p0 $0x1  }
0x13: {  	[smem:$0x3FAF] =	sst s0;
	s0 =	simm.s32 @!p1 $0x0  }
0x14: {  	s2 =	sld [smem:$0x3F93];
	s0 =	simm.s32 @p1 $0x1  }
0x15: {  	[smem:$0x3FB0] =	sst s0;
	s0 =	simm.s32 @!p2 $0x0  }
0x16: {  	s3 =	sld [smem:$0x3FDB];
	s0 =	simm.s32 @p2 $0x1  }
0x17: {  	s4 =	simm.s32 $0x1BF5;
	[smem:$0x3FB2] =	sst s0  }
0x18: {  	s0 =	sld [smem:$0x3F95];
	_ =	swait.ge [sflag:s4], $0x0  }
0x19: {  	s7 =	sld [smem:$0x3F96]  }
0x1a: {  	s8 =	sadd.s32 $0xFFFFE003, lr  }
0x1b: {  	s9 =	sadd.s32 $0xFFFFFEF7, lr;
	s5 =	simm.s32 $0xFFFFFFFF;
	p2 =	slt.u32 s8, $0xFFFFF086  }
0x1c: {  	p1 =	slt.u32 s9, $0xF7A;
	s5 =	simm.s32 @!p2 $0x0  }
0x1d: {  	s5 =	simm.s32 @p1 $0x1;
	p0 =	seq.s32 s7, s2  }
0x1e: {  	s7 =	smul.u32 @!p0 $0xF7A, s2;
	p2 =	seq.s32 @!p0 s5, $0x0  }
0x1f: {  	s9 =	smul.u32 $0xF7A, s1;
	s8 =	simm.s32 @!p0 $0x1BF5;
	p2 =	por !p2, p0  }
0x20: {  	[sflag:s8] =	ssyncset.s32 @!p0 $0xFFFFF086;
	s6 =	sadd.s32 @!p0 s3, s7;
	s7 =	simm.s32 @!p0 $0x108  }
0x21: {  	s3 =	sadd.s32 s3, s9;
	s6 =	sadd.s32 @!p0 $0x88, s6;
	s7 =	simm.s32 @p2 $0x1082  }
0x22: {  	[simem:s7], [sflag:s8] =	dma.local @!p0 [hbm:s6], $0xF7A  }
0x23: {  	s9 =	sor.u32 $0xD0000000, s2;
	s6 =	simm.s32 $0x108;
	_ =	swait.ge @!p0 [sflag:s8], $0x0  }
0x24: {  	s3 =	sadd.s32 $0x88, s3;
	s6 =	simm.s32 @!p1 $0x1082;
	[sflag:s4] =	ssyncset.s32 $0xFFFFF086  }
0x25: {  	[simem:s6], [sflag:s4] =	dma.local [hbm:s3], $0xF7A  }
0x26: {  	[smem:$0x3F96] =	sst s1;
	(tag) =	ssettag s2;
	_ =	strace s9  }
0x27: {  	s1 =	sld [smem:$0x3FA6]  }
0x28: {  	s2 =	sld [smem:$0x3FA7]  }
0x29: {  	s4 =	sld [smem:$0x3FA9]  }
0x2a: {  	p0 =	seq.s32 s5, $0x0;
	s5 =	sld [smem:$0x3FAA]  }
0x2b: {  	s6 =	sld [smem:$0x3FAB]  }
0x2c: {  	s7 =	sld [smem:$0x3FAC]  }
0x2d: {  	s3 =	simm.s32 $0x108;
	s8 =	sld [smem:$0x3FAD]  }
0x2e: {  	s3 =	simm.s32 @!p0 $0x1082;
	s9 =	sld [smem:$0x3FAE]  }
0x2f: {  	lr =	sadd.s32 s0, s3;
	s0 =	sld [smem:$0x3FA5]  }
0x30: {  	s3 =	sld [smem:$0x3FA8]  }
0x31: {  	[smem:$0x3FB1] =	sst s10  }
0x32: {  	s10 =	sld [smem:$0x3FAF];
	_ =	sdelay $0x3  }
0x33: {  	p0 =	seq.s32 s10, $0x1;
	s10 =	sld [smem:$0x3FB1];
	_ =	sdelay $0x3  }
0x34: {  	[smem:$0x3FB1] =	sst s10  }
0x35: {  	s10 =	sld [smem:$0x3FB0];
	_ =	sdelay $0x3  }
0x36: {  	p1 =	seq.s32 s10, $0x1;
	s10 =	sld [smem:$0x3FB1];
	_ =	sdelay $0x3  }
0x37: {  	[smem:$0x3FB1] =	sst s10  }
0x38: {  	s10 =	sld [smem:$0x3FB2]  }
0x39: {  	_ = 	snop;
	(pc) =	sbr.ind lr, $3  }
0x3a: {  	_ = 	snop  }
0x3b: {  	_ = 	snop  }
0x3c: {  	p2 =	seq.s32 s10, $0x1;
	s10 =	sld [smem:$0x3FB1]  }
0x3d: {  	_ =	shalt  }
0x3e: {  	_ =	shalt  }
0x3f: {  	_ =	shalt  }
0x40: {  	_ =	shalt  }
0x41: {  	_ =	shalt  }
0x42: {  	_ =	shalt  }
0x43: {  	_ =	shalt  }
0x44: {  	_ =	shalt  }
0x45: {  	_ =	shalt  }
0x46: {  	_ =	shalt  }
0x47: {  	_ =	shalt  }
0x48: {  	_ =	shalt  }
0x49: {  	_ =	shalt  }
0x4a: {  	_ =	shalt  }
0x4b: {  	_ =	shalt  }
0x4c: {  	_ =	shalt  }
0x4d: {  	_ =	shalt  }
0x4e: {  	_ =	shalt  }
0x4f: {  	_ =	shalt  }
0x50: {  	_ =	shalt  }
0x51: {  	_ =	shalt  }
0x52: {  	_ =	shalt  }
0x53: {  	_ =	shalt  }
0x54: {  	_ =	shalt  }
0x55: {  	_ =	shalt  }
0x56: {  	_ =	shalt  }
0x57: {  	_ =	shalt  }
0x58: {  	_ =	shalt  }
0x59: {  	_ =	shalt  }
0x5a: {  	_ =	shalt  }
0x5b: {  	_ =	shalt  }
0x5c: {  	_ =	shalt  }
0x5d: {  	_ =	shalt  }
0x5e: {  	_ =	shalt  }
0x5f: {  	_ =	shalt  }
0x60: {  	_ =	shalt  }
0x61: {  	_ =	shalt  }
0x62: {  	_ =	shalt  }
0x63: {  	_ =	shalt  }
0x64: {  	_ =	shalt  }
0x65: {  	_ =	shalt  }
0x66: {  	_ =	shalt  }
0x67: {  	_ =	shalt  }
0x68: {  	_ =	shalt  }
0x69: {  	_ =	shalt  }
0x6a: {  	_ =	shalt  }
0x6b: {  	_ =	shalt  }
0x6c: {  	_ =	shalt  }
0x6d: {  	_ =	shalt  }
0x6e: {  	_ =	shalt  }
0x6f: {  	_ =	shalt  }
0x70: {  	_ =	shalt  }
0x71: {  	_ =	shalt  }
0x72: {  	_ =	shalt  }
0x73: {  	_ =	shalt  }
0x74: {  	_ =	shalt  }
0x75: {  	_ =	shalt  }
0x76: {  	_ =	shalt  }
0x77: {  	_ =	shalt  }
0x78: {  	_ =	shalt  }
0x79: {  	_ =	shalt  }
0x7a: {  	_ =	shalt  }
0x7b: {  	_ =	shalt  }
0x7c: {  	_ =	shalt  }
0x7d: {  	_ =	shalt  }
0x7e: {  	_ =	shalt  }
0x7f: {  	_ =	shalt  }
0x80: {  	_ =	shalt  }
0x81: {  	_ =	shalt  }
0x82: {  	_ =	shalt  }
0x83: {  	_ =	shalt  }
0x84: {  	_ =	shalt  }
0x85: {  	_ =	shalt  }
0x86: {  	_ =	shalt  }
0x87: {  	_ =	shalt  }
.Lfunc_end0:
.L_simem_size_0:
called_computation_lowered:
.L_overlay_start_0:
0x88: {  	s2 =	sld [smem:$0x3FD9]  }
0x89: {  	s3 =	sld [smem:$0x3FFE];
	_ =	sdelay $0x1  }
0x8a: {  	s1 =	srdreg.scid  }
0x8b: {  	s0 =	sand.u32 $0x1, s1  }
0x8c: {  	s14 =	sshll.u32 s0, $0xA;
	s2 =	sadd.s32 s3, s2  }
0x8d: {  	s2 =	sadd.s32 s2, s14  }
0x8e: {  	[smem:$0x3FBD] =	sst s2  }
0x8f: {  	_ = 	snop  }
0x90: {  	s2 =	sld [smem:$0x3FD0];
	_ =	sdelay $0x2  }
0x91: {  	s4 =	simm.s32 $0xA;
	s5 =	simm.s32 $0x10;
	s15 =	sld [smem:$0x3FC5]  }
0x92: {  	[smem:s5], [sflag:s4] =	dma.local [hbm:s2], $0x1  }
0x93: {  	_ =	swait.eq [sflag:s4], $0x1  }
0x94: {  	[sflag:s4] =	ssyncset.done $0x0  }
0x95: {  	[sflag:s4] =	ssyncadd.s32 $0xFFFFFFFF  }
0x96: {  	s16 =	sld [smem:$0x12];
	(tm) =	ssettm $0x1  }
0x97: {  	s17 =	sld [smem:$0x3FFB];
	_ =	sdelay $0x3  }
0x98: {  	_ =	strace s17  }
0x99: {  	s4 =	sld [smem:$0x3FFC];
	_ =	sdelay $0x3  }
0x9a: {  	_ =	strace s4  }
0x9b: {  	s4 =	sld [smem:$0x3FFD];
	_ =	sdelay $0x3  }
0x9c: {  	_ =	strace s4  }
0x9d: {  	_ =	strace $0x8FFFFFFF  }
0x9e: {  	s18 =	sld [smem:$0x3FDB];
	_ =	sdelay $0x1  }
0x9f: {  	s19 =	simm.s32 $_scs_section_size  }
0xa0: {  	s6 =	simm.s32 $_size__tile_overlayer_lowered;
	s7 =	simm.s32 $_tile_overlayer_lowered  }
0xa1: {  	s22 =	simm.s32 $0x1BFF;
	s21 =	sshll.u32 s7, $0x1;
	s4 =	sadd.s32 s19, s18  }
0xa2: {  	s8 =	simm.s32 $0x0;
	s20 =	sshll.u32 s6, $0x1;
	s6 =	sadd.s32 s21, s4  }
0xa3: {  	[timem:s8], [sflag:s22] =	dma.local [hbm:s6], s20  }
0xa4: {  	_ =	swait.ge [sflag:s22], s20  }
0xa5: {  	s5 =	ssub.s32 $0x0, s20;
	[sflag:s22] =	ssyncset.done $0x0  }
0xa6: {  	[sflag:s22] =	ssyncadd.s32 s5;
	_ =	sdelay $0x1  }
0xa7: {  	s23 =	simm.s32 $0x1B8B  }
0xa8: {  	_ =	swait.ge [sflag:s23], $0x1  }
0xa9: {  	[sflag:s23] =	ssyncset.done $0x0  }
0xaa: {  	s25 =	simm.s32 $0x1B8E;
	s24 =	sld [smem:$0x3FFE];
	[sflag:s23] =	ssyncadd.s32 $0xFFFFFFFF  }
0xab: {  	s26 =	simm.s32 $execute0_lowered;
	[smem:$0x3FD2] =	sst s25  }
0xac: {  	s6 =	sshll.u32 s26, $0x1;
	_ =	strace $0x80000046;
	[dreg:$0x1] =	wrdreg $0xFFFFFFFF  }
0xad: {  	s28 =	simm.s32 $_size_execute0_lowered;
	s4 =	sadd.s32 s4, s6;
	[dreg:$0x0] =	wrdreg $0x0  }
0xae: {  	s6 =	sshll.u32 s28, $0x1;
	[dreg:$0x2] =	wrdreg s4  }
0xaf: {  	[dreg:$0x3] =	wrdreg s6  }
0xb0: {  	[dreg:$0x4] =	wrdreg $0xC0  }
0xb1: {  	_ =	task [dreg:s8], $0x5FFFF  }
0xb2: {  	[dreg:$0x1] =	wrdreg $0xFFFFFFFF  }
0xb3: {  	[dreg:$0x0] =	wrdreg $0x60  }
0xb4: {  	[dreg:$0x2] =	wrdreg s24  }
0xb5: {  	[dreg:$0x3] =	wrdreg s15  }
0xb6: {  	[dreg:$0x4] =	wrdreg s16  }
0xb7: {  	[dreg:$0x5] =	wrdreg $0x9  }
0xb8: {  	_ =	task.clear_ibuf [dreg:s8], $0x6FFFF;
	_ =	strace $0x90000046  }
0xb9: {  	s29 =	simm.s32 $0x9;
	_ =	strace $0x80000048  }
0xba: {  	_ =	swait.ge [sflag:s29], $0x1  }
0xbb: {  	[sflag:s29] =	ssyncadd.s32 $0xFFFFFFFF  }
0xbc: {  	_ =	strace $0x90000048  }
0xbd: {  	_ =	sfence  }
0xbe: {  	s30 =	sld [smem:$0x0];
	_ =	sdelay $0x2  }
0xbf: {  	s31 =	sshll.u32 s1, $0xD;
	s1 =	sshrl.u32 s1, $0x2  }
0xc0: {  	s3 =	sand.u32 $0x4000, s31;
	s1 =	sadd.s32 s1, s30  }
0xc1: {  	s0 =	sor.u32 s3, s0;
	s1 =	sshll.u32 s1, $0x11  }
0xc2: {  	s0 =	sor.u32 s1, s0  }
0xc3: {  	s0 =	sadd.s32 $0x8F2B, s0  }
0xc4: {  	[sflag:s0] =	ssyncadd.remote.s32 $0x1  }
0xc5: {  	_ =	sfence.sel $0xFFFF  }
0xc6: {  	[dreg:$0x0] =	wrdreg $0xFFFFFFFF;
	(pc) =	sbr.abs _section_cstart, $3  }
0xc7: {  	[dreg:$0x1] =	wrdreg $0xFFFFFFFF  }
0xc8: {  	_ =	task.clear_ibuf [dreg:s8], $0x2FFFF;
	_ =	strace $0x9FFFFFFF  }
0xc9: {  	(tm) =	ssettm $0x7FFFFFFF  }
tec
execute0_lowered:
.L_overlay_start_1:
0x0: {  	(tag) =	ssettag $0x1  }
0x1: {  	s0 =	rddreg [dreg:$0x0];
	s1 =	srdreg.scid  }
0x2: {  	s2 =	stileid.u32;
	s4 =	simm.s32 $0x0;
	s11 =	simm.s32 $0x2  }
0x3: {  	s12 =	simm.s32 $0x1C2A0;
	s13 =	simm.s32 $0x18AA0;
	s14 =	simm.s32 $0x18B20  }
0x4: {  	s15 =	simm.s32 $0x18BA0;
	s16 =	simm.s32 $0x18C20;
	s17 =	simm.s32 $0x18CA0  }
0x5: {  	s18 =	simm.s32 $0x18D20;
	s19 =	simm.s32 $0x18DA0;
	s20 =	simm.s32 $0x18E20  }
0x6: {  	s21 =	simm.s32 $0x196A0;
	s22 =	simm.s32 $0x80;
	s28 =	simm.s32 $0x1BA20  }
0x7: {  	s29 =	simm.s32 $0x19220;
	s1 =	sand.u32 $0x1, s1;
	s2 =	sshll.u32 s2, $0x1  }
0x8: {  	s30 =	simm.s32 $0x1BE20;
	s31 =	simm.s32 $0x19620;
	s5 =	sor.u32 s1, s2  }
0x9: {  	[smem:$0x7FF] =	sst s4;
	s1 =	ssub.s32 $0x2, s1;
	s2 =	smul.u32 $0x240, s5  }
.Ltmp0:
0xa: {  	s6 =	sadd.s32 $0x319800, s0;
	s3 =	sshrl.u32 s1, $0x1;
	(pc) =	sbr.rel .LBB2_1-.Ltmp0, $4  }
0xb: {  	s7 =	sadd.s32 $0xC400, s0;
	s8 =	sadd.s32 $0x3000, s0;
	s1 =	ssub.s32 s1, s3  }
0xc: {  	_ =	strace $0x80000047;
	s2 =	sadd.s32 s2, s0;
	s26 =	smax.u32 s1, $0x1  }
0xd: {  	v0 =	vlaneseq.u32;
	s3 =	simm.s32 $0x0;
	s25 =	sadd.s32 $0x3DCE00, s2;
	[dreg:$0x5] =	wrdreg s26  }
0xe: {  	v0 =	vmul.u32 $0x8, v0;
	s1 =	simm.s32 $0x1C220;
	s0 =	simm.s32 $0x1;
	[dreg:$0x4] =	wrdreg s25  }
.LBB2_6:
0xf: {  	s2 =	rddreg [dreg:$0x4]  }
0x10: {  	[hbm4b:s2+s4] =	stream.linear.scatter [tilespmem:s12], [sflag:$0x2], $0x1200, $0x38;
	[tilespmem:$0x1D4A0] =	vst v63  }
0x11: {  	_ =	swait.ge [sflag:s11], $0x1200  }
0x12: {  	s3 =	rddreg [dreg:$0x6]  }
0x13: {  	s26 =	rddreg [dreg:$0x5];
	s3 =	sadd.s32 $0x1, s3  }
0x14: {  	p0 =	sne.s32 s3, s26  }
.Ltmp1:
0x15: {  	_ = 	snop;
	(pc) =	sbr.rel @!p0 .LBB2_7-.Ltmp1, $3  }
0x16: {  	_ =	sdelay $0x1  }
0x17: {  	[sflag:s11] =	ssyncset.done $0x0  }
0x18: {  	[sflag:s11] =	ssyncadd.s32 $0xFFFFEE00  }
.LBB2_1:
0x19: {  	[dreg:$0x6] =	wrdreg s3  }
0x1a: {  	s2 =	rddreg [dreg:$0x1]  }
0x1b: {  	[tilespmem:s4], [sflag:$0x2] =	stream.linear.gather [hbm4b:s2+s4], $0x186A0, $0x38;
	[tilespmem:$0x1D4A0] =	vst v63  }
0x1c: {  	_ =	swait.ge [sflag:s11], $0x186A0  }
0x1d: {  	[sflag:s11] =	ssyncset.done $0x0  }
0x1e: {  	[sflag:s11] =	ssyncadd.s32 $0xFFFE7960  }
.Ltmp2:
0x1f: {  	s26 =	rddreg [dreg:$0x2];
	(pc) =	sbr.rel .LBB2_2-.Ltmp2, $4  }
0x20: {  	[tilespmem:s12], [sflag:$0x2] =	stream.linear.gather [hbm4b:s26+s4], $0x1200, $0x38;
	[tilespmem:$0x1D4A0] =	vst v63  }
0x21: {  	_ =	swait.ge [sflag:s11], $0x1200  }
0x22: {  	[sflag:s11] =	ssyncset.done $0x0  }
0x23: {  	s2 =	simm.s32 $0x0;
	[sflag:s11] =	ssyncadd.s32 $0xFFFFEE00  }
.LBB2_5:
0x24: {  	s2 =	sadd.s32 $0x1, s2  }
0x25: {  	p0 =	sne.s32 s2, $0x62  }
.Ltmp3:
0x26: {  	_ = 	snop;
	(pc) =	sbr.rel @!p0 .LBB2_6-.Ltmp3, $1  }
0x27: {  	_ =	sdelay $0x3  }
.LBB2_2:
0x28: {  	s3 =	sshll.u32 s2, $0x5  }
0x29: {  	s3 =	sor.u32 s5, s3  }
0x2a: {  	p0 =	sgt.u32 s3, $0xC34  }
.Ltmp4:
0x2b: {  	_ = 	snop;
	(pc) =	sbr.rel @p0 .LBB2_5-.Ltmp4, $1  }
0x2c: {  	_ =	sdelay $0x3  }
0x2d: {  	s10 =	sshll.u32 s3, $0xA;
	s23 =	sshll.u32 s3, $0x7  }
0x2e: {  	s3 =	simm.s32 $0x0;
	s9 =	simm.s32 $0x186A0;
	s23 =	sadd.s32 s6, s23  }
0x2f: {  	[tilespmem:s9], [sflag:$0x2] =	stream.linear.gather [hbm4b:s23+s3], $0x400, $0x38;
	[tilespmem:$0x1D4A0] =	vst v63  }
0x30: {  	s24 =	sshrl.u32 s10, $0x3;
	_ =	swait.ge [sflag:s11], $0x400  }
0x31: {  	s23 =	sadd.s32 s6, s24;
	[sflag:s11] =	ssyncset.done $0x0  }
0x32: {  	s24 =	sadd.s32 $0x61A80, s23;
	[sflag:s11] =	ssyncadd.s32 $0xFFFFFC00  }
0x33: {  	[tilespmem:s13], [sflag:$0x2] =	stream.linear.gather [hbm4b:s24+s3], $0x80, $0x38;
	[tilespmem:$0x1D4A0] =	vst v63  }
0x34: {  	_ =	swait.ge [sflag:s11], $0x80  }
0x35: {  	[sflag:s11] =	ssyncset.done $0x0  }
0x36: {  	s25 =	sadd.s32 $0x61A90, s23;
	[sflag:s11] =	ssyncadd.s32 $0xFFFFFF80  }
0x37: {  	[tilespmem:s14], [sflag:$0x2] =	stream.linear.gather [hbm4b:s25+s3], $0x80, $0x38;
	[tilespmem:$0x1D4A0] =	vst v63  }
0x38: {  	_ =	swait.ge [sflag:s11], $0x80  }
0x39: {  	[sflag:s11] =	ssyncset.done $0x0  }
0x3a: {  	s26 =	sadd.s32 $0x61AA0, s23;
	[sflag:s11] =	ssyncadd.s32 $0xFFFFFF80  }
0x3b: {  	[tilespmem:s15], [sflag:$0x2] =	stream.linear.gather [hbm4b:s26+s3], $0x80, $0x38;
	[tilespmem:$0x1D4A0] =	vst v63  }
0x3c: {  	_ =	swait.ge [sflag:s11], $0x80  }
0x3d: {  	[sflag:s11] =	ssyncset.done $0x0  }
0x3e: {  	s25 =	sadd.s32 $0x61AB0, s23;
	[sflag:s11] =	ssyncadd.s32 $0xFFFFFF80  }
0x3f: {  	[tilespmem:s16], [sflag:$0x2] =	stream.linear.gather [hbm4b:s25+s3], $0x80, $0x38;
	[tilespmem:$0x1D4A0] =	vst v63  }
0x40: {  	_ =	swait.ge [sflag:s11], $0x80  }
0x41: {  	[sflag:s11] =	ssyncset.done $0x0  }
0x42: {  	s26 =	sadd.s32 $0x61AC0, s23;
	[sflag:s11] =	ssyncadd.s32 $0xFFFFFF80  }
0x43: {  	[tilespmem:s17], [sflag:$0x2] =	stream.linear.gather [hbm4b:s26+s3], $0x80, $0x38;
	[tilespmem:$0x1D4A0] =	vst v63  }
0x44: {  	_ =	swait.ge [sflag:s11], $0x80  }
0x45: {  	[sflag:s11] =	ssyncset.done $0x0  }
0x46: {  	s25 =	sadd.s32 $0x61AD0, s23;
	[sflag:s11] =	ssyncadd.s32 $0xFFFFFF80  }
0x47: {  	[tilespmem:s18], [sflag:$0x2] =	stream.linear.gather [hbm4b:s25+s3], $0x80, $0x38;
	[tilespmem:$0x1D4A0] =	vst v63  }
0x48: {  	_ =	swait.ge [sflag:s11], $0x80  }
0x49: {  	[sflag:s11] =	ssyncset.done $0x0  }
0x4a: {  	s26 =	sadd.s32 $0x61AE0, s23;
	[sflag:s11] =	ssyncadd.s32 $0xFFFFFF80  }
0x4b: {  	[tilespmem:s19], [sflag:$0x2] =	stream.linear.gather [hbm4b:s26+s3], $0x80, $0x38;
	[tilespmem:$0x1D4A0] =	vst v63  }
0x4c: {  	_ =	swait.ge [sflag:s11], $0x80  }
0x4d: {  	[sflag:s11] =	ssyncset.done $0x0  }
0x4e: {  	s23 =	sadd.s32 $0x61AF0, s23;
	[sflag:s11] =	ssyncadd.s32 $0xFFFFFF80  }
0x4f: {  	[tilespmem:s20], [sflag:$0x2] =	stream.linear.gather [hbm4b:s23+s3], $0x80, $0x38;
	[tilespmem:$0x1D4A0] =	vst v63  }
0x50: {  	_ =	swait.ge [sflag:s11], $0x80  }
0x51: {  	[sflag:s11] =	ssyncset.done $0x0  }
0x52: {  	s10 =	sadd.s32 s7, s10;
	[sflag:s11] =	ssyncadd.s32 $0xFFFFFF80  }
0x53: {  	[tilespmem:s21], [sflag:$0x2] =	stream.linear.gather [hbm4b:s10+s3], $0x2000, $0x38;
	[tilespmem:$0x1D4A0] =	vst v63  }
0x54: {  	_ =	swait.ge [sflag:s11], $0x2000  }
0x55: {  	[sflag:s11] =	ssyncset.done $0x0  }
0x56: {  	[sflag:s11] =	ssyncadd.s32 $0xFFFFE000  }
0x57: {  	v1 =	vld [tilespmem:$0x18AA0];
	_ =	sdelay $0x1  }
0x58: {  	v2 =	vld [tilespmem:$0x18AB0];
	_ =	sdelay $0x1  }
0x59: {  	v3 =	vld [tilespmem:$0x18AC0]  }
0x5a: {  	v4 =	vadd.s32 $0x18800, v1  }
0x5b: {  	v43 =	vld [tilespmem:$0x18AD0];
	v1 =	vadd.s32 $0x31000, v1;
	[tilespmem:$0x18EA0] =	vst v4  }
0x5c: {  	[tilespmem:$0x192A0] =	vst v1;
	v1 =	vadd.s32 $0x18800, v2  }
0x5d: {  	[tilespmem:$0x18EB0] =	vst v1;
	v1 =	vadd.s32 $0x31000, v2;
	v2 =	vld [tilespmem:$0x18AE0]  }
0x5e: {  	[tilespmem:$0x192B0] =	vst v1;
	v1 =	vadd.s32 $0x18800, v3  }
0x5f: {  	[tilespmem:$0x18EC0] =	vst v1;
	v1 =	vadd.s32 $0x31000, v3;
	v3 =	vld [tilespmem:$0x18AF0]  }
0x60: {  	[tilespmem:$0x192C0] =	vst v1;
	v1 =	vadd.s32 $0x18800, v43  }
0x61: {  	v44 =	vld [tilespmem:$0x18B00];
	[tilespmem:$0x18ED0] =	vst v1;
	v1 =	vadd.s32 $0x31000, v43  }
0x62: {  	[tilespmem:$0x192D0] =	vst v1;
	v1 =	vadd.s32 $0x18800, v2  }
0x63: {  	[tilespmem:$0x18EE0] =	vst v1;
	v1 =	vadd.s32 $0x31000, v2;
	v2 =	vld [tilespmem:$0x18B10]  }
0x64: {  	[tilespmem:$0x192E0] =	vst v1;
	v1 =	vadd.s32 $0x18800, v3  }
0x65: {  	[tilespmem:$0x18EF0] =	vst v1;
	v1 =	vadd.s32 $0x31000, v3;
	v3 =	vld [tilespmem:$0x18B20]  }
0x66: {  	[tilespmem:$0x192F0] =	vst v1;
	v1 =	vadd.s32 $0x18800, v44  }
0x67: {  	v45 =	vld [tilespmem:$0x18B30];
	[tilespmem:$0x18F00] =	vst v1;
	v1 =	vadd.s32 $0x31000, v44  }
0x68: {  	[tilespmem:$0x19300] =	vst v1;
	v1 =	vadd.s32 $0x18800, v2  }
0x69: {  	[tilespmem:$0x18F10] =	vst v1;
	v1 =	vadd.s32 $0x31000, v2;
	v2 =	vld [tilespmem:$0x18B40]  }
0x6a: {  	[tilespmem:$0x19310] =	vst v1;
	v1 =	vadd.s32 $0x18800, v3  }
0x6b: {  	[tilespmem:$0x18F20] =	vst v1;
	v1 =	vadd.s32 $0x31000, v3;
	v3 =	vld [tilespmem:$0x18B50]  }
0x6c: {  	[tilespmem:$0x19320] =	vst v1;
	v1 =	vadd.s32 $0x18800, v45  }
0x6d: {  	v46 =	vld [tilespmem:$0x18B60];
	[tilespmem:$0x18F30] =	vst v1;
	v1 =	vadd.s32 $0x31000, v45  }
0x6e: {  	[tilespmem:$0x19330] =	vst v1;
	v1 =	vadd.s32 $0x18800, v2  }
0x6f: {  	[tilespmem:$0x18F40] =	vst v1;
	v1 =	vadd.s32 $0x31000, v2;
	v2 =	vld [tilespmem:$0x18B70]  }
0x70: {  	[tilespmem:$0x19340] =	vst v1;
	v1 =	vadd.s32 $0x18800, v3  }
0x71: {  	[tilespmem:$0x18F50] =	vst v1;
	v1 =	vadd.s32 $0x31000, v3;
	v3 =	vld [tilespmem:$0x18B80]  }
0x72: {  	[tilespmem:$0x19350] =	vst v1;
	v1 =	vadd.s32 $0x18800, v46  }
0x73: {  	v47 =	vld [tilespmem:$0x18B90];
	[tilespmem:$0x18F60] =	vst v1;
	v1 =	vadd.s32 $0x31000, v46  }
0x74: {  	[tilespmem:$0x19360] =	vst v1;
	v1 =	vadd.s32 $0x18800, v2  }
0x75: {  	[tilespmem:$0x18F70] =	vst v1;
	v1 =	vadd.s32 $0x31000, v2;
	v2 =	vld [tilespmem:$0x18BA0]  }
0x76: {  	[tilespmem:$0x19370] =	vst v1;
	v1 =	vadd.s32 $0x18800, v3  }
0x77: {  	[tilespmem:$0x18F80] =	vst v1;
	v1 =	vadd.s32 $0x31000, v3;
	v3 =	vld [tilespmem:$0x18BB0]  }
0x78: {  	[tilespmem:$0x19380] =	vst v1;
	v1 =	vadd.s32 $0x18800, v47  }
0x79: {  	v48 =	vld [tilespmem:$0x18BC0];
	[tilespmem:$0x18F90] =	vst v1;
	v1 =	vadd.s32 $0x31000, v47  }
0x7a: {  	[tilespmem:$0x19390] =	vst v1;
	v1 =	vadd.s32 $0x18800, v2  }
0x7b: {  	[tilespmem:$0x18FA0] =	vst v1;
	v1 =	vadd.s32 $0x31000, v2;
	v2 =	vld [tilespmem:$0x18BD0]  }
0x7c: {  	[tilespmem:$0x193A0] =	vst v1;
	v1 =	vadd.s32 $0x18800, v3  }
0x7d: {  	[tilespmem:$0x18FB0] =	vst v1;
	v1 =	vadd.s32 $0x31000, v3;
	v3 =	vld [tilespmem:$0x18BE0]  }
0x7e: {  	[tilespmem:$0x193B0] =	vst v1;
	v1 =	vadd.s32 $0x18800, v48  }
0x7f: {  	v49 =	vld [tilespmem:$0x18BF0];
	[tilespmem:$0x18FC0] =	vst v1;
	v1 =	vadd.s32 $0x31000, v48  }
0x80: {  	[tilespmem:$0x193C0] =	vst v1;
	v1 =	vadd.s32 $0x18800, v2  }
0x81: {  	[tilespmem:$0x18FD0] =	vst v1;
	v1 =	vadd.s32 $0x31000, v2;
	v2 =	vld [tilespmem:$0x18C00]  }
0x82: {  	[tilespmem:$0x193D0] =	vst v1;
	v1 =	vadd.s32 $0x18800, v3  }
0x83: {  	[tilespmem:$0x18FE0] =	vst v1;
	v1 =	vadd.s32 $0x31000, v3;
	v3 =	vld [tilespmem:$0x18C10]  }
0x84: {  	[tilespmem:$0x193E0] =	vst v1;
	v1 =	vadd.s32 $0x18800, v49  }
0x85: {  	v50 =	vld [tilespmem:$0x18C20];
	[tilespmem:$0x18FF0] =	vst v1;
	v1 =	vadd.s32 $0x31000, v49  }
0x86: {  	[tilespmem:$0x193F0] =	vst v1;
	v1 =	vadd.s32 $0x18800, v2  }
0x87: {  	[tilespmem:$0x19000] =	vst v1;
	v1 =	vadd.s32 $0x31000, v2;
	v2 =	vld [tilespmem:$0x18C30]  }
0x88: {  	[tilespmem:$0x19400] =	vst v1;
	v1 =	vadd.s32 $0x18800, v3  }
0x89: {  	[tilespmem:$0x19010] =	vst v1;
	v1 =	vadd.s32 $0x31000, v3;
	v3 =	vld [tilespmem:$0x18C40]  }
0x8a: {  	[tilespmem:$0x19410] =	vst v1;
	v1 =	vadd.s32 $0x18800, v50  }
0x8b: {  	v51 =	vld [tilespmem:$0x18C50];
	[tilespmem:$0x19020] =	vst v1;
	v1 =	vadd.s32 $0x31000, v50  }
0x8c: {  	[tilespmem:$0x19420] =	vst v1;
	v1 =	vadd.s32 $0x18800, v2  }
0x8d: {  	[tilespmem:$0x19030] =	vst v1;
	v1 =	vadd.s32 $0x31000, v2;
	v2 =	vld [tilespmem:$0x18C60]  }
0x8e: {  	[tilespmem:$0x19430] =	vst v1;
	v1 =	vadd.s32 $0x18800, v3  }
0x8f: {  	[tilespmem:$0x19040] =	vst v1;
	v1 =	vadd.s32 $0x31000, v3;
	v3 =	vld [tilespmem:$0x18C70]  }
0x90: {  	[tilespmem:$0x19440] =	vst v1;
	v1 =	vadd.s32 $0x18800, v51  }
0x91: {  	v52 =	vld [tilespmem:$0x18C80];
	[tilespmem:$0x19050] =	vst v1;
	v1 =	vadd.s32 $0x31000, v51  }
0x92: {  	[tilespmem:$0x19450] =	vst v1;
	v1 =	vadd.s32 $0x18800, v2  }
0x93: {  	[tilespmem:$0x19060] =	vst v1;
	v1 =	vadd.s32 $0x31000, v2;
	v2 =	vld [tilespmem:$0x18C90]  }
0x94: {  	[tilespmem:$0x19460] =	vst v1;
	v1 =	vadd.s32 $0x18800, v3  }
0x95: {  	[tilespmem:$0x19070] =	vst v1;
	v1 =	vadd.s32 $0x31000, v3;
	v3 =	vld [tilespmem:$0x18CA0]  }
0x96: {  	[tilespmem:$0x19470] =	vst v1;
	v1 =	vadd.s32 $0x18800, v52  }
0x97: {  	v53 =	vld [tilespmem:$0x18CB0];
	[tilespmem:$0x19080] =	vst v1;
	v1 =	vadd.s32 $0x31000, v52  }
0x98: {  	[tilespmem:$0x19480] =	vst v1;
	v1 =	vadd.s32 $0x18800, v2  }
0x99: {  	[tilespmem:$0x19090] =	vst v1;
	v1 =	vadd.s32 $0x31000, v2;
	v2 =	vld [tilespmem:$0x18CC0]  }
0x9a: {  	[tilespmem:$0x19490] =	vst v1;
	v1 =	vadd.s32 $0x18800, v3  }
0x9b: {  	[tilespmem:$0x190A0] =	vst v1;
	v1 =	vadd.s32 $0x31000, v3;
	v3 =	vld [tilespmem:$0x18CD0]  }
0x9c: {  	[tilespmem:$0x194A0] =	vst v1;
	v1 =	vadd.s32 $0x18800, v53  }
0x9d: {  	v54 =	vld [tilespmem:$0x18CE0];
	[tilespmem:$0x190B0] =	vst v1;
	v1 =	vadd.s32 $0x31000, v53  }
0x9e: {  	[tilespmem:$0x194B0] =	vst v1;
	v1 =	vadd.s32 $0x18800, v2  }
0x9f: {  	[tilespmem:$0x190C0] =	vst v1;
	v1 =	vadd.s32 $0x31000, v2;
	v2 =	vld [tilespmem:$0x18CF0]  }
0xa0: {  	[tilespmem:$0x194C0] =	vst v1;
	v1 =	vadd.s32 $0x18800, v3  }
0xa1: {  	[tilespmem:$0x190D0] =	vst v1;
	v1 =	vadd.s32 $0x31000, v3;
	v3 =	vld [tilespmem:$0x18D00]  }
0xa2: {  	[tilespmem:$0x194D0] =	vst v1;
	v1 =	vadd.s32 $0x18800, v54  }
0xa3: {  	v55 =	vld [tilespmem:$0x18D10];
	[tilespmem:$0x190E0] =	vst v1;
	v1 =	vadd.s32 $0x31000, v54  }
0xa4: {  	[tilespmem:$0x194E0] =	vst v1;
	v1 =	vadd.s32 $0x18800, v2  }
0xa5: {  	[tilespmem:$0x190F0] =	vst v1;
	v1 =	vadd.s32 $0x31000, v2;
	v2 =	vld [tilespmem:$0x18D20]  }
0xa6: {  	[tilespmem:$0x194F0] =	vst v1;
	v1 =	vadd.s32 $0x18800, v3  }
0xa7: {  	[tilespmem:$0x19100] =	vst v1;
	v1 =	vadd.s32 $0x31000, v3;
	v3 =	vld [tilespmem:$0x18D30]  }
0xa8: {  	[tilespmem:$0x19500] =	vst v1;
	v1 =	vadd.s32 $0x18800, v55  }
0xa9: {  	v56 =	vld [tilespmem:$0x18D40];
	[tilespmem:$0x19110] =	vst v1;
	v1 =	vadd.s32 $0x31000, v55  }
0xaa: {  	[tilespmem:$0x19510] =	vst v1;
	v1 =	vadd.s32 $0x18800, v2  }
0xab: {  	[tilespmem:$0x19120] =	vst v1;
	v1 =	vadd.s32 $0x31000, v2;
	v2 =	vld [tilespmem:$0x18D50]  }
0xac: {  	[tilespmem:$0x19520] =	vst v1;
	v1 =	vadd.s32 $0x18800, v3  }
0xad: {  	[tilespmem:$0x19130] =	vst v1;
	v1 =	vadd.s32 $0x31000, v3;
	v3 =	vld [tilespmem:$0x18D60]  }
0xae: {  	[tilespmem:$0x19530] =	vst v1;
	v1 =	vadd.s32 $0x18800, v56  }
0xaf: {  	v57 =	vld [tilespmem:$0x18D70];
	[tilespmem:$0x19140] =	vst v1;
	v1 =	vadd.s32 $0x31000, v56  }
0xb0: {  	[tilespmem:$0x19540] =	vst v1;
	v1 =	vadd.s32 $0x18800, v2  }
0xb1: {  	[tilespmem:$0x19150] =	vst v1;
	v1 =	vadd.s32 $0x31000, v2;
	v2 =	vld [tilespmem:$0x18D80]  }
0xb2: {  	[tilespmem:$0x19550] =	vst v1;
	v1 =	vadd.s32 $0x18800, v3  }
0xb3: {  	[tilespmem:$0x19160] =	vst v1;
	v1 =	vadd.s32 $0x31000, v3;
	v3 =	vld [tilespmem:$0x18D90]  }
0xb4: {  	[tilespmem:$0x19560] =	vst v1;
	v1 =	vadd.s32 $0x18800, v57  }
0xb5: {  	v58 =	vld [tilespmem:$0x18DA0];
	[tilespmem:$0x19170] =	vst v1;
	v1 =	vadd.s32 $0x31000, v57  }
0xb6: {  	[tilespmem:$0x19570] =	vst v1;
	v1 =	vadd.s32 $0x18800, v2  }
0xb7: {  	[tilespmem:$0x19180] =	vst v1;
	v1 =	vadd.s32 $0x31000, v2;
	v2 =	vld [tilespmem:$0x18DB0]  }
0xb8: {  	[tilespmem:$0x19580] =	vst v1;
	v1 =	vadd.s32 $0x18800, v3  }
0xb9: {  	[tilespmem:$0x19190] =	vst v1;
	v1 =	vadd.s32 $0x31000, v3;
	v3 =	vld [tilespmem:$0x18DC0]  }
0xba: {  	[tilespmem:$0x19590] =	vst v1;
	v1 =	vadd.s32 $0x18800, v58  }
0xbb: {  	v59 =	vld [tilespmem:$0x18DD0];
	[tilespmem:$0x191A0] =	vst v1;
	v1 =	vadd.s32 $0x31000, v58  }
0xbc: {  	[tilespmem:$0x195A0] =	vst v1;
	v1 =	vadd.s32 $0x18800, v2  }
0xbd: {  	[tilespmem:$0x191B0] =	vst v1;
	v1 =	vadd.s32 $0x31000, v2;
	v2 =	vld [tilespmem:$0x18DE0]  }
0xbe: {  	[tilespmem:$0x195B0] =	vst v1;
	v1 =	vadd.s32 $0x18800, v3  }
0xbf: {  	[tilespmem:$0x191C0] =	vst v1;
	v1 =	vadd.s32 $0x31000, v3;
	v3 =	vld [tilespmem:$0x18DF0]  }
0xc0: {  	[tilespmem:$0x195C0] =	vst v1;
	v1 =	vadd.s32 $0x18800, v59  }
0xc1: {  	v60 =	vld [tilespmem:$0x18E00];
	[tilespmem:$0x191D0] =	vst v1;
	v1 =	vadd.s32 $0x31000, v59  }
0xc2: {  	[tilespmem:$0x195D0] =	vst v1;
	v1 =	vadd.s32 $0x18800, v2  }
0xc3: {  	[tilespmem:$0x191E0] =	vst v1;
	v1 =	vadd.s32 $0x31000, v2;
	v2 =	vld [tilespmem:$0x18E10]  }
0xc4: {  	[tilespmem:$0x195E0] =	vst v1;
	v1 =	vadd.s32 $0x18800, v3  }
0xc5: {  	[tilespmem:$0x191F0] =	vst v1;
	v1 =	vadd.s32 $0x31000, v3;
	v3 =	vld [tilespmem:$0x18E20]  }
0xc6: {  	[tilespmem:$0x195F0] =	vst v1;
	v1 =	vadd.s32 $0x18800, v60  }
0xc7: {  	v61 =	vld [tilespmem:$0x18E30];
	[tilespmem:$0x19200] =	vst v1;
	v1 =	vadd.s32 $0x31000, v60  }
0xc8: {  	[tilespmem:$0x19600] =	vst v1;
	v1 =	vadd.s32 $0x18800, v2  }
0xc9: {  	[tilespmem:$0x19210] =	vst v1;
	v1 =	vadd.s32 $0x31000, v2;
	v2 =	vld [tilespmem:$0x18E40]  }
0xca: {  	[tilespmem:$0x19610] =	vst v1;
	v1 =	vadd.s32 $0x18800, v3  }
0xcb: {  	[tilespmem:$0x19220] =	vst v1;
	v1 =	vadd.s32 $0x31000, v3;
	v3 =	vld [tilespmem:$0x18E50]  }
0xcc: {  	[tilespmem:$0x19620] =	vst v1;
	v1 =	vadd.s32 $0x18800, v61  }
0xcd: {  	v62 =	vld [tilespmem:$0x18E60];
	[tilespmem:$0x19230] =	vst v1;
	v1 =	vadd.s32 $0x31000, v61  }
0xce: {  	[tilespmem:$0x19630] =	vst v1;
	v1 =	vadd.s32 $0x18800, v2  }
0xcf: {  	[tilespmem:$0x19240] =	vst v1;
	v1 =	vadd.s32 $0x31000, v2;
	v2 =	vld [tilespmem:$0x18E70]  }
0xd0: {  	[tilespmem:$0x19640] =	vst v1;
	v1 =	vadd.s32 $0x18800, v3  }
0xd1: {  	[tilespmem:$0x19250] =	vst v1;
	v1 =	vadd.s32 $0x31000, v3;
	v3 =	vld [tilespmem:$0x18E80]  }
0xd2: {  	[tilespmem:$0x19650] =	vst v1;
	v1 =	vadd.s32 $0x18800, v62  }
0xd3: {  	v63 =	vld [tilespmem:$0x18E90];
	[tilespmem:$0x19260] =	vst v1;
	v1 =	vadd.s32 $0x31000, v62  }
0xd4: {  	[tilespmem:$0x19660] =	vst v1;
	v1 =	vadd.s32 $0x18800, v2  }
0xd5: {  	[tilespmem:$0x19270] =	vst v1;
	v1 =	vadd.s32 $0x31000, v2  }
0xd6: {  	[tilespmem:$0x19670] =	vst v1;
	v1 =	vadd.s32 $0x18800, v3  }
0xd7: {  	[tilespmem:$0x19280] =	vst v1;
	v1 =	vadd.s32 $0x31000, v3  }
0xd8: {  	[tilespmem:$0x19680] =	vst v1;
	v1 =	vadd.s32 $0x18800, v63  }
0xd9: {  	[tilespmem:$0x19290] =	vst v1;
	v1 =	vadd.s32 $0x31000, v63  }
0xda: {  	s10 =	simm.s32 $0x1B6A0;
	[tilespmem:$0x19690] =	vst v1  }
0xdb: {  	[tilespmem:s10], [sflag:$0x1] =	stream.indirect.gather [hbm4b:s8+s22], $0x1, s13, s22, $0xb8;
	[tilespmem:$0x1D4A0] =	vst v63  }
0xdc: {  	s25 =	simm.s32 $0x18EA0;
	s23 =	simm.s32 $0x1BAA0  }
0xdd: {  	[tilespmem:s23], [sflag:$0x1] =	stream.indirect.gather [hbm4b:s8+s22], $0x1, s25, s22, $0xb8;
	[tilespmem:$0x1D4A0] =	vst v63  }
0xde: {  	s24 =	simm.s32 $0x1BEA0;
	s25 =	simm.s32 $0x192A0  }
0xdf: {  	[tilespmem:s24], [sflag:$0x1] =	stream.indirect.gather [hbm4b:s8+s22], $0x1, s25, s22, $0xb8;
	[tilespmem:$0x1D4A0] =	vst v63  }
0xe0: {  	s26 =	simm.s32 $0x1B720  }
0xe1: {  	[tilespmem:s26], [sflag:$0x1] =	stream.indirect.gather [hbm4b:s8+s22], $0x1, s14, s22, $0xb8;
	[tilespmem:$0x1D4A0] =	vst v63  }
0xe2: {  	s25 =	simm.s32 $0x18F20;
	s26 =	simm.s32 $0x1BB20  }
0xe3: {  	[tilespmem:s26], [sflag:$0x1] =	stream.indirect.gather [hbm4b:s8+s22], $0x1, s25, s22, $0xb8;
	[tilespmem:$0x1D4A0] =	vst v63  }
0xe4: {  	s25 =	simm.s32 $0x19320;
	s26 =	simm.s32 $0x1BF20  }
0xe5: {  	[tilespmem:s26], [sflag:$0x1] =	stream.indirect.gather [hbm4b:s8+s22], $0x1, s25, s22, $0xb8;
	[tilespmem:$0x1D4A0] =	vst v63  }
0xe6: {  	s26 =	simm.s32 $0x1B7A0  }
0xe7: {  	[tilespmem:s26], [sflag:$0x1] =	stream.indirect.gather [hbm4b:s8+s22], $0x1, s15, s22, $0xb8;
	[tilespmem:$0x1D4A0] =	vst v63  }
0xe8: {  	s25 =	simm.s32 $0x18FA0;
	s26 =	simm.s32 $0x1BBA0  }
0xe9: {  	[tilespmem:s26], [sflag:$0x1] =	stream.indirect.gather [hbm4b:s8+s22], $0x1, s25, s22, $0xb8;
	[tilespmem:$0x1D4A0] =	vst v63  }
0xea: {  	s25 =	simm.s32 $0x193A0;
	s26 =	simm.s32 $0x1BFA0  }
0xeb: {  	[tilespmem:s26], [sflag:$0x1] =	stream.indirect.gather [hbm4b:s8+s22], $0x1, s25, s22, $0xb8;
	[tilespmem:$0x1D4A0] =	vst v63  }
0xec: {  	s26 =	simm.s32 $0x1B820  }
0xed: {  	[tilespmem:s26], [sflag:$0x1] =	stream.indirect.gather [hbm4b:s8+s22], $0x1, s16, s22, $0xb8;
	[tilespmem:$0x1D4A0] =	vst v63  }
0xee: {  	s25 =	simm.s32 $0x19020;
	s26 =	simm.s32 $0x1BC20  }
0xef: {  	[tilespmem:s26], [sflag:$0x1] =	stream.indirect.gather [hbm4b:s8+s22], $0x1, s25, s22, $0xb8;
	[tilespmem:$0x1D4A0] =	vst v63  }
0xf0: {  	s25 =	simm.s32 $0x19420;
	s26 =	simm.s32 $0x1C020  }
0xf1: {  	[tilespmem:s26], [sflag:$0x1] =	stream.indirect.gather [hbm4b:s8+s22], $0x1, s25, s22, $0xb8;
	[tilespmem:$0x1D4A0] =	vst v63  }
0xf2: {  	s26 =	simm.s32 $0x1B8A0  }
0xf3: {  	[tilespmem:s26], [sflag:$0x1] =	stream.indirect.gather [hbm4b:s8+s22], $0x1, s17, s22, $0xb8;
	[tilespmem:$0x1D4A0] =	vst v63  }
0xf4: {  	s25 =	simm.s32 $0x190A0;
	s26 =	simm.s32 $0x1BCA0  }
0xf5: {  	[tilespmem:s26], [sflag:$0x1] =	stream.indirect.gather [hbm4b:s8+s22], $0x1, s25, s22, $0xb8;
	[tilespmem:$0x1D4A0] =	vst v63  }
0xf6: {  	s25 =	simm.s32 $0x194A0;
	s26 =	simm.s32 $0x1C0A0  }
0xf7: {  	[tilespmem:s26], [sflag:$0x1] =	stream.indirect.gather [hbm4b:s8+s22], $0x1, s25, s22, $0xb8;
	[tilespmem:$0x1D4A0] =	vst v63  }
0xf8: {  	s26 =	simm.s32 $0x1B920  }
0xf9: {  	[tilespmem:s26], [sflag:$0x1] =	stream.indirect.gather [hbm4b:s8+s22], $0x1, s18, s22, $0xb8;
	[tilespmem:$0x1D4A0] =	vst v63  }
0xfa: {  	s25 =	simm.s32 $0x19120;
	s26 =	simm.s32 $0x1BD20  }
0xfb: {  	[tilespmem:s26], [sflag:$0x1] =	stream.indirect.gather [hbm4b:s8+s22], $0x1, s25, s22, $0xb8;
	[tilespmem:$0x1D4A0] =	vst v63  }
0xfc: {  	s25 =	simm.s32 $0x19520;
	s26 =	simm.s32 $0x1C120  }
0xfd: {  	[tilespmem:s26], [sflag:$0x1] =	stream.indirect.gather [hbm4b:s8+s22], $0x1, s25, s22, $0xb8;
	[tilespmem:$0x1D4A0] =	vst v63  }
0xfe: {  	s26 =	simm.s32 $0x1B9A0  }
0xff: {  	[tilespmem:s26], [sflag:$0x1] =	stream.indirect.gather [hbm4b:s8+s22], $0x1, s19, s22, $0xb8;
	[tilespmem:$0x1D4A0] =	vst v63  }
0x100: {  	s25 =	simm.s32 $0x191A0;
	s26 =	simm.s32 $0x1BDA0  }
0x101: {  	[tilespmem:s26], [sflag:$0x1] =	stream.indirect.gather [hbm4b:s8+s22], $0x1, s25, s22, $0xb8;
	[tilespmem:$0x1D4A0] =	vst v63  }
0x102: {  	s25 =	simm.s32 $0x195A0;
	s26 =	simm.s32 $0x1C1A0  }
0x103: {  	[tilespmem:s26], [sflag:$0x1] =	stream.indirect.gather [hbm4b:s8+s22], $0x1, s25, s22, $0xb8;
	[tilespmem:$0x1D4A0] =	vst v63  }
0x104: {  	_ = 	snop  }
0x105: {  	[tilespmem:s28], [sflag:$0x1] =	stream.indirect.gather [hbm4b:s8+s22], $0x1, s20, s22, $0xb8;
	[tilespmem:$0x1D4A0] =	vst v63  }
0x106: {  	_ = 	snop  }
0x107: {  	[tilespmem:s30], [sflag:$0x1] =	stream.indirect.gather [hbm4b:s8+s22], $0x1, s29, s22, $0xb8;
	[tilespmem:$0x1D4A0] =	vst v63  }
0x108: {  	_ = 	snop  }
0x109: {  	[tilespmem:s1], [sflag:$0x1] =	stream.indirect.gather [hbm4b:s8+s22], $0x1, s31, s22, $0xb8;
	[tilespmem:$0x1D4A0] =	vst v63  }
0x10a: {  	_ =	swait.ge [sflag:s0], $0x80  }
0x10b: {  	[sflag:s0] =	ssyncset.done $0x0  }
0x10c: {  	[sflag:s0] =	ssyncadd.s32 $0xFFFFFF80  }
0x10d: {  	_ =	swait.ge [sflag:s0], $0x80  }
0x10e: {  	[sflag:s0] =	ssyncset.done $0x0  }
0x10f: {  	[sflag:s0] =	ssyncadd.s32 $0xFFFFFF80  }
0x110: {  	_ =	swait.ge [sflag:s0], $0x80  }
0x111: {  	[sflag:s0] =	ssyncset.done $0x0  }
0x112: {  	[sflag:s0] =	ssyncadd.s32 $0xFFFFFF80  }
0x113: {  	_ =	swait.ge [sflag:s0], $0x80  }
0x114: {  	[sflag:s0] =	ssyncset.done $0x0  }
0x115: {  	[sflag:s0] =	ssyncadd.s32 $0xFFFFFF80  }
0x116: {  	_ =	swait.ge [sflag:s0], $0x80  }
0x117: {  	[sflag:s0] =	ssyncset.done $0x0  }
0x118: {  	[sflag:s0] =	ssyncadd.s32 $0xFFFFFF80  }
0x119: {  	_ =	swait.ge [sflag:s0], $0x80  }
0x11a: {  	[sflag:s0] =	ssyncset.done $0x0  }
0x11b: {  	[sflag:s0] =	ssyncadd.s32 $0xFFFFFF80  }
0x11c: {  	_ =	swait.ge [sflag:s0], $0x80  }
0x11d: {  	[sflag:s0] =	ssyncset.done $0x0  }
0x11e: {  	[sflag:s0] =	ssyncadd.s32 $0xFFFFFF80  }
0x11f: {  	_ =	swait.ge [sflag:s0], $0x80  }
0x120: {  	[sflag:s0] =	ssyncset.done $0x0  }
0x121: {  	[sflag:s0] =	ssyncadd.s32 $0xFFFFFF80  }
0x122: {  	_ =	swait.ge [sflag:s0], $0x80  }
0x123: {  	[sflag:s0] =	ssyncset.done $0x0  }
0x124: {  	[sflag:s0] =	ssyncadd.s32 $0xFFFFFF80  }
0x125: {  	_ =	swait.ge [sflag:s0], $0x80  }
0x126: {  	[sflag:s0] =	ssyncset.done $0x0  }
0x127: {  	[sflag:s0] =	ssyncadd.s32 $0xFFFFFF80  }
0x128: {  	_ =	swait.ge [sflag:s0], $0x80  }
0x129: {  	[sflag:s0] =	ssyncset.done $0x0  }
0x12a: {  	[sflag:s0] =	ssyncadd.s32 $0xFFFFFF80  }
0x12b: {  	_ =	swait.ge [sflag:s0], $0x80  }
0x12c: {  	[sflag:s0] =	ssyncset.done $0x0  }
0x12d: {  	[sflag:s0] =	ssyncadd.s32 $0xFFFFFF80  }
0x12e: {  	_ =	swait.ge [sflag:s0], $0x80  }
0x12f: {  	[sflag:s0] =	ssyncset.done $0x0  }
0x130: {  	[sflag:s0] =	ssyncadd.s32 $0xFFFFFF80  }
0x131: {  	_ =	swait.ge [sflag:s0], $0x80  }
0x132: {  	[sflag:s0] =	ssyncset.done $0x0  }
0x133: {  	[sflag:s0] =	ssyncadd.s32 $0xFFFFFF80  }
0x134: {  	_ =	swait.ge [sflag:s0], $0x80  }
0x135: {  	[sflag:s0] =	ssyncset.done $0x0  }
0x136: {  	[sflag:s0] =	ssyncadd.s32 $0xFFFFFF80  }
0x137: {  	_ =	swait.ge [sflag:s0], $0x80  }
0x138: {  	[sflag:s0] =	ssyncset.done $0x0  }
0x139: {  	[sflag:s0] =	ssyncadd.s32 $0xFFFFFF80  }
0x13a: {  	_ =	swait.ge [sflag:s0], $0x80  }
0x13b: {  	[sflag:s0] =	ssyncset.done $0x0  }
0x13c: {  	[sflag:s0] =	ssyncadd.s32 $0xFFFFFF80  }
0x13d: {  	_ =	swait.ge [sflag:s0], $0x80  }
0x13e: {  	[sflag:s0] =	ssyncset.done $0x0  }
0x13f: {  	[sflag:s0] =	ssyncadd.s32 $0xFFFFFF80  }
0x140: {  	_ =	swait.ge [sflag:s0], $0x80  }
0x141: {  	[sflag:s0] =	ssyncset.done $0x0  }
0x142: {  	[sflag:s0] =	ssyncadd.s32 $0xFFFFFF80  }
0x143: {  	_ =	swait.ge [sflag:s0], $0x80  }
0x144: {  	[sflag:s0] =	ssyncset.done $0x0  }
0x145: {  	[sflag:s0] =	ssyncadd.s32 $0xFFFFFF80  }
0x146: {  	_ =	swait.ge [sflag:s0], $0x80  }
0x147: {  	[sflag:s0] =	ssyncset.done $0x0  }
0x148: {  	[sflag:s0] =	ssyncadd.s32 $0xFFFFFF80  }
0x149: {  	_ =	swait.ge [sflag:s0], $0x80  }
0x14a: {  	[sflag:s0] =	ssyncset.done $0x0  }
0x14b: {  	[sflag:s0] =	ssyncadd.s32 $0xFFFFFF80  }
0x14c: {  	_ =	swait.ge [sflag:s0], $0x80  }
0x14d: {  	[sflag:s0] =	ssyncset.done $0x0  }
0x14e: {  	[sflag:s0] =	ssyncadd.s32 $0xFFFFFF80  }
0x14f: {  	_ =	swait.ge [sflag:s0], $0x80  }
0x150: {  	[sflag:s0] =	ssyncset.done $0x0  }
0x151: {  	[sflag:s0] =	ssyncadd.s32 $0xFFFFFF80  }
.LBB2_4:
0x152: {  	v1 =	vld [tilespmem:s9+$0x0];
	_ =	sdelay $0x2  }
0x153: {  	v2 =	vmov s3  }
0x154: {  	v2 =	vshll.u32 v2, $0x3  }
0x155: {  	v2 =	vor.u32 v0, v2;
	_ =	sdelay $0x2  }
0x156: {  	v3 =	vor.u32 $0x1, v2;
	v1 =	vld.idx.msk [tilespmem:v1+s4+$0x0], $0xffff  }
0x157: {  	v5 =	vld [tilespmem:s10+$0x0]  }
0x158: {  	v4 =	vld.idx.msk [tilespmem:v2+s21+$0x0], $0xffff  }
0x159: {  	v6 =	vld [tilespmem:s23+$0x0];
	v2 =	vor.u32 $0x2, v2  }
0x15a: {  	v7 =	vld [tilespmem:s24+$0x0]  }
0x15b: {  	v3 =	vld.idx.msk [tilespmem:v3+s21+$0x0], $0xffff;
	v8 =	vadd.s32 $0x200, v1  }
0x15c: {  	v9 =	vadd.s32 $0x400, v1  }
0x15d: {  	v10 =	vmul.f32 v5, v4;
	v11 =	vadd.s32 $0x600, v1  }
0x15e: {  	v2 =	vld.idx.msk [tilespmem:v2+s21+$0x0], $0xffff;
	v12 =	vmul.f32 v6, v4;
	v13 =	vadd.s32 $0x800, v1  }
0x15f: {  	v4 =	vmul.f32 v7, v4;
	v58 =	vadd.s32 $0xA00, v1;
	[tilespmem:v1+s12+$0x0] =	vst.idx.add.f32.msk $0xffff, v10  }
0x160: {  	v59 =	vmul.f32 v5, v3;
	v60 =	vadd.s32 $0xC00, v1;
	[tilespmem:v8+s12+$0x0] =	vst.idx.add.f32.msk $0xffff, v12  }
0x161: {  	v61 =	vmul.f32 v6, v3;
	v62 =	vadd.s32 $0xE00, v1;
	[tilespmem:v9+s12+$0x0] =	vst.idx.add.f32.msk $0xffff, v4  }
0x162: {  	p0 =	sne.s32 s3, $0x3F0;
	v3 =	vmul.f32 v7, v3;
	v1 =	vadd.s32 $0x1000, v1;
	[tilespmem:v11+s12+$0x0] =	vst.idx.add.f32.msk $0xffff, v59  }
.Ltmp5:
0x163: {  	v63 =	vmul.f32 v5, v2;
	[tilespmem:v13+s12+$0x0] =	vst.idx.add.f32.msk $0xffff, v61;
	(pc) =	sbr.rel @p0 .LBB2_4-.Ltmp5, $4  }
0x164: {  	[tilespmem:v58+s12+$0x0] =	vst.idx.add.f32.msk $0xffff, v3;
	v3 =	vmul.f32 v6, v2  }
0x165: {  	v2 =	vmul.f32 v7, v2;
	[tilespmem:v60+s12+$0x0] =	vst.idx.add.f32.msk $0xffff, v63  }
0x166: {  	s9 =	sadd.s32 $0x10, s9;
	s10 =	sadd.s32 $0x10, s10;
	[tilespmem:v62+s12+$0x0] =	vst.idx.add.f32.msk $0xffff, v3  }
0x167: {  	s23 =	sadd.s32 $0x10, s23;
	s24 =	sadd.s32 $0x10, s24;
	s3 =	sadd.s32 $0x10, s3;
	[tilespmem:v1+s12+$0x0] =	vst.idx.add.f32.msk $0xffff, v2  }
.Ltmp6:
0x168: {  	_ = 	snop;
	(pc) =	sbr.rel .LBB2_5-.Ltmp6, $1  }
0x169: {  	_ =	sdelay $0x3  }
.LBB2_7:
0x16a: {  	_ =	sfence.sel $0x180000  }
0x16b: {  	[bflag:$0x0] =	sbarrier.arrive $0xFFFF  }
0x16c: {  	_ =	strace $0x90000047  }
0x16d: {  	s0 =	stileid.u32;
	[bflag:$0x2] =	sbarrier.arrive $0xFFFF  }
0x16e: {  	p0 =	sne.s32 s0, $0x0;
	s0 =	rddreg [dreg:$0x3]  }
0x16f: {  	s0 =	sadd.s32 @!p0 $0x100000, s0  }
0x170: {  	[sflag:s0] =	ssyncadd.tile.s32 @!p0 $0x1;
	_ =	shalt  }
.Lfunc_end2:
_tile_overlayer_lowered:
.L_overlay_start_2:
0x171: {  	(tag) =	ssettag $0x2  }
0x172: {  	s0 =	rddreg [dreg:$0x0];
	s2 =	stileid.u32  }
0x173: {  	s1 =	rddreg [dreg:$0x1];
	p0 =	sne.s32 s2, $0x0  }
0x174: {  	s3 =	rddreg [dreg:$0x2];
	[bflag:$0x3] =	sbarrier.arrive $0xFFFF;
	s2 =	simm.s32 @!p0 $0x1C02  }
0x175: {  	[timem:s3], [sflag:s2] =	dma.local @!p0 [hbm:s0], s1  }
0x176: {  	s0 =	simm.s32 @!p0 $0x2  }
0x177: {  	_ =	swait.ge @!p0 [sflag:s0], s1  }
0x178: {  	s1 =	ssub.s32 @!p0 $0x0, s1;
	[sflag:s0] =	ssyncset.done @!p0 $0x0  }
0x179: {  	[sflag:s0] =	ssyncadd.s32 @!p0 s1  }
0x17a: {  	[bflag:$0x3] =	sbarrier.arrive $0xFFFF  }
0x17b: {  	_ =	shalt  }

</sc_bundles>
